<compile_context>
chip_gen: v7x
topology: tpu7x:2x2x1
jax: 0.10.2.dev20260603
libtpu: 0.0.44.dev20260713+nightly
codegen_flags: <defaults>
</compile_context>

<pallas_src>
import functools

import jax
import jax.numpy as jnp
from jax import lax
from jax.experimental import pallas as pl
from jax.experimental.pallas import tpu as pltpu
from jax.experimental.pallas import tpu_sc as plsc

N = 10000
D = 128
G = 64
EPS = 1e-5

NC = 2
NS = 16
NW = NC * NS
K = 128

ACC_ROWS = 10112
ZR = ACC_ROWS // NS

_sc_mesh = plsc.VectorSubcoreMesh(core_axis_name="c", subcore_axis_name="s")


def _deg_body(dst3, ones_rows, zrows, out, dslab, obuf, acc):
    c = lax.axis_index("c")
    s = lax.axis_index("s")
    w = s * NC + c
    ch = dst3.shape[1]
    pltpu.sync_copy(zrows.at[pl.ds(s * ZR, ZR)], acc.at[pl.ds(s * ZR, ZR)])
    pltpu.sync_copy(ones_rows, obuf)
    pltpu.sync_copy(dst3.at[w], dslab)
    plsc.subcore_barrier()

    def body(j, carry):
        pltpu.sync_copy(obuf, acc.at[dslab.at[j]], add=True)
        return carry

    lax.fori_loop(0, ch, body, 0)
    plsc.subcore_barrier()
    pltpu.sync_copy(acc.at[pl.ds(s * ZR, ZR)],
                    out.at[pl.ds(c * ACC_ROWS + s * ZR, ZR)])


def _scatter_body(hp, src3, dst3, zrows, out, sslab, dslab, rows, acc, sem):
    c = lax.axis_index("c")
    s = lax.axis_index("s")
    w = s * NC + c
    ch = src3.shape[1]
    pltpu.sync_copy(zrows.at[pl.ds(s * ZR, ZR)], acc.at[pl.ds(s * ZR, ZR)])
    pltpu.sync_copy(src3.at[w], sslab)
    pltpu.sync_copy(dst3.at[w], dslab)
    plsc.subcore_barrier()

    def body(j, carry):
        pltpu.async_copy(hp.at[sslab.at[j]], rows, sem).wait()
        pltpu.sync_copy(rows, acc.at[dslab.at[j]], add=True)
        return carry

    lax.fori_loop(0, ch, body, 0)
    plsc.subcore_barrier()
    pltpu.sync_copy(acc.at[pl.ds(s * ZR, ZR)],
                    out.at[pl.ds(c * ACC_ROWS + s * ZR, ZR)])


def _sc_degree(dst3, ones_rows, zrows):
    ch = dst3.shape[1]
    f = pl.kernel(
        _deg_body,
        out_type=jax.ShapeDtypeStruct((NC * ACC_ROWS, D), jnp.float32),
        mesh=_sc_mesh,
        scratch_types=[
            pltpu.VMEM((ch, K), jnp.int32),
            pltpu.VMEM((K, D), jnp.float32),
            pltpu.VMEM_SHARED((ACC_ROWS, D), jnp.float32),
        ],
    )
    return f(dst3, ones_rows, zrows)


def _sc_scatter(hp, src3, dst3, zrows):
    ch = src3.shape[1]
    f = pl.kernel(
        _scatter_body,
        out_type=jax.ShapeDtypeStruct((NC * ACC_ROWS, D), jnp.float32),
        mesh=_sc_mesh,
        scratch_types=[
            pltpu.VMEM((ch, K), jnp.int32),
            pltpu.VMEM((ch, K), jnp.int32),
            pltpu.VMEM((K, D), jnp.float32),
            pltpu.VMEM_SHARED((ACC_ROWS, D), jnp.float32),
            pltpu.SemaphoreType.DMA,
        ],
    )
    return f(hp, src3, dst3, zrows)


def _prep_body(x_ref, degp_ref, w_ref, dinv_ref, hp_ref):
    deg = 1.0 + degp_ref[0:N, 0:1] + degp_ref[ACC_ROWS:ACC_ROWS + N, 0:1]
    dinv = lax.rsqrt(deg)
    dinv_ref[...] = dinv
    h = jnp.dot(x_ref[...], w_ref[...], preferred_element_type=jnp.float32)
    hp_ref[...] = dinv * h


def _tc_prep(x, degp, w1):
    return pl.pallas_call(
        _prep_body,
        out_shape=[
            jax.ShapeDtypeStruct((N, 1), jnp.float32),
            jax.ShapeDtypeStruct((N, D), jnp.float32),
        ],
    )(x, degp, w1)


def _mid_body(sp_ref, hp_ref, dinv_ref, b_ref, g_ref, be_ref, w_ref, out_ref):
    dinv = dinv_ref[...]
    y = dinv * (sp_ref[0:N, :] + sp_ref[ACC_ROWS:ACC_ROWS + N, :]
                + hp_ref[...]) + b_ref[...]
    y = jnp.maximum(y, 0.0)
    m = jnp.mean(y, axis=0, keepdims=True)
    yc = y - m
    v = jnp.mean(yc * yc, axis=0, keepdims=True)
    z = yc * lax.rsqrt(v + EPS) * g_ref[...] + be_ref[...]
    out_ref[...] = dinv * jnp.dot(z, w_ref[...],
                                  preferred_element_type=jnp.float32)


def _tc_mid(sp, hp, dinv, b, g, be, w_next):
    return pl.pallas_call(
        _mid_body,
        out_shape=jax.ShapeDtypeStruct((N, D), jnp.float32),
    )(sp, hp, dinv, b, g, be, w_next)


def _final_body(sp_ref, hp_ref, dinv_ref, b_ref, batch_ref, out_ref):
    y = dinv_ref[...] * (sp_ref[0:N, :] + sp_ref[ACC_ROWS:ACC_ROWS + N, :]
                         + hp_ref[...]) + b_ref[...]
    y = jnp.maximum(y, 0.0)
    ids = lax.broadcasted_iota(jnp.int32, (N, G), 1)
    onehot = (batch_ref[...] == ids).astype(jnp.float32)
    out_ref[...] = lax.dot_general(
        onehot, y, (((0,), (0,)), ((), ())),
        preferred_element_type=jnp.float32)


def _tc_final(sp, hp, dinv, b, batch2d):
    return pl.pallas_call(
        _final_body,
        out_shape=jax.ShapeDtypeStruct((G, D), jnp.float32),
    )(sp, hp, dinv, b, batch2d)


def kernel(x, edge_index, batch, W1, b1, W2, b2, W3, b3, W4, b4, W5, b5,
           W6, b6, g1, be1, g2, be2, g3, be3, g4, be4, g5, be5):
    e = edge_index.shape[1]
    ch = -(-e // (NW * K))
    e_pad = NW * K * ch
    src = edge_index[0]
    dst = edge_index[1]
    pad = e_pad - e
    src3 = jnp.concatenate(
        [src, jnp.zeros((pad,), src.dtype)]).reshape(NW, ch, K)
    dst3 = jnp.concatenate(
        [dst, jnp.full((pad,), N, dst.dtype)]).reshape(NW, ch, K)

    ones_rows = jnp.ones((K, D), jnp.float32)
    zrows = jnp.zeros((ACC_ROWS, D), jnp.float32)

    degp = _sc_degree(dst3, ones_rows, zrows)
    dinv, hp = _tc_prep(x, degp, W1)

    ws = (W2, W3, W4, W5, W6)
    bs = (b1, b2, b3, b4, b5)
    gs = (g1, g2, g3, g4, g5)
    bes = (be1, be2, be3, be4, be5)
    for i in range(5):
        sp = _sc_scatter(hp, src3, dst3, zrows)
        hp = _tc_mid(sp, hp, dinv, bs[i], gs[i], bes[i], ws[i])
    sp = _sc_scatter(hp, src3, dst3, zrows)
    return _tc_final(sp, hp, dinv, b6, batch.reshape(N, 1))

# --- scband reference (transcript-rebuilt; emitter-appended) ---
"""Pipeline reference for scband-gcnlayer-49108656063193 (READ-ONLY COPY).

The authoritative reference and input builder live on the scoring server;
editing this copy changes nothing except your own understanding.
"""

import jax, jax.numpy as jnp
import numpy as np

N = 10000
E = 320000
D = 128
G = 64

def gcn_conv(x, edge_index, W, b):
    n = x.shape[0]
    loop = jnp.arange(n, dtype=edge_index.dtype)
    src = jnp.concatenate([edge_index[0], loop])
    dst = jnp.concatenate([edge_index[1], loop])
    deg = jnp.zeros((n,), dtype=x.dtype).at[dst].add(1.0)
    dinv = jax.lax.rsqrt(deg)
    norm = dinv[src] * dinv[dst]
    h = x @ W
    msg = jnp.take(h, src, axis=0) * norm[:, None]
    out = jnp.zeros((n, W.shape[1]), dtype=x.dtype).at[dst].add(msg)
    return out + b

def batch_norm(x, gamma, beta, eps=1e-5):
    mean = jnp.mean(x, axis=0)
    var = jnp.var(x, axis=0)
    return (x - mean) * jax.lax.rsqrt(var + eps) * gamma + beta

def setup_inputs(seed: int = 0):
    key = jax.random.key(seed)
    ks = jax.random.split(key, 16)
    inp = {}
    inp['x'] = jax.random.normal(ks[0], (N, D), dtype=jnp.float32)
    inp['edge_index'] = jax.random.randint(ks[1], (2, E), 0, N, dtype=jnp.int32)
    inp['batch'] = jnp.sort(jax.random.randint(ks[2], (N,), 0, G, dtype=jnp.int32))
    s = 1.0 / np.sqrt(D)
    for i in range(1, 7):
        inp['W%d' % i] = jax.random.normal(ks[2 + i], (D, D), dtype=jnp.float32) * s
        inp['b%d' % i] = jnp.zeros((D,), dtype=jnp.float32)
    for i in range(1, 6):
        inp['g%d' % i] = jnp.ones((D,), dtype=jnp.float32)
        inp['be%d' % i] = jnp.zeros((D,), dtype=jnp.float32)
    return inp

def reference(x, edge_index, batch, W1, b1, W2, b2, W3, b3, W4, b4, W5, b5, W6, b6, g1, be1, g2, be2, g3, be3, g4, be4, g5, be5):
    h = jax.nn.relu(gcn_conv(x, edge_index, W1, b1))
    h = batch_norm(h, g1, be1)
    h = jax.nn.relu(gcn_conv(h, edge_index, W2, b2))
    h = batch_norm(h, g2, be2)
    h = jax.nn.relu(gcn_conv(h, edge_index, W3, b3))
    h = batch_norm(h, g3, be3)
    h = jax.nn.relu(gcn_conv(h, edge_index, W4, b4))
    h = batch_norm(h, g4, be4)
    h = jax.nn.relu(gcn_conv(h, edge_index, W5, b5))
    h = batch_norm(h, g5, be5)
    h = jax.nn.relu(gcn_conv(h, edge_index, W6, b6))
    out = jax.ops.segment_sum(h, batch, num_segments=G)
    return out

if __name__ == "__main__":
    import jax
    _d = setup_inputs()
    print(jax.jit(kernel)(*tuple(_d.values())))

</pallas_src>

<mosaic_0001>
#map = affine_map<(d0, d1) -> (0, 0)>
#map1 = affine_map<(d0, d1) -> (0, 0, 0)>
module attributes {stable_mosaic.version = 14 : i64} {
  func.func @_scatter_body(%arg0: i32, %arg1: i32, %arg2: memref<10000x128xf32, #tpu.memory_space<hbm>>, %arg3: memref<32x79x128xi32, #tpu.memory_space<hbm>>, %arg4: memref<32x79x128xi32, #tpu.memory_space<hbm>>, %arg5: memref<10112x128xf32, #tpu.memory_space<hbm>>, %arg6: memref<20224x128xf32, #tpu.memory_space<hbm>>, %arg7: memref<79x128xi32, #tpu.memory_space<vmem>>, %arg8: memref<79x128xi32, #tpu.memory_space<vmem>>, %arg9: memref<128x128xf32, #tpu.memory_space<vmem>>, %arg10: memref<10112x128xf32, #tpu.memory_space<vmem_shared>>, %arg11: memref<!tpu.dma_semaphore, #tpu.memory_space<semaphore_mem>>) attributes {dimension_semantics = [#tpu.dimension_semantics<core_parallel>, #tpu.dimension_semantics<subcore_parallel>], iteration_bounds = array<i64: 2, 16>, scalar_prefetch = 0 : i64, scratch_operands = 5 : i64, tpu.core_type = #tpu.core_type<sc_vector_subcore>, window_params = [{transform_indices = #map}, {transform_indices = #map1}, {transform_indices = #map1}, {transform_indices = #map}, {transform_indices = #map}]} {
    %mul3A = arith.constant 2 : i32
    %mul3A_0 = arith.muli %arg1, %mul3A : i32
    %add3A = arith.addi %mul3A_0, %arg0 : i32
    %mul3A_1 = arith.constant 632 : i32
    %mul3A_2 = arith.muli %arg1, %mul3A_1 : i32
    %mul3A_3 = arith.constant 632 : i32
    %mul3A_4 = arith.muli %arg1, %mul3A_3 : i32
    "tpu.region"() ({
      %run_scoped3A = tpu.sem_alloc : memref<!tpu.dma_semaphore, #tpu.memory_space<semaphore_mem>>
      %dma_start3A = arith.constant 0 : i32
      %dma_start3A_18 = tpu.memref_slice %arg10[%mul3A_4, %dma_start3A] : memref<10112x128xf32, #tpu.memory_space<vmem_shared>> -> memref<632x128xf32, #tpu.memory_space<vmem_shared>>
      %dma_start3A_19 = arith.constant 0 : i32
      %dma_start3A_20 = tpu.memref_slice %arg5[%mul3A_2, %dma_start3A_19] : memref<10112x128xf32, #tpu.memory_space<hbm>> -> memref<632x128xf32, #tpu.memory_space<hbm>>
      tpu.enqueue_dma source(%dma_start3A_20 : memref<632x128xf32, #tpu.memory_space<hbm>>) target(%dma_start3A_18 : memref<632x128xf32, #tpu.memory_space<vmem_shared>>) target_semaphore(%run_scoped3A : memref<!tpu.dma_semaphore, #tpu.memory_space<semaphore_mem>>)
      %dma_wait3A = arith.constant 0 : i32
      %dma_wait3A_21 = tpu.memref_slice %arg10[%mul3A_4, %dma_wait3A] : memref<10112x128xf32, #tpu.memory_space<vmem_shared>> -> memref<632x128xf32, #tpu.memory_space<vmem_shared>>
      %dma_wait3A_22 = arith.constant 0 : i32
      %dma_wait3A_23 = tpu.memref_slice %arg5[%mul3A_2, %dma_wait3A_22] : memref<10112x128xf32, #tpu.memory_space<hbm>> -> memref<632x128xf32, #tpu.memory_space<hbm>>
      tpu.wait_dma2 semaphore(%run_scoped3A : memref<!tpu.dma_semaphore, #tpu.memory_space<semaphore_mem>>) src(%dma_wait3A_23 : memref<632x128xf32, #tpu.memory_space<hbm>>) dst(%dma_wait3A_21 : memref<632x128xf32, #tpu.memory_space<vmem_shared>>)
      tpu.yield
    }) : () -> ()
    "tpu.region"() ({
      %run_scoped3A = tpu.sem_alloc : memref<!tpu.dma_semaphore, #tpu.memory_space<semaphore_mem>>
      %dma_start3A = arith.constant 0 : i32
      %dma_start3A_18 = arith.constant 0 : i32
      %dma_start3A_19 = tpu.memref_slice %arg3[%add3A, %dma_start3A, %dma_start3A_18] : memref<32x79x128xi32, #tpu.memory_space<hbm>> -> memref<1x79x128xi32, #tpu.memory_space<hbm>>
      %dma_start3A_20 = tpu.memref_squeeze %dma_start3A_19 : memref<1x79x128xi32, #tpu.memory_space<hbm>> -> memref<79x128xi32, #tpu.memory_space<hbm>>
      %dma_start3A_21 = arith.constant 0 : i32
      %dma_start3A_22 = arith.constant 0 : i32
      %dma_start3A_23 = tpu.memref_slice %arg3[%add3A, %dma_start3A_21, %dma_start3A_22] : memref<32x79x128xi32, #tpu.memory_space<hbm>> -> memref<1x79x128xi32, #tpu.memory_space<hbm>>
      %dma_start3A_24 = tpu.memref_squeeze %dma_start3A_23 : memref<1x79x128xi32, #tpu.memory_space<hbm>> -> memref<79x128xi32, #tpu.memory_space<hbm>>
      tpu.enqueue_dma source(%dma_start3A_24 : memref<79x128xi32, #tpu.memory_space<hbm>>) target(%arg7 : memref<79x128xi32, #tpu.memory_space<vmem>>) target_semaphore(%run_scoped3A : memref<!tpu.dma_semaphore, #tpu.memory_space<semaphore_mem>>)
      %dma_wait3A = arith.constant 0 : i32
      %dma_wait3A_25 = arith.constant 0 : i32
      %dma_wait3A_26 = tpu.memref_slice %arg3[%add3A, %dma_wait3A, %dma_wait3A_25] : memref<32x79x128xi32, #tpu.memory_space<hbm>> -> memref<1x79x128xi32, #tpu.memory_space<hbm>>
      %dma_wait3A_27 = tpu.memref_squeeze %dma_wait3A_26 : memref<1x79x128xi32, #tpu.memory_space<hbm>> -> memref<79x128xi32, #tpu.memory_space<hbm>>
      %dma_wait3A_28 = arith.constant 0 : i32
      %dma_wait3A_29 = arith.constant 0 : i32
      %dma_wait3A_30 = tpu.memref_slice %arg3[%add3A, %dma_wait3A_28, %dma_wait3A_29] : memref<32x79x128xi32, #tpu.memory_space<hbm>> -> memref<1x79x128xi32, #tpu.memory_space<hbm>>
      %dma_wait3A_31 = tpu.memref_squeeze %dma_wait3A_30 : memref<1x79x128xi32, #tpu.memory_space<hbm>> -> memref<79x128xi32, #tpu.memory_space<hbm>>
      tpu.wait_dma2 semaphore(%run_scoped3A : memref<!tpu.dma_semaphore, #tpu.memory_space<semaphore_mem>>) src(%dma_wait3A_31 : memref<79x128xi32, #tpu.memory_space<hbm>>) dst(%arg7 : memref<79x128xi32, #tpu.memory_space<vmem>>)
      tpu.yield
    }) : () -> ()
    "tpu.region"() ({
      %run_scoped3A = tpu.sem_alloc : memref<!tpu.dma_semaphore, #tpu.memory_space<semaphore_mem>>
      %dma_start3A = arith.constant 0 : i32
      %dma_start3A_18 = arith.constant 0 : i32
      %dma_start3A_19 = tpu.memref_slice %arg4[%add3A, %dma_start3A, %dma_start3A_18] : memref<32x79x128xi32, #tpu.memory_space<hbm>> -> memref<1x79x128xi32, #tpu.memory_space<hbm>>
      %dma_start3A_20 = tpu.memref_squeeze %dma_start3A_19 : memref<1x79x128xi32, #tpu.memory_space<hbm>> -> memref<79x128xi32, #tpu.memory_space<hbm>>
      %dma_start3A_21 = arith.constant 0 : i32
      %dma_start3A_22 = arith.constant 0 : i32
      %dma_start3A_23 = tpu.memref_slice %arg4[%add3A, %dma_start3A_21, %dma_start3A_22] : memref<32x79x128xi32, #tpu.memory_space<hbm>> -> memref<1x79x128xi32, #tpu.memory_space<hbm>>
      %dma_start3A_24 = tpu.memref_squeeze %dma_start3A_23 : memref<1x79x128xi32, #tpu.memory_space<hbm>> -> memref<79x128xi32, #tpu.memory_space<hbm>>
      tpu.enqueue_dma source(%dma_start3A_24 : memref<79x128xi32, #tpu.memory_space<hbm>>) target(%arg8 : memref<79x128xi32, #tpu.memory_space<vmem>>) target_semaphore(%run_scoped3A : memref<!tpu.dma_semaphore, #tpu.memory_space<semaphore_mem>>)
      %dma_wait3A = arith.constant 0 : i32
      %dma_wait3A_25 = arith.constant 0 : i32
      %dma_wait3A_26 = tpu.memref_slice %arg4[%add3A, %dma_wait3A, %dma_wait3A_25] : memref<32x79x128xi32, #tpu.memory_space<hbm>> -> memref<1x79x128xi32, #tpu.memory_space<hbm>>
      %dma_wait3A_27 = tpu.memref_squeeze %dma_wait3A_26 : memref<1x79x128xi32, #tpu.memory_space<hbm>> -> memref<79x128xi32, #tpu.memory_space<hbm>>
      %dma_wait3A_28 = arith.constant 0 : i32
      %dma_wait3A_29 = arith.constant 0 : i32
      %dma_wait3A_30 = tpu.memref_slice %arg4[%add3A, %dma_wait3A_28, %dma_wait3A_29] : memref<32x79x128xi32, #tpu.memory_space<hbm>> -> memref<1x79x128xi32, #tpu.memory_space<hbm>>
      %dma_wait3A_31 = tpu.memref_squeeze %dma_wait3A_30 : memref<1x79x128xi32, #tpu.memory_space<hbm>> -> memref<79x128xi32, #tpu.memory_space<hbm>>
      tpu.wait_dma2 semaphore(%run_scoped3A : memref<!tpu.dma_semaphore, #tpu.memory_space<semaphore_mem>>) src(%dma_wait3A_31 : memref<79x128xi32, #tpu.memory_space<hbm>>) dst(%arg8 : memref<79x128xi32, #tpu.memory_space<vmem>>)
      tpu.yield
    }) : () -> ()
    %barrier3A = arith.constant 0 : index
    tpu.barrier barrier_id(%barrier3A)
    %scan3A = arith.constant 0 : i32
    %scan3A_5 = arith.constant 0 : i32
    %scan3A_6 = arith.constant 79 : i32
    %scan3A_7 = arith.addi %scan3A_5, %scan3A_6 : i32
    %scan3A_8 = arith.constant 1 : i32
    scf.for %scan3A_18 = %scan3A_5 to %scan3A_7 step %scan3A_8  : i32 {
      %dma_start3A = arith.constant 0 : i32
      %dma_start3A_19 = tpu.memref_slice %arg7[%scan3A_18, %dma_start3A] : memref<79x128xi32, #tpu.memory_space<vmem>> -> memref<1x128xi32, #tpu.memory_space<vmem>>
      %dma_start3A_20 = tpu.memref_squeeze %dma_start3A_19 : memref<1x128xi32, #tpu.memory_space<vmem>> -> memref<128xi32, #tpu.memory_space<vmem>>
      %dma_start3A_21 = arith.constant 0 : i32
      %dma_start3A_22 = arith.constant 0 : i32
      %dma_start3A_23 = tpu.memref_slice %arg2[%dma_start3A_21, %dma_start3A_22] : memref<10000x128xf32, #tpu.memory_space<hbm>> -> memref<10000x128xf32, #tpu.memory_space<hbm>>
      tpu.enqueue_indirect_dma source(%dma_start3A_23 : memref<10000x128xf32, #tpu.memory_space<hbm>>) target(%arg9 : memref<128x128xf32, #tpu.memory_space<vmem>>) offsets(%dma_start3A_20 : memref<128xi32, #tpu.memory_space<vmem>>) semaphore(%arg11 : memref<!tpu.dma_semaphore, #tpu.memory_space<semaphore_mem>>)
      %dma_wait3A = arith.constant 0 : i32
      %dma_wait3A_24 = tpu.memref_slice %arg7[%scan3A_18, %dma_wait3A] : memref<79x128xi32, #tpu.memory_space<vmem>> -> memref<1x128xi32, #tpu.memory_space<vmem>>
      %dma_wait3A_25 = tpu.memref_squeeze %dma_wait3A_24 : memref<1x128xi32, #tpu.memory_space<vmem>> -> memref<128xi32, #tpu.memory_space<vmem>>
      %dma_wait3A_26 = arith.constant 0 : i32
      %dma_wait3A_27 = arith.constant 0 : i32
      %dma_wait3A_28 = tpu.memref_slice %arg2[%dma_wait3A_26, %dma_wait3A_27] : memref<10000x128xf32, #tpu.memory_space<hbm>> -> memref<10000x128xf32, #tpu.memory_space<hbm>>
      tpu.wait_indirect_dma semaphore(%arg11 : memref<!tpu.dma_semaphore, #tpu.memory_space<semaphore_mem>>) src(%dma_wait3A_28 : memref<10000x128xf32, #tpu.memory_space<hbm>>) dst(%arg9 : memref<128x128xf32, #tpu.memory_space<vmem>>)
      "tpu.region"() ({
        %run_scoped3A = tpu.sem_alloc : memref<!tpu.dma_semaphore, #tpu.memory_space<semaphore_mem>>
        %dma_start3A_29 = arith.constant 0 : i32
        %dma_start3A_30 = tpu.memref_slice %arg8[%scan3A_18, %dma_start3A_29] : memref<79x128xi32, #tpu.memory_space<vmem>> -> memref<1x128xi32, #tpu.memory_space<vmem>>
        %dma_start3A_31 = tpu.memref_squeeze %dma_start3A_30 : memref<1x128xi32, #tpu.memory_space<vmem>> -> memref<128xi32, #tpu.memory_space<vmem>>
        %dma_start3A_32 = arith.constant 0 : i32
        %dma_start3A_33 = arith.constant 0 : i32
        %dma_start3A_34 = tpu.memref_slice %arg10[%dma_start3A_32, %dma_start3A_33] : memref<10112x128xf32, #tpu.memory_space<vmem_shared>> -> memref<10112x128xf32, #tpu.memory_space<vmem_shared>>
        tpu.enqueue_indirect_dma source(%arg9 : memref<128x128xf32, #tpu.memory_space<vmem>>) target(%dma_start3A_34 : memref<10112x128xf32, #tpu.memory_space<vmem_shared>>) offsets(%dma_start3A_31 : memref<128xi32, #tpu.memory_space<vmem>>) semaphore(%run_scoped3A : memref<!tpu.dma_semaphore, #tpu.memory_space<semaphore_mem>>) {add = true}
        %dma_wait3A_35 = arith.constant 0 : i32
        %dma_wait3A_36 = tpu.memref_slice %arg8[%scan3A_18, %dma_wait3A_35] : memref<79x128xi32, #tpu.memory_space<vmem>> -> memref<1x128xi32, #tpu.memory_space<vmem>>
        %dma_wait3A_37 = tpu.memref_squeeze %dma_wait3A_36 : memref<1x128xi32, #tpu.memory_space<vmem>> -> memref<128xi32, #tpu.memory_space<vmem>>
        %dma_wait3A_38 = arith.constant 0 : i32
        %dma_wait3A_39 = arith.constant 0 : i32
        %dma_wait3A_40 = tpu.memref_slice %arg10[%dma_wait3A_38, %dma_wait3A_39] : memref<10112x128xf32, #tpu.memory_space<vmem_shared>> -> memref<10112x128xf32, #tpu.memory_space<vmem_shared>>
        tpu.wait_indirect_dma semaphore(%run_scoped3A : memref<!tpu.dma_semaphore, #tpu.memory_space<semaphore_mem>>) src(%arg9 : memref<128x128xf32, #tpu.memory_space<vmem>>) dst(%dma_wait3A_40 : memref<10112x128xf32, #tpu.memory_space<vmem_shared>>)
        tpu.yield
      }) : () -> ()
    }
    %scan3A_9 = arith.constant 79 : i32
    %barrier3A_10 = arith.constant 0 : index
    tpu.barrier barrier_id(%barrier3A_10)
    %mul3A_11 = arith.constant 632 : i32
    %mul3A_12 = arith.muli %arg1, %mul3A_11 : i32
    %mul3A_13 = arith.constant 10112 : i32
    %mul3A_14 = arith.muli %arg0, %mul3A_13 : i32
    %mul3A_15 = arith.constant 632 : i32
    %mul3A_16 = arith.muli %arg1, %mul3A_15 : i32
    %add3A_17 = arith.addi %mul3A_14, %mul3A_16 : i32
    "tpu.region"() ({
      %run_scoped3A = tpu.sem_alloc : memref<!tpu.dma_semaphore, #tpu.memory_space<semaphore_mem>>
      %dma_start3A = arith.constant 0 : i32
      %dma_start3A_18 = tpu.memref_slice %arg6[%add3A_17, %dma_start3A] : memref<20224x128xf32, #tpu.memory_space<hbm>> -> memref<632x128xf32, #tpu.memory_space<hbm>>
      %dma_start3A_19 = arith.constant 0 : i32
      %dma_start3A_20 = tpu.memref_slice %arg10[%mul3A_12, %dma_start3A_19] : memref<10112x128xf32, #tpu.memory_space<vmem_shared>> -> memref<632x128xf32, #tpu.memory_space<vmem_shared>>
      tpu.enqueue_dma source(%dma_start3A_20 : memref<632x128xf32, #tpu.memory_space<vmem_shared>>) target(%dma_start3A_18 : memref<632x128xf32, #tpu.memory_space<hbm>>) target_semaphore(%run_scoped3A : memref<!tpu.dma_semaphore, #tpu.memory_space<semaphore_mem>>)
      %dma_wait3A = arith.constant 0 : i32
      %dma_wait3A_21 = tpu.memref_slice %arg6[%add3A_17, %dma_wait3A] : memref<20224x128xf32, #tpu.memory_space<hbm>> -> memref<632x128xf32, #tpu.memory_space<hbm>>
      %dma_wait3A_22 = arith.constant 0 : i32
      %dma_wait3A_23 = tpu.memref_slice %arg10[%mul3A_12, %dma_wait3A_22] : memref<10112x128xf32, #tpu.memory_space<vmem_shared>> -> memref<632x128xf32, #tpu.memory_space<vmem_shared>>
      tpu.wait_dma2 semaphore(%run_scoped3A : memref<!tpu.dma_semaphore, #tpu.memory_space<semaphore_mem>>) src(%dma_wait3A_23 : memref<632x128xf32, #tpu.memory_space<vmem_shared>>) dst(%dma_wait3A_21 : memref<632x128xf32, #tpu.memory_space<hbm>>)
      tpu.yield
    }) : () -> ()
    return
  }
}

#map = affine_map<(d0, d1) -> (0, 0)>
#map1 = affine_map<(d0, d1) -> (0, 0, 0)>
module attributes {stable_mosaic.version = 14 : i64} {
  func.func @_scatter_body(%arg0: i32, %arg1: i32, %arg2: memref<10000x128xf32, #tpu.memory_space<hbm>>, %arg3: memref<32x79x128xi32, #tpu.memory_space<hbm>>, %arg4: memref<32x79x128xi32, #tpu.memory_space<hbm>>, %arg5: memref<10112x128xf32, #tpu.memory_space<hbm>>, %arg6: memref<20224x128xf32, #tpu.memory_space<hbm>>, %arg7: memref<79x128xi32, #tpu.memory_space<vmem>>, %arg8: memref<79x128xi32, #tpu.memory_space<vmem>>, %arg9: memref<128x128xf32, #tpu.memory_space<vmem>>, %arg10: memref<10112x128xf32, #tpu.memory_space<vmem_shared>>, %arg11: memref<!tpu.dma_semaphore, #tpu.memory_space<semaphore_mem>>) attributes {dimension_semantics = [#tpu.dimension_semantics<core_parallel>, #tpu.dimension_semantics<subcore_parallel>], iteration_bounds = array<i64: 2, 16>, scalar_prefetch = 0 : i64, scratch_operands = 5 : i64, tpu.core_type = #tpu.core_type<sc_vector_subcore>, window_params = [{transform_indices = #map}, {transform_indices = #map1}, {transform_indices = #map1}, {transform_indices = #map}, {transform_indices = #map}]} {
    %mul3A = arith.constant 2 : i32
    %mul3A_0 = arith.muli %arg1, %mul3A : i32
    %add3A = arith.addi %mul3A_0, %arg0 : i32
    %mul3A_1 = arith.constant 632 : i32
    %mul3A_2 = arith.muli %arg1, %mul3A_1 : i32
    %mul3A_3 = arith.constant 632 : i32
    %mul3A_4 = arith.muli %arg1, %mul3A_3 : i32
    "tpu.region"() ({
      %run_scoped3A = tpu.sem_alloc : memref<!tpu.dma_semaphore, #tpu.memory_space<semaphore_mem>>
      %dma_start3A = arith.constant 0 : i32
      %dma_start3A_18 = tpu.memref_slice %arg10[%mul3A_4, %dma_start3A] : memref<10112x128xf32, #tpu.memory_space<vmem_shared>> -> memref<632x128xf32, #tpu.memory_space<vmem_shared>>
      %dma_start3A_19 = arith.constant 0 : i32
      %dma_start3A_20 = tpu.memref_slice %arg5[%mul3A_2, %dma_start3A_19] : memref<10112x128xf32, #tpu.memory_space<hbm>> -> memref<632x128xf32, #tpu.memory_space<hbm>>
      tpu.enqueue_dma source(%dma_start3A_20 : memref<632x128xf32, #tpu.memory_space<hbm>>) target(%dma_start3A_18 : memref<632x128xf32, #tpu.memory_space<vmem_shared>>) target_semaphore(%run_scoped3A : memref<!tpu.dma_semaphore, #tpu.memory_space<semaphore_mem>>)
      %dma_wait3A = arith.constant 0 : i32
      %dma_wait3A_21 = tpu.memref_slice %arg10[%mul3A_4, %dma_wait3A] : memref<10112x128xf32, #tpu.memory_space<vmem_shared>> -> memref<632x128xf32, #tpu.memory_space<vmem_shared>>
      %dma_wait3A_22 = arith.constant 0 : i32
      %dma_wait3A_23 = tpu.memref_slice %arg5[%mul3A_2, %dma_wait3A_22] : memref<10112x128xf32, #tpu.memory_space<hbm>> -> memref<632x128xf32, #tpu.memory_space<hbm>>
      tpu.wait_dma2 semaphore(%run_scoped3A : memref<!tpu.dma_semaphore, #tpu.memory_space<semaphore_mem>>) src(%dma_wait3A_23 : memref<632x128xf32, #tpu.memory_space<hbm>>) dst(%dma_wait3A_21 : memref<632x128xf32, #tpu.memory_space<vmem_shared>>)
      tpu.yield
    }) : () -> ()
    "tpu.region"() ({
      %run_scoped3A = tpu.sem_alloc : memref<!tpu.dma_semaphore, #tpu.memory_space<semaphore_mem>>
      %dma_start3A = arith.constant 0 : i32
      %dma_start3A_18 = arith.constant 0 : i32
      %dma_start3A_19 = tpu.memref_slice %arg3[%add3A, %dma_start3A, %dma_start3A_18] : memref<32x79x128xi32, #tpu.memory_space<hbm>> -> memref<1x79x128xi32, #tpu.memory_space<hbm>>
      %dma_start3A_20 = tpu.memref_squeeze %dma_start3A_19 : memref<1x79x128xi32, #tpu.memory_space<hbm>> -> memref<79x128xi32, #tpu.memory_space<hbm>>
      %dma_start3A_21 = arith.constant 0 : i32
      %dma_start3A_22 = arith.constant 0 : i32
      %dma_start3A_23 = tpu.memref_slice %arg3[%add3A, %dma_start3A_21, %dma_start3A_22] : memref<32x79x128xi32, #tpu.memory_space<hbm>> -> memref<1x79x128xi32, #tpu.memory_space<hbm>>
      %dma_start3A_24 = tpu.memref_squeeze %dma_start3A_23 : memref<1x79x128xi32, #tpu.memory_space<hbm>> -> memref<79x128xi32, #tpu.memory_space<hbm>>
      tpu.enqueue_dma source(%dma_start3A_24 : memref<79x128xi32, #tpu.memory_space<hbm>>) target(%arg7 : memref<79x128xi32, #tpu.memory_space<vmem>>) target_semaphore(%run_scoped3A : memref<!tpu.dma_semaphore, #tpu.memory_space<semaphore_mem>>)
      %dma_wait3A = arith.constant 0 : i32
      %dma_wait3A_25 = arith.constant 0 : i32
      %dma_wait3A_26 = tpu.memref_slice %arg3[%add3A, %dma_wait3A, %dma_wait3A_25] : memref<32x79x128xi32, #tpu.memory_space<hbm>> -> memref<1x79x128xi32, #tpu.memory_space<hbm>>
      %dma_wait3A_27 = tpu.memref_squeeze %dma_wait3A_26 : memref<1x79x128xi32, #tpu.memory_space<hbm>> -> memref<79x128xi32, #tpu.memory_space<hbm>>
      %dma_wait3A_28 = arith.constant 0 : i32
      %dma_wait3A_29 = arith.constant 0 : i32
      %dma_wait3A_30 = tpu.memref_slice %arg3[%add3A, %dma_wait3A_28, %dma_wait3A_29] : memref<32x79x128xi32, #tpu.memory_space<hbm>> -> memref<1x79x128xi32, #tpu.memory_space<hbm>>
      %dma_wait3A_31 = tpu.memref_squeeze %dma_wait3A_30 : memref<1x79x128xi32, #tpu.memory_space<hbm>> -> memref<79x128xi32, #tpu.memory_space<hbm>>
      tpu.wait_dma2 semaphore(%run_scoped3A : memref<!tpu.dma_semaphore, #tpu.memory_space<semaphore_mem>>) src(%dma_wait3A_31 : memref<79x128xi32, #tpu.memory_space<hbm>>) dst(%arg7 : memref<79x128xi32, #tpu.memory_space<vmem>>)
      tpu.yield
    }) : () -> ()
    "tpu.region"() ({
      %run_scoped3A = tpu.sem_alloc : memref<!tpu.dma_semaphore, #tpu.memory_space<semaphore_mem>>
      %dma_start3A = arith.constant 0 : i32
      %dma_start3A_18 = arith.constant 0 : i32
      %dma_start3A_19 = tpu.memref_slice %arg4[%add3A, %dma_start3A, %dma_start3A_18] : memref<32x79x128xi32, #tpu.memory_space<hbm>> -> memref<1x79x128xi32, #tpu.memory_space<hbm>>
      %dma_start3A_20 = tpu.memref_squeeze %dma_start3A_19 : memref<1x79x128xi32, #tpu.memory_space<hbm>> -> memref<79x128xi32, #tpu.memory_space<hbm>>
      %dma_start3A_21 = arith.constant 0 : i32
      %dma_start3A_22 = arith.constant 0 : i32
      %dma_start3A_23 = tpu.memref_slice %arg4[%add3A, %dma_start3A_21, %dma_start3A_22] : memref<32x79x128xi32, #tpu.memory_space<hbm>> -> memref<1x79x128xi32, #tpu.memory_space<hbm>>
      %dma_start3A_24 = tpu.memref_squeeze %dma_start3A_23 : memref<1x79x128xi32, #tpu.memory_space<hbm>> -> memref<79x128xi32, #tpu.memory_space<hbm>>
      tpu.enqueue_dma source(%dma_start3A_24 : memref<79x128xi32, #tpu.memory_space<hbm>>) target(%arg8 : memref<79x128xi32, #tpu.memory_space<vmem>>) target_semaphore(%run_scoped3A : memref<!tpu.dma_semaphore, #tpu.memory_space<semaphore_mem>>)
      %dma_wait3A = arith.constant 0 : i32
      %dma_wait3A_25 = arith.constant 0 : i32
      %dma_wait3A_26 = tpu.memref_slice %arg4[%add3A, %dma_wait3A, %dma_wait3A_25] : memref<32x79x128xi32, #tpu.memory_space<hbm>> -> memref<1x79x128xi32, #tpu.memory_space<hbm>>
      %dma_wait3A_27 = tpu.memref_squeeze %dma_wait3A_26 : memref<1x79x128xi32, #tpu.memory_space<hbm>> -> memref<79x128xi32, #tpu.memory_space<hbm>>
      %dma_wait3A_28 = arith.constant 0 : i32
      %dma_wait3A_29 = arith.constant 0 : i32
      %dma_wait3A_30 = tpu.memref_slice %arg4[%add3A, %dma_wait3A_28, %dma_wait3A_29] : memref<32x79x128xi32, #tpu.memory_space<hbm>> -> memref<1x79x128xi32, #tpu.memory_space<hbm>>
      %dma_wait3A_31 = tpu.memref_squeeze %dma_wait3A_30 : memref<1x79x128xi32, #tpu.memory_space<hbm>> -> memref<79x128xi32, #tpu.memory_space<hbm>>
      tpu.wait_dma2 semaphore(%run_scoped3A : memref<!tpu.dma_semaphore, #tpu.memory_space<semaphore_mem>>) src(%dma_wait3A_31 : memref<79x128xi32, #tpu.memory_space<hbm>>) dst(%arg8 : memref<79x128xi32, #tpu.memory_space<vmem>>)
      tpu.yield
    }) : () -> ()
    %barrier3A = arith.constant 0 : index
    tpu.barrier barrier_id(%barrier3A)
    %scan3A = arith.constant 0 : i32
    %scan3A_5 = arith.constant 0 : i32
    %scan3A_6 = arith.constant 79 : i32
    %scan3A_7 = arith.addi %scan3A_5, %scan3A_6 : i32
    %scan3A_8 = arith.constant 1 : i32
    scf.for %scan3A_18 = %scan3A_5 to %scan3A_7 step %scan3A_8  : i32 {
      %dma_start3A = arith.constant 0 : i32
      %dma_start3A_19 = tpu.memref_slice %arg7[%scan3A_18, %dma_start3A] : memref<79x128xi32, #tpu.memory_space<vmem>> -> memref<1x128xi32, #tpu.memory_space<vmem>>
      %dma_start3A_20 = tpu.memref_squeeze %dma_start3A_19 : memref<1x128xi32, #tpu.memory_space<vmem>> -> memref<128xi32, #tpu.memory_space<vmem>>
      %dma_start3A_21 = arith.constant 0 : i32
      %dma_start3A_22 = arith.constant 0 : i32
      %dma_start3A_23 = tpu.memref_slice %arg2[%dma_start3A_21, %dma_start3A_22] : memref<10000x128xf32, #tpu.memory_space<hbm>> -> memref<10000x128xf32, #tpu.memory_space<hbm>>
      tpu.enqueue_indirect_dma source(%dma_start3A_23 : memref<10000x128xf32, #tpu.memory_space<hbm>>) target(%arg9 : memref<128x128xf32, #tpu.memory_space<vmem>>) offsets(%dma_start3A_20 : memref<128xi32, #tpu.memory_space<vmem>>) semaphore(%arg11 : memref<!tpu.dma_semaphore, #tpu.memory_space<semaphore_mem>>)
      %dma_wait3A = arith.constant 0 : i32
      %dma_wait3A_24 = tpu.memref_slice %arg7[%scan3A_18, %dma_wait3A] : memref<79x128xi32, #tpu.memory_space<vmem>> -> memref<1x128xi32, #tpu.memory_space<vmem>>
      %dma_wait3A_25 = tpu.memref_squeeze %dma_wait3A_24 : memref<1x128xi32, #tpu.memory_space<vmem>> -> memref<128xi32, #tpu.memory_space<vmem>>
      %dma_wait3A_26 = arith.constant 0 : i32
      %dma_wait3A_27 = arith.constant 0 : i32
      %dma_wait3A_28 = tpu.memref_slice %arg2[%dma_wait3A_26, %dma_wait3A_27] : memref<10000x128xf32, #tpu.memory_space<hbm>> -> memref<10000x128xf32, #tpu.memory_space<hbm>>
      tpu.wait_indirect_dma semaphore(%arg11 : memref<!tpu.dma_semaphore, #tpu.memory_space<semaphore_mem>>) src(%dma_wait3A_28 : memref<10000x128xf32, #tpu.memory_space<hbm>>) dst(%arg9 : memref<128x128xf32, #tpu.memory_space<vmem>>)
      "tpu.region"() ({
        %run_scoped3A = tpu.sem_alloc : memref<!tpu.dma_semaphore, #tpu.memory_space<semaphore_mem>>
        %dma_start3A_29 = arith.constant 0 : i32
        %dma_start3A_30 = tpu.memref_slice %arg8[%scan3A_18, %dma_start3A_29] : memref<79x128xi32, #tpu.memory_space<vmem>> -> memref<1x128xi32, #tpu.memory_space<vmem>>
        %dma_start3A_31 = tpu.memref_squeeze %dma_start3A_30 : memref<1x128xi32, #tpu.memory_space<vmem>> -> memref<128xi32, #tpu.memory_space<vmem>>
        %dma_start3A_32 = arith.constant 0 : i32
        %dma_start3A_33 = arith.constant 0 : i32
        %dma_start3A_34 = tpu.memref_slice %arg10[%dma_start3A_32, %dma_start3A_33] : memref<10112x128xf32, #tpu.memory_space<vmem_shared>> -> memref<10112x128xf32, #tpu.memory_space<vmem_shared>>
        tpu.enqueue_indirect_dma source(%arg9 : memref<128x128xf32, #tpu.memory_space<vmem>>) target(%dma_start3A_34 : memref<10112x128xf32, #tpu.memory_space<vmem_shared>>) offsets(%dma_start3A_31 : memref<128xi32, #tpu.memory_space<vmem>>) semaphore(%run_scoped3A : memref<!tpu.dma_semaphore, #tpu.memory_space<semaphore_mem>>) {add = true}
        %dma_wait3A_35 = arith.constant 0 : i32
        %dma_wait3A_36 = tpu.memref_slice %arg8[%scan3A_18, %dma_wait3A_35] : memref<79x128xi32, #tpu.memory_space<vmem>> -> memref<1x128xi32, #tpu.memory_space<vmem>>
        %dma_wait3A_37 = tpu.memref_squeeze %dma_wait3A_36 : memref<1x128xi32, #tpu.memory_space<vmem>> -> memref<128xi32, #tpu.memory_space<vmem>>
        %dma_wait3A_38 = arith.constant 0 : i32
        %dma_wait3A_39 = arith.constant 0 : i32
        %dma_wait3A_40 = tpu.memref_slice %arg10[%dma_wait3A_38, %dma_wait3A_39] : memref<10112x128xf32, #tpu.memory_space<vmem_shared>> -> memref<10112x128xf32, #tpu.memory_space<vmem_shared>>
        tpu.wait_indirect_dma semaphore(%run_scoped3A : memref<!tpu.dma_semaphore, #tpu.memory_space<semaphore_mem>>) src(%arg9 : memref<128x128xf32, #tpu.memory_space<vmem>>) dst(%dma_wait3A_40 : memref<10112x128xf32, #tpu.memory_space<vmem_shared>>)
        tpu.yield
      }) : () -> ()
    }
    %scan3A_9 = arith.constant 79 : i32
    %barrier3A_10 = arith.constant 0 : index
    tpu.barrier barrier_id(%barrier3A_10)
    %mul3A_11 = arith.constant 632 : i32
    %mul3A_12 = arith.muli %arg1, %mul3A_11 : i32
    %mul3A_13 = arith.constant 10112 : i32
    %mul3A_14 = arith.muli %arg0, %mul3A_13 : i32
    %mul3A_15 = arith.constant 632 : i32
    %mul3A_16 = arith.muli %arg1, %mul3A_15 : i32
    %add3A_17 = arith.addi %mul3A_14, %mul3A_16 : i32
    "tpu.region"() ({
      %run_scoped3A = tpu.sem_alloc : memref<!tpu.dma_semaphore, #tpu.memory_space<semaphore_mem>>
      %dma_start3A = arith.constant 0 : i32
      %dma_start3A_18 = tpu.memref_slice %arg6[%add3A_17, %dma_start3A] : memref<20224x128xf32, #tpu.memory_space<hbm>> -> memref<632x128xf32, #tpu.memory_space<hbm>>
      %dma_start3A_19 = arith.constant 0 : i32
      %dma_start3A_20 = tpu.memref_slice %arg10[%mul3A_12, %dma_start3A_19] : memref<10112x128xf32, #tpu.memory_space<vmem_shared>> -> memref<632x128xf32, #tpu.memory_space<vmem_shared>>
      tpu.enqueue_dma source(%dma_start3A_20 : memref<632x128xf32, #tpu.memory_space<vmem_shared>>) target(%dma_start3A_18 : memref<632x128xf32, #tpu.memory_space<hbm>>) target_semaphore(%run_scoped3A : memref<!tpu.dma_semaphore, #tpu.memory_space<semaphore_mem>>)
      %dma_wait3A = arith.constant 0 : i32
      %dma_wait3A_21 = tpu.memref_slice %arg6[%add3A_17, %dma_wait3A] : memref<20224x128xf32, #tpu.memory_space<hbm>> -> memref<632x128xf32, #tpu.memory_space<hbm>>
      %dma_wait3A_22 = arith.constant 0 : i32
      %dma_wait3A_23 = tpu.memref_slice %arg10[%mul3A_12, %dma_wait3A_22] : memref<10112x128xf32, #tpu.memory_space<vmem_shared>> -> memref<632x128xf32, #tpu.memory_space<vmem_shared>>
      tpu.wait_dma2 semaphore(%run_scoped3A : memref<!tpu.dma_semaphore, #tpu.memory_space<semaphore_mem>>) src(%dma_wait3A_23 : memref<632x128xf32, #tpu.memory_space<vmem_shared>>) dst(%dma_wait3A_21 : memref<632x128xf32, #tpu.memory_space<hbm>>)
      tpu.yield
    }) : () -> ()
    return
  }
}

#map = affine_map<(d0, d1) -> (0, 0, 0)>
#map1 = affine_map<(d0, d1) -> (0, 0)>
module attributes {stable_mosaic.version = 14 : i64} {
  func.func @_deg_body(%arg0: i32, %arg1: i32, %arg2: memref<32x79x128xi32, #tpu.memory_space<hbm>>, %arg3: memref<128x128xf32, #tpu.memory_space<hbm>>, %arg4: memref<10112x128xf32, #tpu.memory_space<hbm>>, %arg5: memref<20224x128xf32, #tpu.memory_space<hbm>>, %arg6: memref<79x128xi32, #tpu.memory_space<vmem>>, %arg7: memref<128x128xf32, #tpu.memory_space<vmem>>, %arg8: memref<10112x128xf32, #tpu.memory_space<vmem_shared>>) attributes {dimension_semantics = [#tpu.dimension_semantics<core_parallel>, #tpu.dimension_semantics<subcore_parallel>], iteration_bounds = array<i64: 2, 16>, scalar_prefetch = 0 : i64, scratch_operands = 3 : i64, tpu.core_type = #tpu.core_type<sc_vector_subcore>, window_params = [{transform_indices = #map}, {transform_indices = #map1}, {transform_indices = #map1}, {transform_indices = #map1}]} {
    %mul3A = arith.constant 2 : i32
    %mul3A_0 = arith.muli %arg1, %mul3A : i32
    %add3A = arith.addi %mul3A_0, %arg0 : i32
    %mul3A_1 = arith.constant 632 : i32
    %mul3A_2 = arith.muli %arg1, %mul3A_1 : i32
    %mul3A_3 = arith.constant 632 : i32
    %mul3A_4 = arith.muli %arg1, %mul3A_3 : i32
    "tpu.region"() ({
      %run_scoped3A = tpu.sem_alloc : memref<!tpu.dma_semaphore, #tpu.memory_space<semaphore_mem>>
      %dma_start3A = arith.constant 0 : i32
      %dma_start3A_18 = tpu.memref_slice %arg8[%mul3A_4, %dma_start3A] : memref<10112x128xf32, #tpu.memory_space<vmem_shared>> -> memref<632x128xf32, #tpu.memory_space<vmem_shared>>
      %dma_start3A_19 = arith.constant 0 : i32
      %dma_start3A_20 = tpu.memref_slice %arg4[%mul3A_2, %dma_start3A_19] : memref<10112x128xf32, #tpu.memory_space<hbm>> -> memref<632x128xf32, #tpu.memory_space<hbm>>
      tpu.enqueue_dma source(%dma_start3A_20 : memref<632x128xf32, #tpu.memory_space<hbm>>) target(%dma_start3A_18 : memref<632x128xf32, #tpu.memory_space<vmem_shared>>) target_semaphore(%run_scoped3A : memref<!tpu.dma_semaphore, #tpu.memory_space<semaphore_mem>>)
      %dma_wait3A = arith.constant 0 : i32
      %dma_wait3A_21 = tpu.memref_slice %arg8[%mul3A_4, %dma_wait3A] : memref<10112x128xf32, #tpu.memory_space<vmem_shared>> -> memref<632x128xf32, #tpu.memory_space<vmem_shared>>
      %dma_wait3A_22 = arith.constant 0 : i32
      %dma_wait3A_23 = tpu.memref_slice %arg4[%mul3A_2, %dma_wait3A_22] : memref<10112x128xf32, #tpu.memory_space<hbm>> -> memref<632x128xf32, #tpu.memory_space<hbm>>
      tpu.wait_dma2 semaphore(%run_scoped3A : memref<!tpu.dma_semaphore, #tpu.memory_space<semaphore_mem>>) src(%dma_wait3A_23 : memref<632x128xf32, #tpu.memory_space<hbm>>) dst(%dma_wait3A_21 : memref<632x128xf32, #tpu.memory_space<vmem_shared>>)
      tpu.yield
    }) : () -> ()
    "tpu.region"() ({
      %run_scoped3A = tpu.sem_alloc : memref<!tpu.dma_semaphore, #tpu.memory_space<semaphore_mem>>
      tpu.enqueue_dma source(%arg3 : memref<128x128xf32, #tpu.memory_space<hbm>>) target(%arg7 : memref<128x128xf32, #tpu.memory_space<vmem>>) target_semaphore(%run_scoped3A : memref<!tpu.dma_semaphore, #tpu.memory_space<semaphore_mem>>)
      tpu.wait_dma2 semaphore(%run_scoped3A : memref<!tpu.dma_semaphore, #tpu.memory_space<semaphore_mem>>) src(%arg3 : memref<128x128xf32, #tpu.memory_space<hbm>>) dst(%arg7 : memref<128x128xf32, #tpu.memory_space<vmem>>)
      tpu.yield
    }) : () -> ()
    "tpu.region"() ({
      %run_scoped3A = tpu.sem_alloc : memref<!tpu.dma_semaphore, #tpu.memory_space<semaphore_mem>>
      %dma_start3A = arith.constant 0 : i32
      %dma_start3A_18 = arith.constant 0 : i32
      %dma_start3A_19 = tpu.memref_slice %arg2[%add3A, %dma_start3A, %dma_start3A_18] : memref<32x79x128xi32, #tpu.memory_space<hbm>> -> memref<1x79x128xi32, #tpu.memory_space<hbm>>
      %dma_start3A_20 = tpu.memref_squeeze %dma_start3A_19 : memref<1x79x128xi32, #tpu.memory_space<hbm>> -> memref<79x128xi32, #tpu.memory_space<hbm>>
      %dma_start3A_21 = arith.constant 0 : i32
      %dma_start3A_22 = arith.constant 0 : i32
      %dma_start3A_23 = tpu.memref_slice %arg2[%add3A, %dma_start3A_21, %dma_start3A_22] : memref<32x79x128xi32, #tpu.memory_space<hbm>> -> memref<1x79x128xi32, #tpu.memory_space<hbm>>
      %dma_start3A_24 = tpu.memref_squeeze %dma_start3A_23 : memref<1x79x128xi32, #tpu.memory_space<hbm>> -> memref<79x128xi32, #tpu.memory_space<hbm>>
      tpu.enqueue_dma source(%dma_start3A_24 : memref<79x128xi32, #tpu.memory_space<hbm>>) target(%arg6 : memref<79x128xi32, #tpu.memory_space<vmem>>) target_semaphore(%run_scoped3A : memref<!tpu.dma_semaphore, #tpu.memory_space<semaphore_mem>>)
      %dma_wait3A = arith.constant 0 : i32
      %dma_wait3A_25 = arith.constant 0 : i32
      %dma_wait3A_26 = tpu.memref_slice %arg2[%add3A, %dma_wait3A, %dma_wait3A_25] : memref<32x79x128xi32, #tpu.memory_space<hbm>> -> memref<1x79x128xi32, #tpu.memory_space<hbm>>
      %dma_wait3A_27 = tpu.memref_squeeze %dma_wait3A_26 : memref<1x79x128xi32, #tpu.memory_space<hbm>> -> memref<79x128xi32, #tpu.memory_space<hbm>>
      %dma_wait3A_28 = arith.constant 0 : i32
      %dma_wait3A_29 = arith.constant 0 : i32
      %dma_wait3A_30 = tpu.memref_slice %arg2[%add3A, %dma_wait3A_28, %dma_wait3A_29] : memref<32x79x128xi32, #tpu.memory_space<hbm>> -> memref<1x79x128xi32, #tpu.memory_space<hbm>>
      %dma_wait3A_31 = tpu.memref_squeeze %dma_wait3A_30 : memref<1x79x128xi32, #tpu.memory_space<hbm>> -> memref<79x128xi32, #tpu.memory_space<hbm>>
      tpu.wait_dma2 semaphore(%run_scoped3A : memref<!tpu.dma_semaphore, #tpu.memory_space<semaphore_mem>>) src(%dma_wait3A_31 : memref<79x128xi32, #tpu.memory_space<hbm>>) dst(%arg6 : memref<79x128xi32, #tpu.memory_space<vmem>>)
      tpu.yield
    }) : () -> ()
    %barrier3A = arith.constant 0 : index
    tpu.barrier barrier_id(%barrier3A)
    %scan3A = arith.constant 0 : i32
    %scan3A_5 = arith.constant 0 : i32
    %scan3A_6 = arith.constant 79 : i32
    %scan3A_7 = arith.addi %scan3A_5, %scan3A_6 : i32
    %scan3A_8 = arith.constant 1 : i32
    scf.for %scan3A_18 = %scan3A_5 to %scan3A_7 step %scan3A_8  : i32 {
      "tpu.region"() ({
        %run_scoped3A = tpu.sem_alloc : memref<!tpu.dma_semaphore, #tpu.memory_space<semaphore_mem>>
        %dma_start3A = arith.constant 0 : i32
        %dma_start3A_19 = tpu.memref_slice %arg6[%scan3A_18, %dma_start3A] : memref<79x128xi32, #tpu.memory_space<vmem>> -> memref<1x128xi32, #tpu.memory_space<vmem>>
        %dma_start3A_20 = tpu.memref_squeeze %dma_start3A_19 : memref<1x128xi32, #tpu.memory_space<vmem>> -> memref<128xi32, #tpu.memory_space<vmem>>
        %dma_start3A_21 = arith.constant 0 : i32
        %dma_start3A_22 = arith.constant 0 : i32
        %dma_start3A_23 = tpu.memref_slice %arg8[%dma_start3A_21, %dma_start3A_22] : memref<10112x128xf32, #tpu.memory_space<vmem_shared>> -> memref<10112x128xf32, #tpu.memory_space<vmem_shared>>
        tpu.enqueue_indirect_dma source(%arg7 : memref<128x128xf32, #tpu.memory_space<vmem>>) target(%dma_start3A_23 : memref<10112x128xf32, #tpu.memory_space<vmem_shared>>) offsets(%dma_start3A_20 : memref<128xi32, #tpu.memory_space<vmem>>) semaphore(%run_scoped3A : memref<!tpu.dma_semaphore, #tpu.memory_space<semaphore_mem>>) {add = true}
        %dma_wait3A = arith.constant 0 : i32
        %dma_wait3A_24 = tpu.memref_slice %arg6[%scan3A_18, %dma_wait3A] : memref<79x128xi32, #tpu.memory_space<vmem>> -> memref<1x128xi32, #tpu.memory_space<vmem>>
        %dma_wait3A_25 = tpu.memref_squeeze %dma_wait3A_24 : memref<1x128xi32, #tpu.memory_space<vmem>> -> memref<128xi32, #tpu.memory_space<vmem>>
        %dma_wait3A_26 = arith.constant 0 : i32
        %dma_wait3A_27 = arith.constant 0 : i32
        %dma_wait3A_28 = tpu.memref_slice %arg8[%dma_wait3A_26, %dma_wait3A_27] : memref<10112x128xf32, #tpu.memory_space<vmem_shared>> -> memref<10112x128xf32, #tpu.memory_space<vmem_shared>>
        tpu.wait_indirect_dma semaphore(%run_scoped3A : memref<!tpu.dma_semaphore, #tpu.memory_space<semaphore_mem>>) src(%arg7 : memref<128x128xf32, #tpu.memory_space<vmem>>) dst(%dma_wait3A_28 : memref<10112x128xf32, #tpu.memory_space<vmem_shared>>)
        tpu.yield
      }) : () -> ()
    }
    %scan3A_9 = arith.constant 79 : i32
    %barrier3A_10 = arith.constant 0 : index
    tpu.barrier barrier_id(%barrier3A_10)
    %mul3A_11 = arith.constant 632 : i32
    %mul3A_12 = arith.muli %arg1, %mul3A_11 : i32
    %mul3A_13 = arith.constant 10112 : i32
    %mul3A_14 = arith.muli %arg0, %mul3A_13 : i32
    %mul3A_15 = arith.constant 632 : i32
    %mul3A_16 = arith.muli %arg1, %mul3A_15 : i32
    %add3A_17 = arith.addi %mul3A_14, %mul3A_16 : i32
    "tpu.region"() ({
      %run_scoped3A = tpu.sem_alloc : memref<!tpu.dma_semaphore, #tpu.memory_space<semaphore_mem>>
      %dma_start3A = arith.constant 0 : i32
      %dma_start3A_18 = tpu.memref_slice %arg5[%add3A_17, %dma_start3A] : memref<20224x128xf32, #tpu.memory_space<hbm>> -> memref<632x128xf32, #tpu.memory_space<hbm>>
      %dma_start3A_19 = arith.constant 0 : i32
      %dma_start3A_20 = tpu.memref_slice %arg8[%mul3A_12, %dma_start3A_19] : memref<10112x128xf32, #tpu.memory_space<vmem_shared>> -> memref<632x128xf32, #tpu.memory_space<vmem_shared>>
      tpu.enqueue_dma source(%dma_start3A_20 : memref<632x128xf32, #tpu.memory_space<vmem_shared>>) target(%dma_start3A_18 : memref<632x128xf32, #tpu.memory_space<hbm>>) target_semaphore(%run_scoped3A : memref<!tpu.dma_semaphore, #tpu.memory_space<semaphore_mem>>)
      %dma_wait3A = arith.constant 0 : i32
      %dma_wait3A_21 = tpu.memref_slice %arg5[%add3A_17, %dma_wait3A] : memref<20224x128xf32, #tpu.memory_space<hbm>> -> memref<632x128xf32, #tpu.memory_space<hbm>>
      %dma_wait3A_22 = arith.constant 0 : i32
      %dma_wait3A_23 = tpu.memref_slice %arg8[%mul3A_12, %dma_wait3A_22] : memref<10112x128xf32, #tpu.memory_space<vmem_shared>> -> memref<632x128xf32, #tpu.memory_space<vmem_shared>>
      tpu.wait_dma2 semaphore(%run_scoped3A : memref<!tpu.dma_semaphore, #tpu.memory_space<semaphore_mem>>) src(%dma_wait3A_23 : memref<632x128xf32, #tpu.memory_space<vmem_shared>>) dst(%dma_wait3A_21 : memref<632x128xf32, #tpu.memory_space<hbm>>)
      tpu.yield
    }) : () -> ()
    return
  }
}

#map = affine_map<(d0, d1) -> (0, 0)>
#map1 = affine_map<(d0, d1) -> (0, 0, 0)>
module attributes {stable_mosaic.version = 14 : i64} {
  func.func @_scatter_body(%arg0: i32, %arg1: i32, %arg2: memref<10000x128xf32, #tpu.memory_space<hbm>>, %arg3: memref<32x79x128xi32, #tpu.memory_space<hbm>>, %arg4: memref<32x79x128xi32, #tpu.memory_space<hbm>>, %arg5: memref<10112x128xf32, #tpu.memory_space<hbm>>, %arg6: memref<20224x128xf32, #tpu.memory_space<hbm>>, %arg7: memref<79x128xi32, #tpu.memory_space<vmem>>, %arg8: memref<79x128xi32, #tpu.memory_space<vmem>>, %arg9: memref<128x128xf32, #tpu.memory_space<vmem>>, %arg10: memref<10112x128xf32, #tpu.memory_space<vmem_shared>>, %arg11: memref<!tpu.dma_semaphore, #tpu.memory_space<semaphore_mem>>) attributes {dimension_semantics = [#tpu.dimension_semantics<core_parallel>, #tpu.dimension_semantics<subcore_parallel>], iteration_bounds = array<i64: 2, 16>, scalar_prefetch = 0 : i64, scratch_operands = 5 : i64, tpu.core_type = #tpu.core_type<sc_vector_subcore>, window_params = [{transform_indices = #map}, {transform_indices = #map1}, {transform_indices = #map1}, {transform_indices = #map}, {transform_indices = #map}]} {
    %mul3A = arith.constant 2 : i32
    %mul3A_0 = arith.muli %arg1, %mul3A : i32
    %add3A = arith.addi %mul3A_0, %arg0 : i32
    %mul3A_1 = arith.constant 632 : i32
    %mul3A_2 = arith.muli %arg1, %mul3A_1 : i32
    %mul3A_3 = arith.constant 632 : i32
    %mul3A_4 = arith.muli %arg1, %mul3A_3 : i32
    "tpu.region"() ({
      %run_scoped3A = tpu.sem_alloc : memref<!tpu.dma_semaphore, #tpu.memory_space<semaphore_mem>>
      %dma_start3A = arith.constant 0 : i32
      %dma_start3A_18 = tpu.memref_slice %arg10[%mul3A_4, %dma_start3A] : memref<10112x128xf32, #tpu.memory_space<vmem_shared>> -> memref<632x128xf32, #tpu.memory_space<vmem_shared>>
      %dma_start3A_19 = arith.constant 0 : i32
      %dma_start3A_20 = tpu.memref_slice %arg5[%mul3A_2, %dma_start3A_19] : memref<10112x128xf32, #tpu.memory_space<hbm>> -> memref<632x128xf32, #tpu.memory_space<hbm>>
      tpu.enqueue_dma source(%dma_start3A_20 : memref<632x128xf32, #tpu.memory_space<hbm>>) target(%dma_start3A_18 : memref<632x128xf32, #tpu.memory_space<vmem_shared>>) target_semaphore(%run_scoped3A : memref<!tpu.dma_semaphore, #tpu.memory_space<semaphore_mem>>)
      %dma_wait3A = arith.constant 0 : i32
      %dma_wait3A_21 = tpu.memref_slice %arg10[%mul3A_4, %dma_wait3A] : memref<10112x128xf32, #tpu.memory_space<vmem_shared>> -> memref<632x128xf32, #tpu.memory_space<vmem_shared>>
      %dma_wait3A_22 = arith.constant 0 : i32
      %dma_wait3A_23 = tpu.memref_slice %arg5[%mul3A_2, %dma_wait3A_22] : memref<10112x128xf32, #tpu.memory_space<hbm>> -> memref<632x128xf32, #tpu.memory_space<hbm>>
      tpu.wait_dma2 semaphore(%run_scoped3A : memref<!tpu.dma_semaphore, #tpu.memory_space<semaphore_mem>>) src(%dma_wait3A_23 : memref<632x128xf32, #tpu.memory_space<hbm>>) dst(%dma_wait3A_21 : memref<632x128xf32, #tpu.memory_space<vmem_shared>>)
      tpu.yield
    }) : () -> ()
    "tpu.region"() ({
      %run_scoped3A = tpu.sem_alloc : memref<!tpu.dma_semaphore, #tpu.memory_space<semaphore_mem>>
      %dma_start3A = arith.constant 0 : i32
      %dma_start3A_18 = arith.constant 0 : i32
      %dma_start3A_19 = tpu.memref_slice %arg3[%add3A, %dma_start3A, %dma_start3A_18] : memref<32x79x128xi32, #tpu.memory_space<hbm>> -> memref<1x79x128xi32, #tpu.memory_space<hbm>>
      %dma_start3A_20 = tpu.memref_squeeze %dma_start3A_19 : memref<1x79x128xi32, #tpu.memory_space<hbm>> -> memref<79x128xi32, #tpu.memory_space<hbm>>
      %dma_start3A_21 = arith.constant 0 : i32
      %dma_start3A_22 = arith.constant 0 : i32
      %dma_start3A_23 = tpu.memref_slice %arg3[%add3A, %dma_start3A_21, %dma_start3A_22] : memref<32x79x128xi32, #tpu.memory_space<hbm>> -> memref<1x79x128xi32, #tpu.memory_space<hbm>>
      %dma_start3A_24 = tpu.memref_squeeze %dma_start3A_23 : memref<1x79x128xi32, #tpu.memory_space<hbm>> -> memref<79x128xi32, #tpu.memory_space<hbm>>
      tpu.enqueue_dma source(%dma_start3A_24 : memref<79x128xi32, #tpu.memory_space<hbm>>) target(%arg7 : memref<79x128xi32, #tpu.memory_space<vmem>>) target_semaphore(%run_scoped3A : memref<!tpu.dma_semaphore, #tpu.memory_space<semaphore_mem>>)
      %dma_wait3A = arith.constant 0 : i32
      %dma_wait3A_25 = arith.constant 0 : i32
      %dma_wait3A_26 = tpu.memref_slice %arg3[%add3A, %dma_wait3A, %dma_wait3A_25] : memref<32x79x128xi32, #tpu.memory_space<hbm>> -> memref<1x79x128xi32, #tpu.memory_space<hbm>>
      %dma_wait3A_27 = tpu.memref_squeeze %dma_wait3A_26 : memref<1x79x128xi32, #tpu.memory_space<hbm>> -> memref<79x128xi32, #tpu.memory_space<hbm>>
      %dma_wait3A_28 = arith.constant 0 : i32
      %dma_wait3A_29 = arith.constant 0 : i32
      %dma_wait3A_30 = tpu.memref_slice %arg3[%add3A, %dma_wait3A_28, %dma_wait3A_29] : memref<32x79x128xi32, #tpu.memory_space<hbm>> -> memref<1x79x128xi32, #tpu.memory_space<hbm>>
      %dma_wait3A_31 = tpu.memref_squeeze %dma_wait3A_30 : memref<1x79x128xi32, #tpu.memory_space<hbm>> -> memref<79x128xi32, #tpu.memory_space<hbm>>
      tpu.wait_dma2 semaphore(%run_scoped3A : memref<!tpu.dma_semaphore, #tpu.memory_space<semaphore_mem>>) src(%dma_wait3A_31 : memref<79x128xi32, #tpu.memory_space<hbm>>) dst(%arg7 : memref<79x128xi32, #tpu.memory_space<vmem>>)
      tpu.yield
    }) : () -> ()
    "tpu.region"() ({
      %run_scoped3A = tpu.sem_alloc : memref<!tpu.dma_semaphore, #tpu.memory_space<semaphore_mem>>
      %dma_start3A = arith.constant 0 : i32
      %dma_start3A_18 = arith.constant 0 : i32
      %dma_start3A_19 = tpu.memref_slice %arg4[%add3A, %dma_start3A, %dma_start3A_18] : memref<32x79x128xi32, #tpu.memory_space<hbm>> -> memref<1x79x128xi32, #tpu.memory_space<hbm>>
      %dma_start3A_20 = tpu.memref_squeeze %dma_start3A_19 : memref<1x79x128xi32, #tpu.memory_space<hbm>> -> memref<79x128xi32, #tpu.memory_space<hbm>>
      %dma_start3A_21 = arith.constant 0 : i32
      %dma_start3A_22 = arith.constant 0 : i32
      %dma_start3A_23 = tpu.memref_slice %arg4[%add3A, %dma_start3A_21, %dma_start3A_22] : memref<32x79x128xi32, #tpu.memory_space<hbm>> -> memref<1x79x128xi32, #tpu.memory_space<hbm>>
      %dma_start3A_24 = tpu.memref_squeeze %dma_start3A_23 : memref<1x79x128xi32, #tpu.memory_space<hbm>> -> memref<79x128xi32, #tpu.memory_space<hbm>>
      tpu.enqueue_dma source(%dma_start3A_24 : memref<79x128xi32, #tpu.memory_space<hbm>>) target(%arg8 : memref<79x128xi32, #tpu.memory_space<vmem>>) target_semaphore(%run_scoped3A : memref<!tpu.dma_semaphore, #tpu.memory_space<semaphore_mem>>)
      %dma_wait3A = arith.constant 0 : i32
      %dma_wait3A_25 = arith.constant 0 : i32
      %dma_wait3A_26 = tpu.memref_slice %arg4[%add3A, %dma_wait3A, %dma_wait3A_25] : memref<32x79x128xi32, #tpu.memory_space<hbm>> -> memref<1x79x128xi32, #tpu.memory_space<hbm>>
      %dma_wait3A_27 = tpu.memref_squeeze %dma_wait3A_26 : memref<1x79x128xi32, #tpu.memory_space<hbm>> -> memref<79x128xi32, #tpu.memory_space<hbm>>
      %dma_wait3A_28 = arith.constant 0 : i32
      %dma_wait3A_29 = arith.constant 0 : i32
      %dma_wait3A_30 = tpu.memref_slice %arg4[%add3A, %dma_wait3A_28, %dma_wait3A_29] : memref<32x79x128xi32, #tpu.memory_space<hbm>> -> memref<1x79x128xi32, #tpu.memory_space<hbm>>
      %dma_wait3A_31 = tpu.memref_squeeze %dma_wait3A_30 : memref<1x79x128xi32, #tpu.memory_space<hbm>> -> memref<79x128xi32, #tpu.memory_space<hbm>>
      tpu.wait_dma2 semaphore(%run_scoped3A : memref<!tpu.dma_semaphore, #tpu.memory_space<semaphore_mem>>) src(%dma_wait3A_31 : memref<79x128xi32, #tpu.memory_space<hbm>>) dst(%arg8 : memref<79x128xi32, #tpu.memory_space<vmem>>)
      tpu.yield
    }) : () -> ()
    %barrier3A = arith.constant 0 : index
    tpu.barrier barrier_id(%barrier3A)
    %scan3A = arith.constant 0 : i32
    %scan3A_5 = arith.constant 0 : i32
    %scan3A_6 = arith.constant 79 : i32
    %scan3A_7 = arith.addi %scan3A_5, %scan3A_6 : i32
    %scan3A_8 = arith.constant 1 : i32
    scf.for %scan3A_18 = %scan3A_5 to %scan3A_7 step %scan3A_8  : i32 {
      %dma_start3A = arith.constant 0 : i32
      %dma_start3A_19 = tpu.memref_slice %arg7[%scan3A_18, %dma_start3A] : memref<79x128xi32, #tpu.memory_space<vmem>> -> memref<1x128xi32, #tpu.memory_space<vmem>>
      %dma_start3A_20 = tpu.memref_squeeze %dma_start3A_19 : memref<1x128xi32, #tpu.memory_space<vmem>> -> memref<128xi32, #tpu.memory_space<vmem>>
      %dma_start3A_21 = arith.constant 0 : i32
      %dma_start3A_22 = arith.constant 0 : i32
      %dma_start3A_23 = tpu.memref_slice %arg2[%dma_start3A_21, %dma_start3A_22] : memref<10000x128xf32, #tpu.memory_space<hbm>> -> memref<10000x128xf32, #tpu.memory_space<hbm>>
      tpu.enqueue_indirect_dma source(%dma_start3A_23 : memref<10000x128xf32, #tpu.memory_space<hbm>>) target(%arg9 : memref<128x128xf32, #tpu.memory_space<vmem>>) offsets(%dma_start3A_20 : memref<128xi32, #tpu.memory_space<vmem>>) semaphore(%arg11 : memref<!tpu.dma_semaphore, #tpu.memory_space<semaphore_mem>>)
      %dma_wait3A = arith.constant 0 : i32
      %dma_wait3A_24 = tpu.memref_slice %arg7[%scan3A_18, %dma_wait3A] : memref<79x128xi32, #tpu.memory_space<vmem>> -> memref<1x128xi32, #tpu.memory_space<vmem>>
      %dma_wait3A_25 = tpu.memref_squeeze %dma_wait3A_24 : memref<1x128xi32, #tpu.memory_space<vmem>> -> memref<128xi32, #tpu.memory_space<vmem>>
      %dma_wait3A_26 = arith.constant 0 : i32
      %dma_wait3A_27 = arith.constant 0 : i32
      %dma_wait3A_28 = tpu.memref_slice %arg2[%dma_wait3A_26, %dma_wait3A_27] : memref<10000x128xf32, #tpu.memory_space<hbm>> -> memref<10000x128xf32, #tpu.memory_space<hbm>>
      tpu.wait_indirect_dma semaphore(%arg11 : memref<!tpu.dma_semaphore, #tpu.memory_space<semaphore_mem>>) src(%dma_wait3A_28 : memref<10000x128xf32, #tpu.memory_space<hbm>>) dst(%arg9 : memref<128x128xf32, #tpu.memory_space<vmem>>)
      "tpu.region"() ({
        %run_scoped3A = tpu.sem_alloc : memref<!tpu.dma_semaphore, #tpu.memory_space<semaphore_mem>>
        %dma_start3A_29 = arith.constant 0 : i32
        %dma_start3A_30 = tpu.memref_slice %arg8[%scan3A_18, %dma_start3A_29] : memref<79x128xi32, #tpu.memory_space<vmem>> -> memref<1x128xi32, #tpu.memory_space<vmem>>
        %dma_start3A_31 = tpu.memref_squeeze %dma_start3A_30 : memref<1x128xi32, #tpu.memory_space<vmem>> -> memref<128xi32, #tpu.memory_space<vmem>>
        %dma_start3A_32 = arith.constant 0 : i32
        %dma_start3A_33 = arith.constant 0 : i32
        %dma_start3A_34 = tpu.memref_slice %arg10[%dma_start3A_32, %dma_start3A_33] : memref<10112x128xf32, #tpu.memory_space<vmem_shared>> -> memref<10112x128xf32, #tpu.memory_space<vmem_shared>>
        tpu.enqueue_indirect_dma source(%arg9 : memref<128x128xf32, #tpu.memory_space<vmem>>) target(%dma_start3A_34 : memref<10112x128xf32, #tpu.memory_space<vmem_shared>>) offsets(%dma_start3A_31 : memref<128xi32, #tpu.memory_space<vmem>>) semaphore(%run_scoped3A : memref<!tpu.dma_semaphore, #tpu.memory_space<semaphore_mem>>) {add = true}
        %dma_wait3A_35 = arith.constant 0 : i32
        %dma_wait3A_36 = tpu.memref_slice %arg8[%scan3A_18, %dma_wait3A_35] : memref<79x128xi32, #tpu.memory_space<vmem>> -> memref<1x128xi32, #tpu.memory_space<vmem>>
        %dma_wait3A_37 = tpu.memref_squeeze %dma_wait3A_36 : memref<1x128xi32, #tpu.memory_space<vmem>> -> memref<128xi32, #tpu.memory_space<vmem>>
        %dma_wait3A_38 = arith.constant 0 : i32
        %dma_wait3A_39 = arith.constant 0 : i32
        %dma_wait3A_40 = tpu.memref_slice %arg10[%dma_wait3A_38, %dma_wait3A_39] : memref<10112x128xf32, #tpu.memory_space<vmem_shared>> -> memref<10112x128xf32, #tpu.memory_space<vmem_shared>>
        tpu.wait_indirect_dma semaphore(%run_scoped3A : memref<!tpu.dma_semaphore, #tpu.memory_space<semaphore_mem>>) src(%arg9 : memref<128x128xf32, #tpu.memory_space<vmem>>) dst(%dma_wait3A_40 : memref<10112x128xf32, #tpu.memory_space<vmem_shared>>)
        tpu.yield
      }) : () -> ()
    }
    %scan3A_9 = arith.constant 79 : i32
    %barrier3A_10 = arith.constant 0 : index
    tpu.barrier barrier_id(%barrier3A_10)
    %mul3A_11 = arith.constant 632 : i32
    %mul3A_12 = arith.muli %arg1, %mul3A_11 : i32
    %mul3A_13 = arith.constant 10112 : i32
    %mul3A_14 = arith.muli %arg0, %mul3A_13 : i32
    %mul3A_15 = arith.constant 632 : i32
    %mul3A_16 = arith.muli %arg1, %mul3A_15 : i32
    %add3A_17 = arith.addi %mul3A_14, %mul3A_16 : i32
    "tpu.region"() ({
      %run_scoped3A = tpu.sem_alloc : memref<!tpu.dma_semaphore, #tpu.memory_space<semaphore_mem>>
      %dma_start3A = arith.constant 0 : i32
      %dma_start3A_18 = tpu.memref_slice %arg6[%add3A_17, %dma_start3A] : memref<20224x128xf32, #tpu.memory_space<hbm>> -> memref<632x128xf32, #tpu.memory_space<hbm>>
      %dma_start3A_19 = arith.constant 0 : i32
      %dma_start3A_20 = tpu.memref_slice %arg10[%mul3A_12, %dma_start3A_19] : memref<10112x128xf32, #tpu.memory_space<vmem_shared>> -> memref<632x128xf32, #tpu.memory_space<vmem_shared>>
      tpu.enqueue_dma source(%dma_start3A_20 : memref<632x128xf32, #tpu.memory_space<vmem_shared>>) target(%dma_start3A_18 : memref<632x128xf32, #tpu.memory_space<hbm>>) target_semaphore(%run_scoped3A : memref<!tpu.dma_semaphore, #tpu.memory_space<semaphore_mem>>)
      %dma_wait3A = arith.constant 0 : i32
      %dma_wait3A_21 = tpu.memref_slice %arg6[%add3A_17, %dma_wait3A] : memref<20224x128xf32, #tpu.memory_space<hbm>> -> memref<632x128xf32, #tpu.memory_space<hbm>>
      %dma_wait3A_22 = arith.constant 0 : i32
      %dma_wait3A_23 = tpu.memref_slice %arg10[%mul3A_12, %dma_wait3A_22] : memref<10112x128xf32, #tpu.memory_space<vmem_shared>> -> memref<632x128xf32, #tpu.memory_space<vmem_shared>>
      tpu.wait_dma2 semaphore(%run_scoped3A : memref<!tpu.dma_semaphore, #tpu.memory_space<semaphore_mem>>) src(%dma_wait3A_23 : memref<632x128xf32, #tpu.memory_space<vmem_shared>>) dst(%dma_wait3A_21 : memref<632x128xf32, #tpu.memory_space<hbm>>)
      tpu.yield
    }) : () -> ()
    return
  }
}

#map = affine_map<(d0, d1) -> (0, 0)>
#map1 = affine_map<(d0, d1) -> (0, 0, 0)>
module attributes {stable_mosaic.version = 14 : i64} {
  func.func @_scatter_body(%arg0: i32, %arg1: i32, %arg2: memref<10000x128xf32, #tpu.memory_space<hbm>>, %arg3: memref<32x79x128xi32, #tpu.memory_space<hbm>>, %arg4: memref<32x79x128xi32, #tpu.memory_space<hbm>>, %arg5: memref<10112x128xf32, #tpu.memory_space<hbm>>, %arg6: memref<20224x128xf32, #tpu.memory_space<hbm>>, %arg7: memref<79x128xi32, #tpu.memory_space<vmem>>, %arg8: memref<79x128xi32, #tpu.memory_space<vmem>>, %arg9: memref<128x128xf32, #tpu.memory_space<vmem>>, %arg10: memref<10112x128xf32, #tpu.memory_space<vmem_shared>>, %arg11: memref<!tpu.dma_semaphore, #tpu.memory_space<semaphore_mem>>) attributes {dimension_semantics = [#tpu.dimension_semantics<core_parallel>, #tpu.dimension_semantics<subcore_parallel>], iteration_bounds = array<i64: 2, 16>, scalar_prefetch = 0 : i64, scratch_operands = 5 : i64, tpu.core_type = #tpu.core_type<sc_vector_subcore>, window_params = [{transform_indices = #map}, {transform_indices = #map1}, {transform_indices = #map1}, {transform_indices = #map}, {transform_indices = #map}]} {
    %mul3A = arith.constant 2 : i32
    %mul3A_0 = arith.muli %arg1, %mul3A : i32
    %add3A = arith.addi %mul3A_0, %arg0 : i32
    %mul3A_1 = arith.constant 632 : i32
    %mul3A_2 = arith.muli %arg1, %mul3A_1 : i32
    %mul3A_3 = arith.constant 632 : i32
    %mul3A_4 = arith.muli %arg1, %mul3A_3 : i32
    "tpu.region"() ({
      %run_scoped3A = tpu.sem_alloc : memref<!tpu.dma_semaphore, #tpu.memory_space<semaphore_mem>>
      %dma_start3A = arith.constant 0 : i32
      %dma_start3A_18 = tpu.memref_slice %arg10[%mul3A_4, %dma_start3A] : memref<10112x128xf32, #tpu.memory_space<vmem_shared>> -> memref<632x128xf32, #tpu.memory_space<vmem_shared>>
      %dma_start3A_19 = arith.constant 0 : i32
      %dma_start3A_20 = tpu.memref_slice %arg5[%mul3A_2, %dma_start3A_19] : memref<10112x128xf32, #tpu.memory_space<hbm>> -> memref<632x128xf32, #tpu.memory_space<hbm>>
      tpu.enqueue_dma source(%dma_start3A_20 : memref<632x128xf32, #tpu.memory_space<hbm>>) target(%dma_start3A_18 : memref<632x128xf32, #tpu.memory_space<vmem_shared>>) target_semaphore(%run_scoped3A : memref<!tpu.dma_semaphore, #tpu.memory_space<semaphore_mem>>)
      %dma_wait3A = arith.constant 0 : i32
      %dma_wait3A_21 = tpu.memref_slice %arg10[%mul3A_4, %dma_wait3A] : memref<10112x128xf32, #tpu.memory_space<vmem_shared>> -> memref<632x128xf32, #tpu.memory_space<vmem_shared>>
      %dma_wait3A_22 = arith.constant 0 : i32
      %dma_wait3A_23 = tpu.memref_slice %arg5[%mul3A_2, %dma_wait3A_22] : memref<10112x128xf32, #tpu.memory_space<hbm>> -> memref<632x128xf32, #tpu.memory_space<hbm>>
      tpu.wait_dma2 semaphore(%run_scoped3A : memref<!tpu.dma_semaphore, #tpu.memory_space<semaphore_mem>>) src(%dma_wait3A_23 : memref<632x128xf32, #tpu.memory_space<hbm>>) dst(%dma_wait3A_21 : memref<632x128xf32, #tpu.memory_space<vmem_shared>>)
      tpu.yield
    }) : () -> ()
    "tpu.region"() ({
      %run_scoped3A = tpu.sem_alloc : memref<!tpu.dma_semaphore, #tpu.memory_space<semaphore_mem>>
      %dma_start3A = arith.constant 0 : i32
      %dma_start3A_18 = arith.constant 0 : i32
      %dma_start3A_19 = tpu.memref_slice %arg3[%add3A, %dma_start3A, %dma_start3A_18] : memref<32x79x128xi32, #tpu.memory_space<hbm>> -> memref<1x79x128xi32, #tpu.memory_space<hbm>>
      %dma_start3A_20 = tpu.memref_squeeze %dma_start3A_19 : memref<1x79x128xi32, #tpu.memory_space<hbm>> -> memref<79x128xi32, #tpu.memory_space<hbm>>
      %dma_start3A_21 = arith.constant 0 : i32
      %dma_start3A_22 = arith.constant 0 : i32
      %dma_start3A_23 = tpu.memref_slice %arg3[%add3A, %dma_start3A_21, %dma_start3A_22] : memref<32x79x128xi32, #tpu.memory_space<hbm>> -> memref<1x79x128xi32, #tpu.memory_space<hbm>>
      %dma_start3A_24 = tpu.memref_squeeze %dma_start3A_23 : memref<1x79x128xi32, #tpu.memory_space<hbm>> -> memref<79x128xi32, #tpu.memory_space<hbm>>
      tpu.enqueue_dma source(%dma_start3A_24 : memref<79x128xi32, #tpu.memory_space<hbm>>) target(%arg7 : memref<79x128xi32, #tpu.memory_space<vmem>>) target_semaphore(%run_scoped3A : memref<!tpu.dma_semaphore, #tpu.memory_space<semaphore_mem>>)
      %dma_wait3A = arith.constant 0 : i32
      %dma_wait3A_25 = arith.constant 0 : i32
      %dma_wait3A_26 = tpu.memref_slice %arg3[%add3A, %dma_wait3A, %dma_wait3A_25] : memref<32x79x128xi32, #tpu.memory_space<hbm>> -> memref<1x79x128xi32, #tpu.memory_space<hbm>>
      %dma_wait3A_27 = tpu.memref_squeeze %dma_wait3A_26 : memref<1x79x128xi32, #tpu.memory_space<hbm>> -> memref<79x128xi32, #tpu.memory_space<hbm>>
      %dma_wait3A_28 = arith.constant 0 : i32
      %dma_wait3A_29 = arith.constant 0 : i32
      %dma_wait3A_30 = tpu.memref_slice %arg3[%add3A, %dma_wait3A_28, %dma_wait3A_29] : memref<32x79x128xi32, #tpu.memory_space<hbm>> -> memref<1x79x128xi32, #tpu.memory_space<hbm>>
      %dma_wait3A_31 = tpu.memref_squeeze %dma_wait3A_30 : memref<1x79x128xi32, #tpu.memory_space<hbm>> -> memref<79x128xi32, #tpu.memory_space<hbm>>
      tpu.wait_dma2 semaphore(%run_scoped3A : memref<!tpu.dma_semaphore, #tpu.memory_space<semaphore_mem>>) src(%dma_wait3A_31 : memref<79x128xi32, #tpu.memory_space<hbm>>) dst(%arg7 : memref<79x128xi32, #tpu.memory_space<vmem>>)
      tpu.yield
    }) : () -> ()
    "tpu.region"() ({
      %run_scoped3A = tpu.sem_alloc : memref<!tpu.dma_semaphore, #tpu.memory_space<semaphore_mem>>
      %dma_start3A = arith.constant 0 : i32
      %dma_start3A_18 = arith.constant 0 : i32
      %dma_start3A_19 = tpu.memref_slice %arg4[%add3A, %dma_start3A, %dma_start3A_18] : memref<32x79x128xi32, #tpu.memory_space<hbm>> -> memref<1x79x128xi32, #tpu.memory_space<hbm>>
      %dma_start3A_20 = tpu.memref_squeeze %dma_start3A_19 : memref<1x79x128xi32, #tpu.memory_space<hbm>> -> memref<79x128xi32, #tpu.memory_space<hbm>>
      %dma_start3A_21 = arith.constant 0 : i32
      %dma_start3A_22 = arith.constant 0 : i32
      %dma_start3A_23 = tpu.memref_slice %arg4[%add3A, %dma_start3A_21, %dma_start3A_22] : memref<32x79x128xi32, #tpu.memory_space<hbm>> -> memref<1x79x128xi32, #tpu.memory_space<hbm>>
      %dma_start3A_24 = tpu.memref_squeeze %dma_start3A_23 : memref<1x79x128xi32, #tpu.memory_space<hbm>> -> memref<79x128xi32, #tpu.memory_space<hbm>>
      tpu.enqueue_dma source(%dma_start3A_24 : memref<79x128xi32, #tpu.memory_space<hbm>>) target(%arg8 : memref<79x128xi32, #tpu.memory_space<vmem>>) target_semaphore(%run_scoped3A : memref<!tpu.dma_semaphore, #tpu.memory_space<semaphore_mem>>)
      %dma_wait3A = arith.constant 0 : i32
      %dma_wait3A_25 = arith.constant 0 : i32
      %dma_wait3A_26 = tpu.memref_slice %arg4[%add3A, %dma_wait3A, %dma_wait3A_25] : memref<32x79x128xi32, #tpu.memory_space<hbm>> -> memref<1x79x128xi32, #tpu.memory_space<hbm>>
      %dma_wait3A_27 = tpu.memref_squeeze %dma_wait3A_26 : memref<1x79x128xi32, #tpu.memory_space<hbm>> -> memref<79x128xi32, #tpu.memory_space<hbm>>
      %dma_wait3A_28 = arith.constant 0 : i32
      %dma_wait3A_29 = arith.constant 0 : i32
      %dma_wait3A_30 = tpu.memref_slice %arg4[%add3A, %dma_wait3A_28, %dma_wait3A_29] : memref<32x79x128xi32, #tpu.memory_space<hbm>> -> memref<1x79x128xi32, #tpu.memory_space<hbm>>
      %dma_wait3A_31 = tpu.memref_squeeze %dma_wait3A_30 : memref<1x79x128xi32, #tpu.memory_space<hbm>> -> memref<79x128xi32, #tpu.memory_space<hbm>>
      tpu.wait_dma2 semaphore(%run_scoped3A : memref<!tpu.dma_semaphore, #tpu.memory_space<semaphore_mem>>) src(%dma_wait3A_31 : memref<79x128xi32, #tpu.memory_space<hbm>>) dst(%arg8 : memref<79x128xi32, #tpu.memory_space<vmem>>)
      tpu.yield
    }) : () -> ()
    %barrier3A = arith.constant 0 : index
    tpu.barrier barrier_id(%barrier3A)
    %scan3A = arith.constant 0 : i32
    %scan3A_5 = arith.constant 0 : i32
    %scan3A_6 = arith.constant 79 : i32
    %scan3A_7 = arith.addi %scan3A_5, %scan3A_6 : i32
    %scan3A_8 = arith.constant 1 : i32
    scf.for %scan3A_18 = %scan3A_5 to %scan3A_7 step %scan3A_8  : i32 {
      %dma_start3A = arith.constant 0 : i32
      %dma_start3A_19 = tpu.memref_slice %arg7[%scan3A_18, %dma_start3A] : memref<79x128xi32, #tpu.memory_space<vmem>> -> memref<1x128xi32, #tpu.memory_space<vmem>>
      %dma_start3A_20 = tpu.memref_squeeze %dma_start3A_19 : memref<1x128xi32, #tpu.memory_space<vmem>> -> memref<128xi32, #tpu.memory_space<vmem>>
      %dma_start3A_21 = arith.constant 0 : i32
      %dma_start3A_22 = arith.constant 0 : i32
      %dma_start3A_23 = tpu.memref_slice %arg2[%dma_start3A_21, %dma_start3A_22] : memref<10000x128xf32, #tpu.memory_space<hbm>> -> memref<10000x128xf32, #tpu.memory_space<hbm>>
      tpu.enqueue_indirect_dma source(%dma_start3A_23 : memref<10000x128xf32, #tpu.memory_space<hbm>>) target(%arg9 : memref<128x128xf32, #tpu.memory_space<vmem>>) offsets(%dma_start3A_20 : memref<128xi32, #tpu.memory_space<vmem>>) semaphore(%arg11 : memref<!tpu.dma_semaphore, #tpu.memory_space<semaphore_mem>>)
      %dma_wait3A = arith.constant 0 : i32
      %dma_wait3A_24 = tpu.memref_slice %arg7[%scan3A_18, %dma_wait3A] : memref<79x128xi32, #tpu.memory_space<vmem>> -> memref<1x128xi32, #tpu.memory_space<vmem>>
      %dma_wait3A_25 = tpu.memref_squeeze %dma_wait3A_24 : memref<1x128xi32, #tpu.memory_space<vmem>> -> memref<128xi32, #tpu.memory_space<vmem>>
      %dma_wait3A_26 = arith.constant 0 : i32
      %dma_wait3A_27 = arith.constant 0 : i32
      %dma_wait3A_28 = tpu.memref_slice %arg2[%dma_wait3A_26, %dma_wait3A_27] : memref<10000x128xf32, #tpu.memory_space<hbm>> -> memref<10000x128xf32, #tpu.memory_space<hbm>>
      tpu.wait_indirect_dma semaphore(%arg11 : memref<!tpu.dma_semaphore, #tpu.memory_space<semaphore_mem>>) src(%dma_wait3A_28 : memref<10000x128xf32, #tpu.memory_space<hbm>>) dst(%arg9 : memref<128x128xf32, #tpu.memory_space<vmem>>)
      "tpu.region"() ({
        %run_scoped3A = tpu.sem_alloc : memref<!tpu.dma_semaphore, #tpu.memory_space<semaphore_mem>>
        %dma_start3A_29 = arith.constant 0 : i32
        %dma_start3A_30 = tpu.memref_slice %arg8[%scan3A_18, %dma_start3A_29] : memref<79x128xi32, #tpu.memory_space<vmem>> -> memref<1x128xi32, #tpu.memory_space<vmem>>
        %dma_start3A_31 = tpu.memref_squeeze %dma_start3A_30 : memref<1x128xi32, #tpu.memory_space<vmem>> -> memref<128xi32, #tpu.memory_space<vmem>>
        %dma_start3A_32 = arith.constant 0 : i32
        %dma_start3A_33 = arith.constant 0 : i32
        %dma_start3A_34 = tpu.memref_slice %arg10[%dma_start3A_32, %dma_start3A_33] : memref<10112x128xf32, #tpu.memory_space<vmem_shared>> -> memref<10112x128xf32, #tpu.memory_space<vmem_shared>>
        tpu.enqueue_indirect_dma source(%arg9 : memref<128x128xf32, #tpu.memory_space<vmem>>) target(%dma_start3A_34 : memref<10112x128xf32, #tpu.memory_space<vmem_shared>>) offsets(%dma_start3A_31 : memref<128xi32, #tpu.memory_space<vmem>>) semaphore(%run_scoped3A : memref<!tpu.dma_semaphore, #tpu.memory_space<semaphore_mem>>) {add = true}
        %dma_wait3A_35 = arith.constant 0 : i32
        %dma_wait3A_36 = tpu.memref_slice %arg8[%scan3A_18, %dma_wait3A_35] : memref<79x128xi32, #tpu.memory_space<vmem>> -> memref<1x128xi32, #tpu.memory_space<vmem>>
        %dma_wait3A_37 = tpu.memref_squeeze %dma_wait3A_36 : memref<1x128xi32, #tpu.memory_space<vmem>> -> memref<128xi32, #tpu.memory_space<vmem>>
        %dma_wait3A_38 = arith.constant 0 : i32
        %dma_wait3A_39 = arith.constant 0 : i32
        %dma_wait3A_40 = tpu.memref_slice %arg10[%dma_wait3A_38, %dma_wait3A_39] : memref<10112x128xf32, #tpu.memory_space<vmem_shared>> -> memref<10112x128xf32, #tpu.memory_space<vmem_shared>>
        tpu.wait_indirect_dma semaphore(%run_scoped3A : memref<!tpu.dma_semaphore, #tpu.memory_space<semaphore_mem>>) src(%arg9 : memref<128x128xf32, #tpu.memory_space<vmem>>) dst(%dma_wait3A_40 : memref<10112x128xf32, #tpu.memory_space<vmem_shared>>)
        tpu.yield
      }) : () -> ()
    }
    %scan3A_9 = arith.constant 79 : i32
    %barrier3A_10 = arith.constant 0 : index
    tpu.barrier barrier_id(%barrier3A_10)
    %mul3A_11 = arith.constant 632 : i32
    %mul3A_12 = arith.muli %arg1, %mul3A_11 : i32
    %mul3A_13 = arith.constant 10112 : i32
    %mul3A_14 = arith.muli %arg0, %mul3A_13 : i32
    %mul3A_15 = arith.constant 632 : i32
    %mul3A_16 = arith.muli %arg1, %mul3A_15 : i32
    %add3A_17 = arith.addi %mul3A_14, %mul3A_16 : i32
    "tpu.region"() ({
      %run_scoped3A = tpu.sem_alloc : memref<!tpu.dma_semaphore, #tpu.memory_space<semaphore_mem>>
      %dma_start3A = arith.constant 0 : i32
      %dma_start3A_18 = tpu.memref_slice %arg6[%add3A_17, %dma_start3A] : memref<20224x128xf32, #tpu.memory_space<hbm>> -> memref<632x128xf32, #tpu.memory_space<hbm>>
      %dma_start3A_19 = arith.constant 0 : i32
      %dma_start3A_20 = tpu.memref_slice %arg10[%mul3A_12, %dma_start3A_19] : memref<10112x128xf32, #tpu.memory_space<vmem_shared>> -> memref<632x128xf32, #tpu.memory_space<vmem_shared>>
      tpu.enqueue_dma source(%dma_start3A_20 : memref<632x128xf32, #tpu.memory_space<vmem_shared>>) target(%dma_start3A_18 : memref<632x128xf32, #tpu.memory_space<hbm>>) target_semaphore(%run_scoped3A : memref<!tpu.dma_semaphore, #tpu.memory_space<semaphore_mem>>)
      %dma_wait3A = arith.constant 0 : i32
      %dma_wait3A_21 = tpu.memref_slice %arg6[%add3A_17, %dma_wait3A] : memref<20224x128xf32, #tpu.memory_space<hbm>> -> memref<632x128xf32, #tpu.memory_space<hbm>>
      %dma_wait3A_22 = arith.constant 0 : i32
      %dma_wait3A_23 = tpu.memref_slice %arg10[%mul3A_12, %dma_wait3A_22] : memref<10112x128xf32, #tpu.memory_space<vmem_shared>> -> memref<632x128xf32, #tpu.memory_space<vmem_shared>>
      tpu.wait_dma2 semaphore(%run_scoped3A : memref<!tpu.dma_semaphore, #tpu.memory_space<semaphore_mem>>) src(%dma_wait3A_23 : memref<632x128xf32, #tpu.memory_space<vmem_shared>>) dst(%dma_wait3A_21 : memref<632x128xf32, #tpu.memory_space<hbm>>)
      tpu.yield
    }) : () -> ()
    return
  }
}

#map = affine_map<(d0, d1) -> (0, 0)>
#map1 = affine_map<(d0, d1) -> (0, 0, 0)>
module attributes {stable_mosaic.version = 14 : i64} {
  func.func @_scatter_body(%arg0: i32, %arg1: i32, %arg2: memref<10000x128xf32, #tpu.memory_space<hbm>>, %arg3: memref<32x79x128xi32, #tpu.memory_space<hbm>>, %arg4: memref<32x79x128xi32, #tpu.memory_space<hbm>>, %arg5: memref<10112x128xf32, #tpu.memory_space<hbm>>, %arg6: memref<20224x128xf32, #tpu.memory_space<hbm>>, %arg7: memref<79x128xi32, #tpu.memory_space<vmem>>, %arg8: memref<79x128xi32, #tpu.memory_space<vmem>>, %arg9: memref<128x128xf32, #tpu.memory_space<vmem>>, %arg10: memref<10112x128xf32, #tpu.memory_space<vmem_shared>>, %arg11: memref<!tpu.dma_semaphore, #tpu.memory_space<semaphore_mem>>) attributes {dimension_semantics = [#tpu.dimension_semantics<core_parallel>, #tpu.dimension_semantics<subcore_parallel>], iteration_bounds = array<i64: 2, 16>, scalar_prefetch = 0 : i64, scratch_operands = 5 : i64, tpu.core_type = #tpu.core_type<sc_vector_subcore>, window_params = [{transform_indices = #map}, {transform_indices = #map1}, {transform_indices = #map1}, {transform_indices = #map}, {transform_indices = #map}]} {
    %mul3A = arith.constant 2 : i32
    %mul3A_0 = arith.muli %arg1, %mul3A : i32
    %add3A = arith.addi %mul3A_0, %arg0 : i32
    %mul3A_1 = arith.constant 632 : i32
    %mul3A_2 = arith.muli %arg1, %mul3A_1 : i32
    %mul3A_3 = arith.constant 632 : i32
    %mul3A_4 = arith.muli %arg1, %mul3A_3 : i32
    "tpu.region"() ({
      %run_scoped3A = tpu.sem_alloc : memref<!tpu.dma_semaphore, #tpu.memory_space<semaphore_mem>>
      %dma_start3A = arith.constant 0 : i32
      %dma_start3A_18 = tpu.memref_slice %arg10[%mul3A_4, %dma_start3A] : memref<10112x128xf32, #tpu.memory_space<vmem_shared>> -> memref<632x128xf32, #tpu.memory_space<vmem_shared>>
      %dma_start3A_19 = arith.constant 0 : i32
      %dma_start3A_20 = tpu.memref_slice %arg5[%mul3A_2, %dma_start3A_19] : memref<10112x128xf32, #tpu.memory_space<hbm>> -> memref<632x128xf32, #tpu.memory_space<hbm>>
      tpu.enqueue_dma source(%dma_start3A_20 : memref<632x128xf32, #tpu.memory_space<hbm>>) target(%dma_start3A_18 : memref<632x128xf32, #tpu.memory_space<vmem_shared>>) target_semaphore(%run_scoped3A : memref<!tpu.dma_semaphore, #tpu.memory_space<semaphore_mem>>)
      %dma_wait3A = arith.constant 0 : i32
      %dma_wait3A_21 = tpu.memref_slice %arg10[%mul3A_4, %dma_wait3A] : memref<10112x128xf32, #tpu.memory_space<vmem_shared>> -> memref<632x128xf32, #tpu.memory_space<vmem_shared>>
      %dma_wait3A_22 = arith.constant 0 : i32
      %dma_wait3A_23 = tpu.memref_slice %arg5[%mul3A_2, %dma_wait3A_22] : memref<10112x128xf32, #tpu.memory_space<hbm>> -> memref<632x128xf32, #tpu.memory_space<hbm>>
      tpu.wait_dma2 semaphore(%run_scoped3A : memref<!tpu.dma_semaphore, #tpu.memory_space<semaphore_mem>>) src(%dma_wait3A_23 : memref<632x128xf32, #tpu.memory_space<hbm>>) dst(%dma_wait3A_21 : memref<632x128xf32, #tpu.memory_space<vmem_shared>>)
      tpu.yield
    }) : () -> ()
    "tpu.region"() ({
      %run_scoped3A = tpu.sem_alloc : memref<!tpu.dma_semaphore, #tpu.memory_space<semaphore_mem>>
      %dma_start3A = arith.constant 0 : i32
      %dma_start3A_18 = arith.constant 0 : i32
      %dma_start3A_19 = tpu.memref_slice %arg3[%add3A, %dma_start3A, %dma_start3A_18] : memref<32x79x128xi32, #tpu.memory_space<hbm>> -> memref<1x79x128xi32, #tpu.memory_space<hbm>>
      %dma_start3A_20 = tpu.memref_squeeze %dma_start3A_19 : memref<1x79x128xi32, #tpu.memory_space<hbm>> -> memref<79x128xi32, #tpu.memory_space<hbm>>
      %dma_start3A_21 = arith.constant 0 : i32
      %dma_start3A_22 = arith.constant 0 : i32
      %dma_start3A_23 = tpu.memref_slice %arg3[%add3A, %dma_start3A_21, %dma_start3A_22] : memref<32x79x128xi32, #tpu.memory_space<hbm>> -> memref<1x79x128xi32, #tpu.memory_space<hbm>>
      %dma_start3A_24 = tpu.memref_squeeze %dma_start3A_23 : memref<1x79x128xi32, #tpu.memory_space<hbm>> -> memref<79x128xi32, #tpu.memory_space<hbm>>
      tpu.enqueue_dma source(%dma_start3A_24 : memref<79x128xi32, #tpu.memory_space<hbm>>) target(%arg7 : memref<79x128xi32, #tpu.memory_space<vmem>>) target_semaphore(%run_scoped3A : memref<!tpu.dma_semaphore, #tpu.memory_space<semaphore_mem>>)
      %dma_wait3A = arith.constant 0 : i32
      %dma_wait3A_25 = arith.constant 0 : i32
      %dma_wait3A_26 = tpu.memref_slice %arg3[%add3A, %dma_wait3A, %dma_wait3A_25] : memref<32x79x128xi32, #tpu.memory_space<hbm>> -> memref<1x79x128xi32, #tpu.memory_space<hbm>>
      %dma_wait3A_27 = tpu.memref_squeeze %dma_wait3A_26 : memref<1x79x128xi32, #tpu.memory_space<hbm>> -> memref<79x128xi32, #tpu.memory_space<hbm>>
      %dma_wait3A_28 = arith.constant 0 : i32
      %dma_wait3A_29 = arith.constant 0 : i32
      %dma_wait3A_30 = tpu.memref_slice %arg3[%add3A, %dma_wait3A_28, %dma_wait3A_29] : memref<32x79x128xi32, #tpu.memory_space<hbm>> -> memref<1x79x128xi32, #tpu.memory_space<hbm>>
      %dma_wait3A_31 = tpu.memref_squeeze %dma_wait3A_30 : memref<1x79x128xi32, #tpu.memory_space<hbm>> -> memref<79x128xi32, #tpu.memory_space<hbm>>
      tpu.wait_dma2 semaphore(%run_scoped3A : memref<!tpu.dma_semaphore, #tpu.memory_space<semaphore_mem>>) src(%dma_wait3A_31 : memref<79x128xi32, #tpu.memory_space<hbm>>) dst(%arg7 : memref<79x128xi32, #tpu.memory_space<vmem>>)
      tpu.yield
    }) : () -> ()
    "tpu.region"() ({
      %run_scoped3A = tpu.sem_alloc : memref<!tpu.dma_semaphore, #tpu.memory_space<semaphore_mem>>
      %dma_start3A = arith.constant 0 : i32
      %dma_start3A_18 = arith.constant 0 : i32
      %dma_start3A_19 = tpu.memref_slice %arg4[%add3A, %dma_start3A, %dma_start3A_18] : memref<32x79x128xi32, #tpu.memory_space<hbm>> -> memref<1x79x128xi32, #tpu.memory_space<hbm>>
      %dma_start3A_20 = tpu.memref_squeeze %dma_start3A_19 : memref<1x79x128xi32, #tpu.memory_space<hbm>> -> memref<79x128xi32, #tpu.memory_space<hbm>>
      %dma_start3A_21 = arith.constant 0 : i32
      %dma_start3A_22 = arith.constant 0 : i32
      %dma_start3A_23 = tpu.memref_slice %arg4[%add3A, %dma_start3A_21, %dma_start3A_22] : memref<32x79x128xi32, #tpu.memory_space<hbm>> -> memref<1x79x128xi32, #tpu.memory_space<hbm>>
      %dma_start3A_24 = tpu.memref_squeeze %dma_start3A_23 : memref<1x79x128xi32, #tpu.memory_space<hbm>> -> memref<79x128xi32, #tpu.memory_space<hbm>>
      tpu.enqueue_dma source(%dma_start3A_24 : memref<79x128xi32, #tpu.memory_space<hbm>>) target(%arg8 : memref<79x128xi32, #tpu.memory_space<vmem>>) target_semaphore(%run_scoped3A : memref<!tpu.dma_semaphore, #tpu.memory_space<semaphore_mem>>)
      %dma_wait3A = arith.constant 0 : i32
      %dma_wait3A_25 = arith.constant 0 : i32
      %dma_wait3A_26 = tpu.memref_slice %arg4[%add3A, %dma_wait3A, %dma_wait3A_25] : memref<32x79x128xi32, #tpu.memory_space<hbm>> -> memref<1x79x128xi32, #tpu.memory_space<hbm>>
      %dma_wait3A_27 = tpu.memref_squeeze %dma_wait3A_26 : memref<1x79x128xi32, #tpu.memory_space<hbm>> -> memref<79x128xi32, #tpu.memory_space<hbm>>
      %dma_wait3A_28 = arith.constant 0 : i32
      %dma_wait3A_29 = arith.constant 0 : i32
      %dma_wait3A_30 = tpu.memref_slice %arg4[%add3A, %dma_wait3A_28, %dma_wait3A_29] : memref<32x79x128xi32, #tpu.memory_space<hbm>> -> memref<1x79x128xi32, #tpu.memory_space<hbm>>
      %dma_wait3A_31 = tpu.memref_squeeze %dma_wait3A_30 : memref<1x79x128xi32, #tpu.memory_space<hbm>> -> memref<79x128xi32, #tpu.memory_space<hbm>>
      tpu.wait_dma2 semaphore(%run_scoped3A : memref<!tpu.dma_semaphore, #tpu.memory_space<semaphore_mem>>) src(%dma_wait3A_31 : memref<79x128xi32, #tpu.memory_space<hbm>>) dst(%arg8 : memref<79x128xi32, #tpu.memory_space<vmem>>)
      tpu.yield
    }) : () -> ()
    %barrier3A = arith.constant 0 : index
    tpu.barrier barrier_id(%barrier3A)
    %scan3A = arith.constant 0 : i32
    %scan3A_5 = arith.constant 0 : i32
    %scan3A_6 = arith.constant 79 : i32
    %scan3A_7 = arith.addi %scan3A_5, %scan3A_6 : i32
    %scan3A_8 = arith.constant 1 : i32
    scf.for %scan3A_18 = %scan3A_5 to %scan3A_7 step %scan3A_8  : i32 {
      %dma_start3A = arith.constant 0 : i32
      %dma_start3A_19 = tpu.memref_slice %arg7[%scan3A_18, %dma_start3A] : memref<79x128xi32, #tpu.memory_space<vmem>> -> memref<1x128xi32, #tpu.memory_space<vmem>>
      %dma_start3A_20 = tpu.memref_squeeze %dma_start3A_19 : memref<1x128xi32, #tpu.memory_space<vmem>> -> memref<128xi32, #tpu.memory_space<vmem>>
      %dma_start3A_21 = arith.constant 0 : i32
      %dma_start3A_22 = arith.constant 0 : i32
      %dma_start3A_23 = tpu.memref_slice %arg2[%dma_start3A_21, %dma_start3A_22] : memref<10000x128xf32, #tpu.memory_space<hbm>> -> memref<10000x128xf32, #tpu.memory_space<hbm>>
      tpu.enqueue_indirect_dma source(%dma_start3A_23 : memref<10000x128xf32, #tpu.memory_space<hbm>>) target(%arg9 : memref<128x128xf32, #tpu.memory_space<vmem>>) offsets(%dma_start3A_20 : memref<128xi32, #tpu.memory_space<vmem>>) semaphore(%arg11 : memref<!tpu.dma_semaphore, #tpu.memory_space<semaphore_mem>>)
      %dma_wait3A = arith.constant 0 : i32
      %dma_wait3A_24 = tpu.memref_slice %arg7[%scan3A_18, %dma_wait3A] : memref<79x128xi32, #tpu.memory_space<vmem>> -> memref<1x128xi32, #tpu.memory_space<vmem>>
      %dma_wait3A_25 = tpu.memref_squeeze %dma_wait3A_24 : memref<1x128xi32, #tpu.memory_space<vmem>> -> memref<128xi32, #tpu.memory_space<vmem>>
      %dma_wait3A_26 = arith.constant 0 : i32
      %dma_wait3A_27 = arith.constant 0 : i32
      %dma_wait3A_28 = tpu.memref_slice %arg2[%dma_wait3A_26, %dma_wait3A_27] : memref<10000x128xf32, #tpu.memory_space<hbm>> -> memref<10000x128xf32, #tpu.memory_space<hbm>>
      tpu.wait_indirect_dma semaphore(%arg11 : memref<!tpu.dma_semaphore, #tpu.memory_space<semaphore_mem>>) src(%dma_wait3A_28 : memref<10000x128xf32, #tpu.memory_space<hbm>>) dst(%arg9 : memref<128x128xf32, #tpu.memory_space<vmem>>)
      "tpu.region"() ({
        %run_scoped3A = tpu.sem_alloc : memref<!tpu.dma_semaphore, #tpu.memory_space<semaphore_mem>>
        %dma_start3A_29 = arith.constant 0 : i32
        %dma_start3A_30 = tpu.memref_slice %arg8[%scan3A_18, %dma_start3A_29] : memref<79x128xi32, #tpu.memory_space<vmem>> -> memref<1x128xi32, #tpu.memory_space<vmem>>
        %dma_start3A_31 = tpu.memref_squeeze %dma_start3A_30 : memref<1x128xi32, #tpu.memory_space<vmem>> -> memref<128xi32, #tpu.memory_space<vmem>>
        %dma_start3A_32 = arith.constant 0 : i32
        %dma_start3A_33 = arith.constant 0 : i32
        %dma_start3A_34 = tpu.memref_slice %arg10[%dma_start3A_32, %dma_start3A_33] : memref<10112x128xf32, #tpu.memory_space<vmem_shared>> -> memref<10112x128xf32, #tpu.memory_space<vmem_shared>>
        tpu.enqueue_indirect_dma source(%arg9 : memref<128x128xf32, #tpu.memory_space<vmem>>) target(%dma_start3A_34 : memref<10112x128xf32, #tpu.memory_space<vmem_shared>>) offsets(%dma_start3A_31 : memref<128xi32, #tpu.memory_space<vmem>>) semaphore(%run_scoped3A : memref<!tpu.dma_semaphore, #tpu.memory_space<semaphore_mem>>) {add = true}
        %dma_wait3A_35 = arith.constant 0 : i32
        %dma_wait3A_36 = tpu.memref_slice %arg8[%scan3A_18, %dma_wait3A_35] : memref<79x128xi32, #tpu.memory_space<vmem>> -> memref<1x128xi32, #tpu.memory_space<vmem>>
        %dma_wait3A_37 = tpu.memref_squeeze %dma_wait3A_36 : memref<1x128xi32, #tpu.memory_space<vmem>> -> memref<128xi32, #tpu.memory_space<vmem>>
        %dma_wait3A_38 = arith.constant 0 : i32
        %dma_wait3A_39 = arith.constant 0 : i32
        %dma_wait3A_40 = tpu.memref_slice %arg10[%dma_wait3A_38, %dma_wait3A_39] : memref<10112x128xf32, #tpu.memory_space<vmem_shared>> -> memref<10112x128xf32, #tpu.memory_space<vmem_shared>>
        tpu.wait_indirect_dma semaphore(%run_scoped3A : memref<!tpu.dma_semaphore, #tpu.memory_space<semaphore_mem>>) src(%arg9 : memref<128x128xf32, #tpu.memory_space<vmem>>) dst(%dma_wait3A_40 : memref<10112x128xf32, #tpu.memory_space<vmem_shared>>)
        tpu.yield
      }) : () -> ()
    }
    %scan3A_9 = arith.constant 79 : i32
    %barrier3A_10 = arith.constant 0 : index
    tpu.barrier barrier_id(%barrier3A_10)
    %mul3A_11 = arith.constant 632 : i32
    %mul3A_12 = arith.muli %arg1, %mul3A_11 : i32
    %mul3A_13 = arith.constant 10112 : i32
    %mul3A_14 = arith.muli %arg0, %mul3A_13 : i32
    %mul3A_15 = arith.constant 632 : i32
    %mul3A_16 = arith.muli %arg1, %mul3A_15 : i32
    %add3A_17 = arith.addi %mul3A_14, %mul3A_16 : i32
    "tpu.region"() ({
      %run_scoped3A = tpu.sem_alloc : memref<!tpu.dma_semaphore, #tpu.memory_space<semaphore_mem>>
      %dma_start3A = arith.constant 0 : i32
      %dma_start3A_18 = tpu.memref_slice %arg6[%add3A_17, %dma_start3A] : memref<20224x128xf32, #tpu.memory_space<hbm>> -> memref<632x128xf32, #tpu.memory_space<hbm>>
      %dma_start3A_19 = arith.constant 0 : i32
      %dma_start3A_20 = tpu.memref_slice %arg10[%mul3A_12, %dma_start3A_19] : memref<10112x128xf32, #tpu.memory_space<vmem_shared>> -> memref<632x128xf32, #tpu.memory_space<vmem_shared>>
      tpu.enqueue_dma source(%dma_start3A_20 : memref<632x128xf32, #tpu.memory_space<vmem_shared>>) target(%dma_start3A_18 : memref<632x128xf32, #tpu.memory_space<hbm>>) target_semaphore(%run_scoped3A : memref<!tpu.dma_semaphore, #tpu.memory_space<semaphore_mem>>)
      %dma_wait3A = arith.constant 0 : i32
      %dma_wait3A_21 = tpu.memref_slice %arg6[%add3A_17, %dma_wait3A] : memref<20224x128xf32, #tpu.memory_space<hbm>> -> memref<632x128xf32, #tpu.memory_space<hbm>>
      %dma_wait3A_22 = arith.constant 0 : i32
      %dma_wait3A_23 = tpu.memref_slice %arg10[%mul3A_12, %dma_wait3A_22] : memref<10112x128xf32, #tpu.memory_space<vmem_shared>> -> memref<632x128xf32, #tpu.memory_space<vmem_shared>>
      tpu.wait_dma2 semaphore(%run_scoped3A : memref<!tpu.dma_semaphore, #tpu.memory_space<semaphore_mem>>) src(%dma_wait3A_23 : memref<632x128xf32, #tpu.memory_space<vmem_shared>>) dst(%dma_wait3A_21 : memref<632x128xf32, #tpu.memory_space<hbm>>)
      tpu.yield
    }) : () -> ()
    return
  }
}

#map = affine_map<(d0, d1) -> (0, 0)>
#map1 = affine_map<(d0, d1) -> (0, 0, 0)>
module attributes {stable_mosaic.version = 14 : i64} {
  func.func @_scatter_body(%arg0: i32, %arg1: i32, %arg2: memref<10000x128xf32, #tpu.memory_space<hbm>>, %arg3: memref<32x79x128xi32, #tpu.memory_space<hbm>>, %arg4: memref<32x79x128xi32, #tpu.memory_space<hbm>>, %arg5: memref<10112x128xf32, #tpu.memory_space<hbm>>, %arg6: memref<20224x128xf32, #tpu.memory_space<hbm>>, %arg7: memref<79x128xi32, #tpu.memory_space<vmem>>, %arg8: memref<79x128xi32, #tpu.memory_space<vmem>>, %arg9: memref<128x128xf32, #tpu.memory_space<vmem>>, %arg10: memref<10112x128xf32, #tpu.memory_space<vmem_shared>>, %arg11: memref<!tpu.dma_semaphore, #tpu.memory_space<semaphore_mem>>) attributes {dimension_semantics = [#tpu.dimension_semantics<core_parallel>, #tpu.dimension_semantics<subcore_parallel>], iteration_bounds = array<i64: 2, 16>, scalar_prefetch = 0 : i64, scratch_operands = 5 : i64, tpu.core_type = #tpu.core_type<sc_vector_subcore>, window_params = [{transform_indices = #map}, {transform_indices = #map1}, {transform_indices = #map1}, {transform_indices = #map}, {transform_indices = #map}]} {
    %mul3A = arith.constant 2 : i32
    %mul3A_0 = arith.muli %arg1, %mul3A : i32
    %add3A = arith.addi %mul3A_0, %arg0 : i32
    %mul3A_1 = arith.constant 632 : i32
    %mul3A_2 = arith.muli %arg1, %mul3A_1 : i32
    %mul3A_3 = arith.constant 632 : i32
    %mul3A_4 = arith.muli %arg1, %mul3A_3 : i32
    "tpu.region"() ({
      %run_scoped3A = tpu.sem_alloc : memref<!tpu.dma_semaphore, #tpu.memory_space<semaphore_mem>>
      %dma_start3A = arith.constant 0 : i32
      %dma_start3A_18 = tpu.memref_slice %arg10[%mul3A_4, %dma_start3A] : memref<10112x128xf32, #tpu.memory_space<vmem_shared>> -> memref<632x128xf32, #tpu.memory_space<vmem_shared>>
      %dma_start3A_19 = arith.constant 0 : i32
      %dma_start3A_20 = tpu.memref_slice %arg5[%mul3A_2, %dma_start3A_19] : memref<10112x128xf32, #tpu.memory_space<hbm>> -> memref<632x128xf32, #tpu.memory_space<hbm>>
      tpu.enqueue_dma source(%dma_start3A_20 : memref<632x128xf32, #tpu.memory_space<hbm>>) target(%dma_start3A_18 : memref<632x128xf32, #tpu.memory_space<vmem_shared>>) target_semaphore(%run_scoped3A : memref<!tpu.dma_semaphore, #tpu.memory_space<semaphore_mem>>)
      %dma_wait3A = arith.constant 0 : i32
      %dma_wait3A_21 = tpu.memref_slice %arg10[%mul3A_4, %dma_wait3A] : memref<10112x128xf32, #tpu.memory_space<vmem_shared>> -> memref<632x128xf32, #tpu.memory_space<vmem_shared>>
      %dma_wait3A_22 = arith.constant 0 : i32
      %dma_wait3A_23 = tpu.memref_slice %arg5[%mul3A_2, %dma_wait3A_22] : memref<10112x128xf32, #tpu.memory_space<hbm>> -> memref<632x128xf32, #tpu.memory_space<hbm>>
      tpu.wait_dma2 semaphore(%run_scoped3A : memref<!tpu.dma_semaphore, #tpu.memory_space<semaphore_mem>>) src(%dma_wait3A_23 : memref<632x128xf32, #tpu.memory_space<hbm>>) dst(%dma_wait3A_21 : memref<632x128xf32, #tpu.memory_space<vmem_shared>>)
      tpu.yield
    }) : () -> ()
    "tpu.region"() ({
      %run_scoped3A = tpu.sem_alloc : memref<!tpu.dma_semaphore, #tpu.memory_space<semaphore_mem>>
      %dma_start3A = arith.constant 0 : i32
      %dma_start3A_18 = arith.constant 0 : i32
      %dma_start3A_19 = tpu.memref_slice %arg3[%add3A, %dma_start3A, %dma_start3A_18] : memref<32x79x128xi32, #tpu.memory_space<hbm>> -> memref<1x79x128xi32, #tpu.memory_space<hbm>>
      %dma_start3A_20 = tpu.memref_squeeze %dma_start3A_19 : memref<1x79x128xi32, #tpu.memory_space<hbm>> -> memref<79x128xi32, #tpu.memory_space<hbm>>
      %dma_start3A_21 = arith.constant 0 : i32
      %dma_start3A_22 = arith.constant 0 : i32
      %dma_start3A_23 = tpu.memref_slice %arg3[%add3A, %dma_start3A_21, %dma_start3A_22] : memref<32x79x128xi32, #tpu.memory_space<hbm>> -> memref<1x79x128xi32, #tpu.memory_space<hbm>>
      %dma_start3A_24 = tpu.memref_squeeze %dma_start3A_23 : memref<1x79x128xi32, #tpu.memory_space<hbm>> -> memref<79x128xi32, #tpu.memory_space<hbm>>
      tpu.enqueue_dma source(%dma_start3A_24 : memref<79x128xi32, #tpu.memory_space<hbm>>) target(%arg7 : memref<79x128xi32, #tpu.memory_space<vmem>>) target_semaphore(%run_scoped3A : memref<!tpu.dma_semaphore, #tpu.memory_space<semaphore_mem>>)
      %dma_wait3A = arith.constant 0 : i32
      %dma_wait3A_25 = arith.constant 0 : i32
      %dma_wait3A_26 = tpu.memref_slice %arg3[%add3A, %dma_wait3A, %dma_wait3A_25] : memref<32x79x128xi32, #tpu.memory_space<hbm>> -> memref<1x79x128xi32, #tpu.memory_space<hbm>>
      %dma_wait3A_27 = tpu.memref_squeeze %dma_wait3A_26 : memref<1x79x128xi32, #tpu.memory_space<hbm>> -> memref<79x128xi32, #tpu.memory_space<hbm>>
      %dma_wait3A_28 = arith.constant 0 : i32
      %dma_wait3A_29 = arith.constant 0 : i32
      %dma_wait3A_30 = tpu.memref_slice %arg3[%add3A, %dma_wait3A_28, %dma_wait3A_29] : memref<32x79x128xi32, #tpu.memory_space<hbm>> -> memref<1x79x128xi32, #tpu.memory_space<hbm>>
      %dma_wait3A_31 = tpu.memref_squeeze %dma_wait3A_30 : memref<1x79x128xi32, #tpu.memory_space<hbm>> -> memref<79x128xi32, #tpu.memory_space<hbm>>
      tpu.wait_dma2 semaphore(%run_scoped3A : memref<!tpu.dma_semaphore, #tpu.memory_space<semaphore_mem>>) src(%dma_wait3A_31 : memref<79x128xi32, #tpu.memory_space<hbm>>) dst(%arg7 : memref<79x128xi32, #tpu.memory_space<vmem>>)
      tpu.yield
    }) : () -> ()
    "tpu.region"() ({
      %run_scoped3A = tpu.sem_alloc : memref<!tpu.dma_semaphore, #tpu.memory_space<semaphore_mem>>
      %dma_start3A = arith.constant 0 : i32
      %dma_start3A_18 = arith.constant 0 : i32
      %dma_start3A_19 = tpu.memref_slice %arg4[%add3A, %dma_start3A, %dma_start3A_18] : memref<32x79x128xi32, #tpu.memory_space<hbm>> -> memref<1x79x128xi32, #tpu.memory_space<hbm>>
      %dma_start3A_20 = tpu.memref_squeeze %dma_start3A_19 : memref<1x79x128xi32, #tpu.memory_space<hbm>> -> memref<79x128xi32, #tpu.memory_space<hbm>>
      %dma_start3A_21 = arith.constant 0 : i32
      %dma_start3A_22 = arith.constant 0 : i32
      %dma_start3A_23 = tpu.memref_slice %arg4[%add3A, %dma_start3A_21, %dma_start3A_22] : memref<32x79x128xi32, #tpu.memory_space<hbm>> -> memref<1x79x128xi32, #tpu.memory_space<hbm>>
      %dma_start3A_24 = tpu.memref_squeeze %dma_start3A_23 : memref<1x79x128xi32, #tpu.memory_space<hbm>> -> memref<79x128xi32, #tpu.memory_space<hbm>>
      tpu.enqueue_dma source(%dma_start3A_24 : memref<79x128xi32, #tpu.memory_space<hbm>>) target(%arg8 : memref<79x128xi32, #tpu.memory_space<vmem>>) target_semaphore(%run_scoped3A : memref<!tpu.dma_semaphore, #tpu.memory_space<semaphore_mem>>)
      %dma_wait3A = arith.constant 0 : i32
      %dma_wait3A_25 = arith.constant 0 : i32
      %dma_wait3A_26 = tpu.memref_slice %arg4[%add3A, %dma_wait3A, %dma_wait3A_25] : memref<32x79x128xi32, #tpu.memory_space<hbm>> -> memref<1x79x128xi32, #tpu.memory_space<hbm>>
      %dma_wait3A_27 = tpu.memref_squeeze %dma_wait3A_26 : memref<1x79x128xi32, #tpu.memory_space<hbm>> -> memref<79x128xi32, #tpu.memory_space<hbm>>
      %dma_wait3A_28 = arith.constant 0 : i32
      %dma_wait3A_29 = arith.constant 0 : i32
      %dma_wait3A_30 = tpu.memref_slice %arg4[%add3A, %dma_wait3A_28, %dma_wait3A_29] : memref<32x79x128xi32, #tpu.memory_space<hbm>> -> memref<1x79x128xi32, #tpu.memory_space<hbm>>
      %dma_wait3A_31 = tpu.memref_squeeze %dma_wait3A_30 : memref<1x79x128xi32, #tpu.memory_space<hbm>> -> memref<79x128xi32, #tpu.memory_space<hbm>>
      tpu.wait_dma2 semaphore(%run_scoped3A : memref<!tpu.dma_semaphore, #tpu.memory_space<semaphore_mem>>) src(%dma_wait3A_31 : memref<79x128xi32, #tpu.memory_space<hbm>>) dst(%arg8 : memref<79x128xi32, #tpu.memory_space<vmem>>)
      tpu.yield
    }) : () -> ()
    %barrier3A = arith.constant 0 : index
    tpu.barrier barrier_id(%barrier3A)
    %scan3A = arith.constant 0 : i32
    %scan3A_5 = arith.constant 0 : i32
    %scan3A_6 = arith.constant 79 : i32
    %scan3A_7 = arith.addi %scan3A_5, %scan3A_6 : i32
    %scan3A_8 = arith.constant 1 : i32
    scf.for %scan3A_18 = %scan3A_5 to %scan3A_7 step %scan3A_8  : i32 {
      %dma_start3A = arith.constant 0 : i32
      %dma_start3A_19 = tpu.memref_slice %arg7[%scan3A_18, %dma_start3A] : memref<79x128xi32, #tpu.memory_space<vmem>> -> memref<1x128xi32, #tpu.memory_space<vmem>>
      %dma_start3A_20 = tpu.memref_squeeze %dma_start3A_19 : memref<1x128xi32, #tpu.memory_space<vmem>> -> memref<128xi32, #tpu.memory_space<vmem>>
      %dma_start3A_21 = arith.constant 0 : i32
      %dma_start3A_22 = arith.constant 0 : i32
      %dma_start3A_23 = tpu.memref_slice %arg2[%dma_start3A_21, %dma_start3A_22] : memref<10000x128xf32, #tpu.memory_space<hbm>> -> memref<10000x128xf32, #tpu.memory_space<hbm>>
      tpu.enqueue_indirect_dma source(%dma_start3A_23 : memref<10000x128xf32, #tpu.memory_space<hbm>>) target(%arg9 : memref<128x128xf32, #tpu.memory_space<vmem>>) offsets(%dma_start3A_20 : memref<128xi32, #tpu.memory_space<vmem>>) semaphore(%arg11 : memref<!tpu.dma_semaphore, #tpu.memory_space<semaphore_mem>>)
      %dma_wait3A = arith.constant 0 : i32
      %dma_wait3A_24 = tpu.memref_slice %arg7[%scan3A_18, %dma_wait3A] : memref<79x128xi32, #tpu.memory_space<vmem>> -> memref<1x128xi32, #tpu.memory_space<vmem>>
      %dma_wait3A_25 = tpu.memref_squeeze %dma_wait3A_24 : memref<1x128xi32, #tpu.memory_space<vmem>> -> memref<128xi32, #tpu.memory_space<vmem>>
      %dma_wait3A_26 = arith.constant 0 : i32
      %dma_wait3A_27 = arith.constant 0 : i32
      %dma_wait3A_28 = tpu.memref_slice %arg2[%dma_wait3A_26, %dma_wait3A_27] : memref<10000x128xf32, #tpu.memory_space<hbm>> -> memref<10000x128xf32, #tpu.memory_space<hbm>>
      tpu.wait_indirect_dma semaphore(%arg11 : memref<!tpu.dma_semaphore, #tpu.memory_space<semaphore_mem>>) src(%dma_wait3A_28 : memref<10000x128xf32, #tpu.memory_space<hbm>>) dst(%arg9 : memref<128x128xf32, #tpu.memory_space<vmem>>)
      "tpu.region"() ({
        %run_scoped3A = tpu.sem_alloc : memref<!tpu.dma_semaphore, #tpu.memory_space<semaphore_mem>>
        %dma_start3A_29 = arith.constant 0 : i32
        %dma_start3A_30 = tpu.memref_slice %arg8[%scan3A_18, %dma_start3A_29] : memref<79x128xi32, #tpu.memory_space<vmem>> -> memref<1x128xi32, #tpu.memory_space<vmem>>
        %dma_start3A_31 = tpu.memref_squeeze %dma_start3A_30 : memref<1x128xi32, #tpu.memory_space<vmem>> -> memref<128xi32, #tpu.memory_space<vmem>>
        %dma_start3A_32 = arith.constant 0 : i32
        %dma_start3A_33 = arith.constant 0 : i32
        %dma_start3A_34 = tpu.memref_slice %arg10[%dma_start3A_32, %dma_start3A_33] : memref<10112x128xf32, #tpu.memory_space<vmem_shared>> -> memref<10112x128xf32, #tpu.memory_space<vmem_shared>>
        tpu.enqueue_indirect_dma source(%arg9 : memref<128x128xf32, #tpu.memory_space<vmem>>) target(%dma_start3A_34 : memref<10112x128xf32, #tpu.memory_space<vmem_shared>>) offsets(%dma_start3A_31 : memref<128xi32, #tpu.memory_space<vmem>>) semaphore(%run_scoped3A : memref<!tpu.dma_semaphore, #tpu.memory_space<semaphore_mem>>) {add = true}
        %dma_wait3A_35 = arith.constant 0 : i32
        %dma_wait3A_36 = tpu.memref_slice %arg8[%scan3A_18, %dma_wait3A_35] : memref<79x128xi32, #tpu.memory_space<vmem>> -> memref<1x128xi32, #tpu.memory_space<vmem>>
        %dma_wait3A_37 = tpu.memref_squeeze %dma_wait3A_36 : memref<1x128xi32, #tpu.memory_space<vmem>> -> memref<128xi32, #tpu.memory_space<vmem>>
        %dma_wait3A_38 = arith.constant 0 : i32
        %dma_wait3A_39 = arith.constant 0 : i32
        %dma_wait3A_40 = tpu.memref_slice %arg10[%dma_wait3A_38, %dma_wait3A_39] : memref<10112x128xf32, #tpu.memory_space<vmem_shared>> -> memref<10112x128xf32, #tpu.memory_space<vmem_shared>>
        tpu.wait_indirect_dma semaphore(%run_scoped3A : memref<!tpu.dma_semaphore, #tpu.memory_space<semaphore_mem>>) src(%arg9 : memref<128x128xf32, #tpu.memory_space<vmem>>) dst(%dma_wait3A_40 : memref<10112x128xf32, #tpu.memory_space<vmem_shared>>)
        tpu.yield
      }) : () -> ()
    }
    %scan3A_9 = arith.constant 79 : i32
    %barrier3A_10 = arith.constant 0 : index
    tpu.barrier barrier_id(%barrier3A_10)
    %mul3A_11 = arith.constant 632 : i32
    %mul3A_12 = arith.muli %arg1, %mul3A_11 : i32
    %mul3A_13 = arith.constant 10112 : i32
    %mul3A_14 = arith.muli %arg0, %mul3A_13 : i32
    %mul3A_15 = arith.constant 632 : i32
    %mul3A_16 = arith.muli %arg1, %mul3A_15 : i32
    %add3A_17 = arith.addi %mul3A_14, %mul3A_16 : i32
    "tpu.region"() ({
      %run_scoped3A = tpu.sem_alloc : memref<!tpu.dma_semaphore, #tpu.memory_space<semaphore_mem>>
      %dma_start3A = arith.constant 0 : i32
      %dma_start3A_18 = tpu.memref_slice %arg6[%add3A_17, %dma_start3A] : memref<20224x128xf32, #tpu.memory_space<hbm>> -> memref<632x128xf32, #tpu.memory_space<hbm>>
      %dma_start3A_19 = arith.constant 0 : i32
      %dma_start3A_20 = tpu.memref_slice %arg10[%mul3A_12, %dma_start3A_19] : memref<10112x128xf32, #tpu.memory_space<vmem_shared>> -> memref<632x128xf32, #tpu.memory_space<vmem_shared>>
      tpu.enqueue_dma source(%dma_start3A_20 : memref<632x128xf32, #tpu.memory_space<vmem_shared>>) target(%dma_start3A_18 : memref<632x128xf32, #tpu.memory_space<hbm>>) target_semaphore(%run_scoped3A : memref<!tpu.dma_semaphore, #tpu.memory_space<semaphore_mem>>)
      %dma_wait3A = arith.constant 0 : i32
      %dma_wait3A_21 = tpu.memref_slice %arg6[%add3A_17, %dma_wait3A] : memref<20224x128xf32, #tpu.memory_space<hbm>> -> memref<632x128xf32, #tpu.memory_space<hbm>>
      %dma_wait3A_22 = arith.constant 0 : i32
      %dma_wait3A_23 = tpu.memref_slice %arg10[%mul3A_12, %dma_wait3A_22] : memref<10112x128xf32, #tpu.memory_space<vmem_shared>> -> memref<632x128xf32, #tpu.memory_space<vmem_shared>>
      tpu.wait_dma2 semaphore(%run_scoped3A : memref<!tpu.dma_semaphore, #tpu.memory_space<semaphore_mem>>) src(%dma_wait3A_23 : memref<632x128xf32, #tpu.memory_space<vmem_shared>>) dst(%dma_wait3A_21 : memref<632x128xf32, #tpu.memory_space<hbm>>)
      tpu.yield
    }) : () -> ()
    return
  }
}

module attributes {stable_mosaic.version = 14 : i64} {
  func.func @_prep_body(%arg0: memref<10000x128xf32, #tpu.memory_space<vmem>>, %arg1: memref<20224x128xf32, #tpu.memory_space<vmem>>, %arg2: memref<128x128xf32, #tpu.memory_space<vmem>>, %arg3: memref<10000x1xf32, #tpu.memory_space<vmem>>, %arg4: memref<10000x128xf32, #tpu.memory_space<vmem>>) attributes {dimension_semantics = [], scalar_prefetch = 0 : i64, scratch_operands = 0 : i64, tpu.core_type = #tpu.core_type<tc>} {
    %get3A = arith.constant 0 : index
    %get3A_0 = arith.constant 0 : index
    %get3A_1 = vector.load %arg1[%get3A, %get3A_0] : memref<20224x128xf32, #tpu.memory_space<vmem>>, vector<10000x1xf32>
    %add3A = arith.constant 1.000000e+00 : f32
    %add3A_2 = vector.broadcast %add3A : f32 to vector<10000x1xf32>
    %add3A_3 = arith.addf %add3A_2, %get3A_1 : vector<10000x1xf32>
    %get3A_4 = arith.constant 10112 : index
    %get3A_5 = arith.constant 0 : index
    %get3A_6 = vector.load %arg1[%get3A_4, %get3A_5] : memref<20224x128xf32, #tpu.memory_space<vmem>>, vector<10000x1xf32>
    %add3A_7 = arith.addf %add3A_3, %get3A_6 : vector<10000x1xf32>
    %rsqrt3A = math.rsqrt %add3A_7 : vector<10000x1xf32>
    %swap3A = arith.constant 0 : index
    %swap3A_8 = arith.constant 0 : index
    %swap3A_9 = vector.load %arg3[%swap3A, %swap3A_8] : memref<10000x1xf32, #tpu.memory_space<vmem>>, vector<10000x1xf32>
    tpu.vector_store %arg3[%swap3A, %swap3A_8], %rsqrt3A {strides = array<i32>} : memref<10000x1xf32, #tpu.memory_space<vmem>>, vector<10000x1xf32>,
    %get3A_10 = arith.constant 0 : index
    %get3A_11 = arith.constant 0 : index
    %get3A_12 = vector.load %arg0[%get3A_10, %get3A_11] : memref<10000x128xf32, #tpu.memory_space<vmem>>, vector<10000x128xf32>
    %get3A_13 = arith.constant 0 : index
    %get3A_14 = arith.constant 0 : index
    %get3A_15 = vector.load %arg2[%get3A_13, %get3A_14] : memref<128x128xf32, #tpu.memory_space<vmem>>, vector<128x128xf32>
    %dot_general3A = arith.constant dense<0.000000e+00> : vector<10000x128xf32>
    %dot_general3A_16 = tpu.matmul %get3A_12, %get3A_15, %dot_general3A {dimension_numbers = #tpu.dot_dimension_numbers<[1], [0], [0], [1], [0, 0, 1, 1], [], []>, transpose_lhs_hint = false} : vector<10000x128xf32>, vector<128x128xf32>, vector<10000x128xf32> -> vector<10000x128xf32>
    %mul3A = vector.broadcast %rsqrt3A : vector<10000x1xf32> to vector<10000x128xf32>
    %mul3A_17 = arith.mulf %mul3A, %dot_general3A_16 : vector<10000x128xf32>
    %swap3A_18 = arith.constant 0 : index
    %swap3A_19 = arith.constant 0 : index
    %swap3A_20 = vector.load %arg4[%swap3A_18, %swap3A_19] : memref<10000x128xf32, #tpu.memory_space<vmem>>, vector<10000x128xf32>
    tpu.vector_store %arg4[%swap3A_18, %swap3A_19], %mul3A_17 {strides = array<i32>} : memref<10000x128xf32, #tpu.memory_space<vmem>>, vector<10000x128xf32>,
    return
  }
}

module attributes {stable_mosaic.version = 14 : i64} {
  func.func @_mid_body(%arg0: memref<20224x128xf32, #tpu.memory_space<vmem>>, %arg1: memref<10000x128xf32, #tpu.memory_space<vmem>>, %arg2: memref<10000x1xf32, #tpu.memory_space<vmem>>, %arg3: memref<128xf32, #tpu.memory_space<vmem>>, %arg4: memref<128xf32, #tpu.memory_space<vmem>>, %arg5: memref<128xf32, #tpu.memory_space<vmem>>, %arg6: memref<128x128xf32, #tpu.memory_space<vmem>>, %arg7: memref<10000x128xf32, #tpu.memory_space<vmem>>) attributes {dimension_semantics = [], scalar_prefetch = 0 : i64, scratch_operands = 0 : i64, tpu.core_type = #tpu.core_type<tc>} {
    %get3A = arith.constant 0 : index
    %get3A_0 = arith.constant 0 : index
    %get3A_1 = vector.load %arg2[%get3A, %get3A_0] : memref<10000x1xf32, #tpu.memory_space<vmem>>, vector<10000x1xf32>
    %get3A_2 = arith.constant 0 : index
    %get3A_3 = arith.constant 0 : index
    %get3A_4 = vector.load %arg0[%get3A_2, %get3A_3] : memref<20224x128xf32, #tpu.memory_space<vmem>>, vector<10000x128xf32>
    %get3A_5 = arith.constant 10112 : index
    %get3A_6 = arith.constant 0 : index
    %get3A_7 = vector.load %arg0[%get3A_5, %get3A_6] : memref<20224x128xf32, #tpu.memory_space<vmem>>, vector<10000x128xf32>
    %add3A = arith.addf %get3A_4, %get3A_7 : vector<10000x128xf32>
    %get3A_8 = arith.constant 0 : index
    %get3A_9 = arith.constant 0 : index
    %get3A_10 = vector.load %arg1[%get3A_8, %get3A_9] : memref<10000x128xf32, #tpu.memory_space<vmem>>, vector<10000x128xf32>
    %add3A_11 = arith.addf %add3A, %get3A_10 : vector<10000x128xf32>
    %mul3A = vector.broadcast %get3A_1 : vector<10000x1xf32> to vector<10000x128xf32>
    %mul3A_12 = arith.mulf %mul3A, %add3A_11 : vector<10000x128xf32>
    %get3A_13 = arith.constant 0 : index
    %get3A_14 = vector.load %arg3[%get3A_13] : memref<128xf32, #tpu.memory_space<vmem>>, vector<128xf32>
    %broadcast_in_dim3A = vector.shape_cast %get3A_14 : vector<128xf32> to vector<1x128xf32>
    %add3A_15 = vector.broadcast %broadcast_in_dim3A : vector<1x128xf32> to vector<10000x128xf32>
    %add3A_16 = arith.addf %mul3A_12, %add3A_15 : vector<10000x128xf32>
    %max3A = arith.constant 0.000000e+00 : f32
    %max3A_17 = vector.broadcast %max3A : f32 to vector<10000x128xf32>
    %max3A_18 = arith.maximumf %add3A_16, %max3A_17 : vector<10000x128xf32>
    %reduce_sum3A = arith.constant dense<0.000000e+00> : vector<128xf32>
    %reduce_sum3A_19 = vector.multi_reduction <add>, %max3A_18, %reduce_sum3A [0] : vector<10000x128xf32> to vector<128xf32>
    %broadcast_in_dim3A_20 = vector.shape_cast %reduce_sum3A_19 : vector<128xf32> to vector<1x128xf32>
    %div3A = arith.constant 1.000000e+04 : f32
    %div3A_21 = vector.broadcast %div3A : f32 to vector<1x128xf32>
    %div3A_22 = arith.divf %broadcast_in_dim3A_20, %div3A_21 : vector<1x128xf32>
    %sub3A = vector.broadcast %div3A_22 : vector<1x128xf32> to vector<10000x128xf32>
    %sub3A_23 = arith.subf %max3A_18, %sub3A : vector<10000x128xf32>
    %mul3A_24 = arith.mulf %sub3A_23, %sub3A_23 : vector<10000x128xf32>
    %reduce_sum3A_25 = arith.constant dense<0.000000e+00> : vector<128xf32>
    %reduce_sum3A_26 = vector.multi_reduction <add>, %mul3A_24, %reduce_sum3A_25 [0] : vector<10000x128xf32> to vector<128xf32>
    %broadcast_in_dim3A_27 = vector.shape_cast %reduce_sum3A_26 : vector<128xf32> to vector<1x128xf32>
    %div3A_28 = arith.constant 1.000000e+04 : f32
    %div3A_29 = vector.broadcast %div3A_28 : f32 to vector<1x128xf32>
    %div3A_30 = arith.divf %broadcast_in_dim3A_27, %div3A_29 : vector<1x128xf32>
    %add3A_31 = arith.constant 9.99999974E-6 : f32
    %add3A_32 = vector.broadcast %add3A_31 : f32 to vector<1x128xf32>
    %add3A_33 = arith.addf %div3A_30, %add3A_32 : vector<1x128xf32>
    %rsqrt3A = math.rsqrt %add3A_33 : vector<1x128xf32>
    %mul3A_34 = vector.broadcast %rsqrt3A : vector<1x128xf32> to vector<10000x128xf32>
    %mul3A_35 = arith.mulf %sub3A_23, %mul3A_34 : vector<10000x128xf32>
    %get3A_36 = arith.constant 0 : index
    %get3A_37 = vector.load %arg4[%get3A_36] : memref<128xf32, #tpu.memory_space<vmem>>, vector<128xf32>
    %broadcast_in_dim3A_38 = vector.shape_cast %get3A_37 : vector<128xf32> to vector<1x128xf32>
    %mul3A_39 = vector.broadcast %broadcast_in_dim3A_38 : vector<1x128xf32> to vector<10000x128xf32>
    %mul3A_40 = arith.mulf %mul3A_35, %mul3A_39 : vector<10000x128xf32>
    %get3A_41 = arith.constant 0 : index
    %get3A_42 = vector.load %arg5[%get3A_41] : memref<128xf32, #tpu.memory_space<vmem>>, vector<128xf32>
    %broadcast_in_dim3A_43 = vector.shape_cast %get3A_42 : vector<128xf32> to vector<1x128xf32>
    %add3A_44 = vector.broadcast %broadcast_in_dim3A_43 : vector<1x128xf32> to vector<10000x128xf32>
    %add3A_45 = arith.addf %mul3A_40, %add3A_44 : vector<10000x128xf32>
    %get3A_46 = arith.constant 0 : index
    %get3A_47 = arith.constant 0 : index
    %get3A_48 = vector.load %arg6[%get3A_46, %get3A_47] : memref<128x128xf32, #tpu.memory_space<vmem>>, vector<128x128xf32>
    %dot_general3A = arith.constant dense<0.000000e+00> : vector<10000x128xf32>
    %dot_general3A_49 = tpu.matmul %add3A_45, %get3A_48, %dot_general3A {dimension_numbers = #tpu.dot_dimension_numbers<[1], [0], [0], [1], [0, 0, 1, 1], [], []>, transpose_lhs_hint = false} : vector<10000x128xf32>, vector<128x128xf32>, vector<10000x128xf32> -> vector<10000x128xf32>
    %mul3A_50 = vector.broadcast %get3A_1 : vector<10000x1xf32> to vector<10000x128xf32>
    %mul3A_51 = arith.mulf %mul3A_50, %dot_general3A_49 : vector<10000x128xf32>
    %swap3A = arith.constant 0 : index
    %swap3A_52 = arith.constant 0 : index
    %swap3A_53 = vector.load %arg7[%swap3A, %swap3A_52] : memref<10000x128xf32, #tpu.memory_space<vmem>>, vector<10000x128xf32>
    tpu.vector_store %arg7[%swap3A, %swap3A_52], %mul3A_51 {strides = array<i32>} : memref<10000x128xf32, #tpu.memory_space<vmem>>, vector<10000x128xf32>,
    return
  }
}

module attributes {stable_mosaic.version = 14 : i64} {
  func.func @_final_body(%arg0: memref<20224x128xf32, #tpu.memory_space<vmem>>, %arg1: memref<10000x128xf32, #tpu.memory_space<vmem>>, %arg2: memref<10000x1xf32, #tpu.memory_space<vmem>>, %arg3: memref<128xf32, #tpu.memory_space<vmem>>, %arg4: memref<10000x1xi32, #tpu.memory_space<vmem>>, %arg5: memref<64x128xf32, #tpu.memory_space<vmem>>) attributes {dimension_semantics = [], scalar_prefetch = 0 : i64, scratch_operands = 0 : i64, tpu.core_type = #tpu.core_type<tc>} {
    %get3A = arith.constant 0 : index
    %get3A_0 = arith.constant 0 : index
    %get3A_1 = vector.load %arg2[%get3A, %get3A_0] : memref<10000x1xf32, #tpu.memory_space<vmem>>, vector<10000x1xf32>
    %get3A_2 = arith.constant 0 : index
    %get3A_3 = arith.constant 0 : index
    %get3A_4 = vector.load %arg0[%get3A_2, %get3A_3] : memref<20224x128xf32, #tpu.memory_space<vmem>>, vector<10000x128xf32>
    %get3A_5 = arith.constant 10112 : index
    %get3A_6 = arith.constant 0 : index
    %get3A_7 = vector.load %arg0[%get3A_5, %get3A_6] : memref<20224x128xf32, #tpu.memory_space<vmem>>, vector<10000x128xf32>
    %add3A = arith.addf %get3A_4, %get3A_7 : vector<10000x128xf32>
    %get3A_8 = arith.constant 0 : index
    %get3A_9 = arith.constant 0 : index
    %get3A_10 = vector.load %arg1[%get3A_8, %get3A_9] : memref<10000x128xf32, #tpu.memory_space<vmem>>, vector<10000x128xf32>
    %add3A_11 = arith.addf %add3A, %get3A_10 : vector<10000x128xf32>
    %mul3A = vector.broadcast %get3A_1 : vector<10000x1xf32> to vector<10000x128xf32>
    %mul3A_12 = arith.mulf %mul3A, %add3A_11 : vector<10000x128xf32>
    %get3A_13 = arith.constant 0 : index
    %get3A_14 = vector.load %arg3[%get3A_13] : memref<128xf32, #tpu.memory_space<vmem>>, vector<128xf32>
    %broadcast_in_dim3A = vector.shape_cast %get3A_14 : vector<128xf32> to vector<1x128xf32>
    %add3A_15 = vector.broadcast %broadcast_in_dim3A : vector<1x128xf32> to vector<10000x128xf32>
    %add3A_16 = arith.addf %mul3A_12, %add3A_15 : vector<10000x128xf32>
    %max3A = arith.constant 0.000000e+00 : f32
    %max3A_17 = vector.broadcast %max3A : f32 to vector<10000x128xf32>
    %max3A_18 = arith.maximumf %add3A_16, %max3A_17 : vector<10000x128xf32>
    %iota3A = tpu.iota {dimensions = array<i32: 1>} : vector<10000x64xi32>
    %get3A_19 = arith.constant 0 : index
    %get3A_20 = arith.constant 0 : index
    %get3A_21 = vector.load %arg4[%get3A_19, %get3A_20] : memref<10000x1xi32, #tpu.memory_space<vmem>>, vector<10000x1xi32>
    %eq3A = vector.broadcast %get3A_21 : vector<10000x1xi32> to vector<10000x64xi32>
    %eq3A_22 = arith.cmpi eq, %eq3A, %iota3A : vector<10000x64xi32>
    %convert_element_type3A = arith.extui %eq3A_22 : vector<10000x64xi1> to vector<10000x64xi32>
    %convert_element_type3A_23 = arith.sitofp %convert_element_type3A : vector<10000x64xi32> to vector<10000x64xf32>
    %dot_general3A = arith.constant dense<0.000000e+00> : vector<64x128xf32>
    %dot_general3A_24 = tpu.matmul %convert_element_type3A_23, %max3A_18, %dot_general3A {dimension_numbers = #tpu.dot_dimension_numbers<[0], [0], [1], [1], [0, 1, 1, 1], [], []>, transpose_lhs_hint = false} : vector<10000x64xf32>, vector<10000x128xf32>, vector<64x128xf32> -> vector<64x128xf32>
    %swap3A = arith.constant 0 : index
    %swap3A_25 = arith.constant 0 : index
    %swap3A_26 = vector.load %arg5[%swap3A, %swap3A_25] : memref<64x128xf32, #tpu.memory_space<vmem>>, vector<64x128xf32>
    tpu.vector_store %arg5[%swap3A, %swap3A_25], %dot_general3A_24 {strides = array<i32>} : memref<64x128xf32, #tpu.memory_space<vmem>>, vector<64x128xf32>,
    return
  }
}

</mosaic_0001>

<sc_bundles>
// kernel: kernel.16.cloned.1.call-start
scs
__scs_entry_jumppad:
0x0: {  	(pc) =	sbr.rel $0x88, $3  }
0x1: {  	(tag) =	ssettag $0x0;
	lr =	simm.s32 $0x1  }
0x2: {  	[smem:$0x3F88] =	sst lr;
	_ =	strace $0xD0000000  }
0x3: {  	_ = 	snop  }
0x4: {  	_ = 	snop  }
0x5: {  	_ = 	snop  }
0x6: {  	_ = 	snop  }
0x7: {  	_ = 	snop  }
__scs_overlays_trampoline_lowered:
0x8: {  	[smem:$0x3F97] =	sst s0  }
0x9: {  	[smem:$0x3F98] =	sst s1  }
0xa: {  	[smem:$0x3F99] =	sst s2  }
0xb: {  	[smem:$0x3F9A] =	sst s3  }
0xc: {  	[smem:$0x3F9B] =	sst s4  }
0xd: {  	[smem:$0x3F9C] =	sst s5  }
0xe: {  	[smem:$0x3F9D] =	sst s6  }
0xf: {  	[smem:$0x3F9E] =	sst s7  }
0x10: {  	[smem:$0x3F9F] =	sst s8  }
0x11: {  	[smem:$0x3FA0] =	sst s9;
	s0 =	simm.s32 @!p0 $0x0  }
0x12: {  	s1 =	sld [smem:$0x3F86];
	s0 =	simm.s32 @p0 $0x1  }
0x13: {  	[smem:$0x3FA1] =	sst s0;
	s0 =	simm.s32 @!p1 $0x0  }
0x14: {  	s2 =	sld [smem:$0x3F85];
	s0 =	simm.s32 @p1 $0x1  }
0x15: {  	[smem:$0x3FA2] =	sst s0;
	s0 =	simm.s32 @!p2 $0x0  }
0x16: {  	s3 =	sld [smem:$0x3FDB];
	s0 =	simm.s32 @p2 $0x1  }
0x17: {  	s4 =	simm.s32 $0x1BF5;
	[smem:$0x3FA4] =	sst s0  }
0x18: {  	s0 =	sld [smem:$0x3F87];
	_ =	swait.ge [sflag:s4], $0x0  }
0x19: {  	s7 =	sld [smem:$0x3F88]  }
0x1a: {  	s8 =	sadd.s32 $0xFFFFE003, lr  }
0x1b: {  	s9 =	sadd.s32 $0xFFFFFEF7, lr;
	s5 =	simm.s32 $0xFFFFFFFF;
	p2 =	slt.u32 s8, $0xFFFFF086  }
0x1c: {  	p1 =	slt.u32 s9, $0xF7A;
	s5 =	simm.s32 @!p2 $0x0  }
0x1d: {  	s5 =	simm.s32 @p1 $0x1;
	p0 =	seq.s32 s7, s2  }
0x1e: {  	s7 =	smul.u32 @!p0 $0xF7A, s2;
	p2 =	seq.s32 @!p0 s5, $0x0  }
0x1f: {  	s9 =	smul.u32 $0xF7A, s1;
	s8 =	simm.s32 @!p0 $0x1BF5;
	p2 =	por !p2, p0  }
0x20: {  	[sflag:s8] =	ssyncset.s32 @!p0 $0xFFFFF086;
	s6 =	sadd.s32 @!p0 s3, s7;
	s7 =	simm.s32 @!p0 $0x108  }
0x21: {  	s3 =	sadd.s32 s3, s9;
	s6 =	sadd.s32 @!p0 $0x88, s6;
	s7 =	simm.s32 @p2 $0x1082  }
0x22: {  	[simem:s7], [sflag:s8] =	dma.local @!p0 [hbm:s6], $0xF7A  }
0x23: {  	s9 =	sor.u32 $0xD0000000, s2;
	s6 =	simm.s32 $0x108;
	_ =	swait.ge @!p0 [sflag:s8], $0x0  }
0x24: {  	s3 =	sadd.s32 $0x88, s3;
	s6 =	simm.s32 @!p1 $0x1082;
	[sflag:s4] =	ssyncset.s32 $0xFFFFF086  }
0x25: {  	[simem:s6], [sflag:s4] =	dma.local [hbm:s3], $0xF7A  }
0x26: {  	[smem:$0x3F88] =	sst s1;
	(tag) =	ssettag s2;
	_ =	strace s9  }
0x27: {  	s1 =	sld [smem:$0x3F98]  }
0x28: {  	s2 =	sld [smem:$0x3F99]  }
0x29: {  	s4 =	sld [smem:$0x3F9B]  }
0x2a: {  	p0 =	seq.s32 s5, $0x0;
	s5 =	sld [smem:$0x3F9C]  }
0x2b: {  	s6 =	sld [smem:$0x3F9D]  }
0x2c: {  	s7 =	sld [smem:$0x3F9E]  }
0x2d: {  	s3 =	simm.s32 $0x108;
	s8 =	sld [smem:$0x3F9F]  }
0x2e: {  	s3 =	simm.s32 @!p0 $0x1082;
	s9 =	sld [smem:$0x3FA0]  }
0x2f: {  	lr =	sadd.s32 s0, s3;
	s0 =	sld [smem:$0x3F97]  }
0x30: {  	s3 =	sld [smem:$0x3F9A]  }
0x31: {  	[smem:$0x3FA3] =	sst s10  }
0x32: {  	s10 =	sld [smem:$0x3FA1];
	_ =	sdelay $0x3  }
0x33: {  	p0 =	seq.s32 s10, $0x1;
	s10 =	sld [smem:$0x3FA3];
	_ =	sdelay $0x3  }
0x34: {  	[smem:$0x3FA3] =	sst s10  }
0x35: {  	s10 =	sld [smem:$0x3FA2];
	_ =	sdelay $0x3  }
0x36: {  	p1 =	seq.s32 s10, $0x1;
	s10 =	sld [smem:$0x3FA3];
	_ =	sdelay $0x3  }
0x37: {  	[smem:$0x3FA3] =	sst s10  }
0x38: {  	s10 =	sld [smem:$0x3FA4]  }
0x39: {  	_ = 	snop;
	(pc) =	sbr.ind lr, $3  }
0x3a: {  	_ = 	snop  }
0x3b: {  	_ = 	snop  }
0x3c: {  	p2 =	seq.s32 s10, $0x1;
	s10 =	sld [smem:$0x3FA3]  }
0x3d: {  	_ =	shalt  }
0x3e: {  	_ =	shalt  }
0x3f: {  	_ =	shalt  }
0x40: {  	_ =	shalt  }
0x41: {  	_ =	shalt  }
0x42: {  	_ =	shalt  }
0x43: {  	_ =	shalt  }
0x44: {  	_ =	shalt  }
0x45: {  	_ =	shalt  }
0x46: {  	_ =	shalt  }
0x47: {  	_ =	shalt  }
0x48: {  	_ =	shalt  }
0x49: {  	_ =	shalt  }
0x4a: {  	_ =	shalt  }
0x4b: {  	_ =	shalt  }
0x4c: {  	_ =	shalt  }
0x4d: {  	_ =	shalt  }
0x4e: {  	_ =	shalt  }
0x4f: {  	_ =	shalt  }
0x50: {  	_ =	shalt  }
0x51: {  	_ =	shalt  }
0x52: {  	_ =	shalt  }
0x53: {  	_ =	shalt  }
0x54: {  	_ =	shalt  }
0x55: {  	_ =	shalt  }
0x56: {  	_ =	shalt  }
0x57: {  	_ =	shalt  }
0x58: {  	_ =	shalt  }
0x59: {  	_ =	shalt  }
0x5a: {  	_ =	shalt  }
0x5b: {  	_ =	shalt  }
0x5c: {  	_ =	shalt  }
0x5d: {  	_ =	shalt  }
0x5e: {  	_ =	shalt  }
0x5f: {  	_ =	shalt  }
0x60: {  	_ =	shalt  }
0x61: {  	_ =	shalt  }
0x62: {  	_ =	shalt  }
0x63: {  	_ =	shalt  }
0x64: {  	_ =	shalt  }
0x65: {  	_ =	shalt  }
0x66: {  	_ =	shalt  }
0x67: {  	_ =	shalt  }
0x68: {  	_ =	shalt  }
0x69: {  	_ =	shalt  }
0x6a: {  	_ =	shalt  }
0x6b: {  	_ =	shalt  }
0x6c: {  	_ =	shalt  }
0x6d: {  	_ =	shalt  }
0x6e: {  	_ =	shalt  }
0x6f: {  	_ =	shalt  }
0x70: {  	_ =	shalt  }
0x71: {  	_ =	shalt  }
0x72: {  	_ =	shalt  }
0x73: {  	_ =	shalt  }
0x74: {  	_ =	shalt  }
0x75: {  	_ =	shalt  }
0x76: {  	_ =	shalt  }
0x77: {  	_ =	shalt  }
0x78: {  	_ =	shalt  }
0x79: {  	_ =	shalt  }
0x7a: {  	_ =	shalt  }
0x7b: {  	_ =	shalt  }
0x7c: {  	_ =	shalt  }
0x7d: {  	_ =	shalt  }
0x7e: {  	_ =	shalt  }
0x7f: {  	_ =	shalt  }
0x80: {  	_ =	shalt  }
0x81: {  	_ =	shalt  }
0x82: {  	_ =	shalt  }
0x83: {  	_ =	shalt  }
0x84: {  	_ =	shalt  }
0x85: {  	_ =	shalt  }
0x86: {  	_ =	shalt  }
0x87: {  	_ =	shalt  }
.Lfunc_end0:
.L_simem_size_0:
called_computation_lowered:
.L_overlay_start_0:
0x88: {  	s2 =	sld [smem:$0x3FD9]  }
0x89: {  	s3 =	sld [smem:$0x3FFE];
	_ =	sdelay $0x1  }
0x8a: {  	s1 =	srdreg.scid  }
0x8b: {  	s0 =	sand.u32 $0x1, s1  }
0x8c: {  	s16 =	sshll.u32 s0, $0xA;
	s2 =	sadd.s32 s3, s2  }
0x8d: {  	s2 =	sadd.s32 s2, s16  }
0x8e: {  	[smem:$0x3FAF] =	sst s2  }
0x8f: {  	_ = 	snop  }
0x90: {  	(tm) =	ssettm $0x1  }
0x91: {  	s17 =	sld [smem:$0x3FFB];
	_ =	sdelay $0x3  }
0x92: {  	_ =	strace s17  }
0x93: {  	s2 =	sld [smem:$0x3FFC];
	_ =	sdelay $0x3  }
0x94: {  	_ =	strace s2  }
0x95: {  	s2 =	sld [smem:$0x3FFD];
	_ =	sdelay $0x3  }
0x96: {  	_ =	strace s2  }
0x97: {  	_ =	strace $0x8FFFFFFF  }
0x98: {  	s18 =	sld [smem:$0x3FDB];
	_ =	sdelay $0x1  }
0x99: {  	s19 =	simm.s32 $_scs_section_size  }
0x9a: {  	s4 =	simm.s32 $_size__tile_overlayer_lowered;
	s5 =	simm.s32 $_tile_overlayer_lowered  }
0x9b: {  	s22 =	simm.s32 $0x1BFF;
	s21 =	sshll.u32 s5, $0x1;
	s2 =	sadd.s32 s19, s18  }
0x9c: {  	s6 =	simm.s32 $0x0;
	s20 =	sshll.u32 s4, $0x1;
	s4 =	sadd.s32 s21, s2  }
0x9d: {  	[timem:s6], [sflag:s22] =	dma.local [hbm:s4], s20  }
0x9e: {  	_ =	swait.ge [sflag:s22], s20  }
0x9f: {  	s3 =	ssub.s32 $0x0, s20;
	[sflag:s22] =	ssyncset.done $0x0  }
0xa0: {  	[sflag:s22] =	ssyncadd.s32 s3;
	_ =	sdelay $0x1  }
0xa1: {  	s23 =	simm.s32 $0x1B8B  }
0xa2: {  	_ =	swait.ge [sflag:s23], $0x1  }
0xa3: {  	[sflag:s23] =	ssyncset.done $0x0  }
0xa4: {  	s25 =	simm.s32 $0x1B8E;
	s24 =	sld [smem:$0x3FFE];
	[sflag:s23] =	ssyncadd.s32 $0xFFFFFFFF  }
0xa5: {  	s26 =	simm.s32 $execute0_lowered;
	[smem:$0x3FD2] =	sst s25  }
0xa6: {  	s4 =	sshll.u32 s26, $0x1;
	_ =	strace $0x80000046;
	[dreg:$0x1] =	wrdreg $0xFFFFFFFF  }
0xa7: {  	s28 =	simm.s32 $_size_execute0_lowered;
	s2 =	sadd.s32 s2, s4;
	[dreg:$0x0] =	wrdreg $0x0  }
0xa8: {  	s4 =	sshll.u32 s28, $0x1;
	[dreg:$0x2] =	wrdreg s2  }
0xa9: {  	[dreg:$0x3] =	wrdreg s4  }
0xaa: {  	[dreg:$0x4] =	wrdreg $0xC0  }
0xab: {  	_ =	task [dreg:s6], $0x5FFFF  }
0xac: {  	[dreg:$0x1] =	wrdreg $0xFFFFFFFF  }
0xad: {  	[dreg:$0x0] =	wrdreg $0x60  }
0xae: {  	[dreg:$0x2] =	wrdreg s24  }
0xaf: {  	[dreg:$0x3] =	wrdreg $0x68000  }
0xb0: {  	[dreg:$0x4] =	wrdreg $0x9  }
0xb1: {  	_ =	task.clear_ibuf [dreg:s6], $0x5FFFF;
	_ =	strace $0x90000046  }
0xb2: {  	s29 =	simm.s32 $0x9;
	_ =	strace $0x80000048  }
0xb3: {  	_ =	swait.ge [sflag:s29], $0x1  }
0xb4: {  	[sflag:s29] =	ssyncadd.s32 $0xFFFFFFFF  }
0xb5: {  	_ =	strace $0x90000048  }
0xb6: {  	_ =	sfence  }
0xb7: {  	s30 =	sld [smem:$0x0];
	_ =	sdelay $0x2  }
0xb8: {  	s31 =	sshll.u32 s1, $0xD;
	s1 =	sshrl.u32 s1, $0x2  }
0xb9: {  	s3 =	sand.u32 $0x4000, s31;
	s1 =	sadd.s32 s1, s30  }
0xba: {  	s0 =	sor.u32 s3, s0;
	s1 =	sshll.u32 s1, $0x11  }
0xbb: {  	s0 =	sor.u32 s1, s0  }
0xbc: {  	s0 =	sadd.s32 $0x8F2B, s0  }
0xbd: {  	[sflag:s0] =	ssyncadd.remote.s32 $0x1  }
0xbe: {  	_ =	sfence.sel $0xFFFF  }
0xbf: {  	[dreg:$0x0] =	wrdreg $0xFFFFFFFF;
	(pc) =	sbr.abs _section_cstart, $3  }
0xc0: {  	[dreg:$0x1] =	wrdreg $0xFFFFFFFF  }
0xc1: {  	_ =	task.clear_ibuf [dreg:s6], $0x2FFFF;
	_ =	strace $0x9FFFFFFF  }
0xc2: {  	(tm) =	ssettm $0x7FFFFFFF  }
0xc3: {  	_ =	shalt  }
tec
execute0_lowered:
.L_overlay_start_1:
0x0: {  	(tag) =	ssettag $0x1  }
0x1: {  	s1 =	srdreg.scid  }
0x2: {  	s0 =	stileid.u32;
	s5 =	rddreg [dreg:$0x0]  }
0x3: {  	s2 =	rddreg [dreg:$0x1];
	s3 =	simm.s32 $0x0;
	s13 =	simm.s32 $0x80  }
0x4: {  	s14 =	simm.s32 $0x0;
	s6 =	sand.u32 $0x1, s1;
	s1 =	rddreg [dreg:$0x2]  }
0x5: {  	s28 =	sshll.u32 s0, $0x1;
	[smem:$0x7FF] =	sst s3;
	s7 =	smul.u32 $0x2780, s0  }
0x6: {  	s10 =	smul.u32 $0x4F000, s0;
	s31 =	sshll.u32 s0, $0x6;
	s4 =	sor.u32 s6, s28  }
0x7: {  	_ =	strace $0x80000047;
	s9 =	smul.u32 $0x27800, s6;
	s6 =	ssub.s32 $0x2, s6  }
0x8: {  	s4 =	smul.u32 $0x500, s4;
	s11 =	sadd.s32 s7, s5;
	s29 =	sshrl.u32 s6, $0x1  }
0x9: {  	s30 =	sshrl.u32 s10, $0x2;
	s7 =	sadd.s32 s7, s9;
	s9 =	ssub.s32 s6, s29  }
0xa: {  	s10 =	sadd.s32 s30, s2;
	s6 =	sor.u32 $0x1C01, s31;
	s8 =	sadd.s32 s4, s5  }
0xb: {  	s4 =	sadd.s32 $0x37C00, s5;
	s12 =	sadd.s32 s7, s5;
	s5 =	sadd.s32 $0x10400, s11  }
0xc: {  	s9 =	smax.u32 s9, $0x1;
	s10 =	sshrl.u32 s10, $0x3;
	s11 =	simm.s32 $0x1  }
0xd: {  	s7 =	sadd.s32 $0x6400, s8;
	s8 =	sadd.s32 $0x38400, s12;
	s12 =	simm.s32 $0x2800  }
.LBB2_1:
0xe: {  	[spmem:s10], [sflag:s6] =	dma.local [hbm:s5], $0x2780  }
0xf: {  	_ =	swait.ge [sflag:s11], $0x2780  }
0x10: {  	[sflag:s11] =	ssyncset.done $0x0  }
0x11: {  	[sflag:s11] =	ssyncadd.s32 $0xFFFFD880  }
0x12: {  	[tilespmem:s12], [sflag:$0x1] =	stream.linear.gather [hbm4b:s4+s3], $0x4000, $0x38;
	[tilespmem:$0x1A400] =	vst v63  }
0x13: {  	_ =	swait.ge [sflag:s11], $0x4000  }
0x14: {  	[sflag:s11] =	ssyncset.done $0x0  }
0x15: {  	[sflag:s11] =	ssyncadd.s32 $0xFFFFC000  }
0x16: {  	[tilespmem:s3], [sflag:$0x1] =	stream.linear.gather [hbm4b:s7+s3], $0x2780, $0x38;
	[tilespmem:$0x1A400] =	vst v63  }
0x17: {  	_ =	swait.ge [sflag:s11], $0x2780  }
0x18: {  	[sflag:s11] =	ssyncset.done $0x0  }
0x19: {  	[sflag:s11] =	ssyncadd.s32 $0xFFFFD880  }
0x1a: {  	s15 =	simm.s32 $0x0;
	[bflag:$0x0] =	sbarrier.arrive $0xFFFF  }
0x1b: {  	[spmem:s2] =	stream.indirect.scatter.add.f32 [tilespmem:s12], [sflag:$0x1], $0x80, s15, s13, $0xb8;
	[tilespmem:$0x1A400] =	vst v63  }
0x1c: {  	_ =	swait.ge [sflag:s11], $0x4000  }
0x1d: {  	s15 =	simm.s32 $0x200;
	[sflag:s11] =	ssyncset.done $0x0  }
.LBB2_2:
0x1e: {  	s16 =	sshra.s32 s15, $0x2;
	[sflag:s11] =	ssyncadd.s32 $0xFFFFC000;
	p0 =	sne.s32 s15, $0x9C00  }
0x1f: {  	[spmem:s2] =	stream.indirect.scatter.add.f32 [tilespmem:s12], [sflag:$0x1], $0x80, s16, s13, $0xb8;
	[tilespmem:$0x1A400] =	vst v63  }
.Ltmp0:
0x20: {  	_ = 	snop;
	(pc) =	sbr.rel @p0 .LBB2_2-.Ltmp0, $4  }
0x21: {  	_ = 	snop  }
0x22: {  	s15 =	sadd.s32 $0x200, s15  }
0x23: {  	_ =	swait.ge [sflag:s11], $0x4000  }
0x24: {  	[sflag:s11] =	ssyncset.done $0x0  }
0x25: {  	s14 =	sadd.s32 $0x1, s14  }
0x26: {  	[sflag:s11] =	ssyncadd.s32 $0xFFFFC000;
	p0 =	sne.s32 s14, s9  }
.Ltmp1:
0x27: {  	[bflag:$0x0] =	sbarrier.arrive $0xFFFF;
	(pc) =	sbr.rel @p0 .LBB2_1-.Ltmp1, $4  }
0x28: {  	[hbm:s8], [sflag:s6] =	dma.local [spmem:s10], $0x2780  }
0x29: {  	_ =	swait.ge [sflag:s11], $0x2780  }
0x2a: {  	[sflag:s11] =	ssyncset.done $0x0  }
0x2b: {  	[sflag:s11] =	ssyncadd.s32 $0xFFFFD880  }
0x2c: {  	_ =	sfence.sel $0x180000  }
0x2d: {  	[bflag:$0x0] =	sbarrier.arrive $0xFFFF  }
0x2e: {  	p0 =	sne.s32 s0, $0x0;
	_ =	strace $0x90000047  }
0x2f: {  	s0 =	sadd.s32 @!p0 $0x100000, s1;
	[bflag:$0x2] =	sbarrier.arrive $0xFFFF  }
0x30: {  	[sflag:s0] =	ssyncadd.tile.s32 @!p0 $0x1;
	_ =	shalt  }
.Lfunc_end2:
_tile_overlayer_lowered:
.L_overlay_start_2:
0x31: {  	(tag) =	ssettag $0x2  }
0x32: {  	s0 =	rddreg [dreg:$0x0];
	s2 =	stileid.u32  }
0x33: {  	s1 =	rddreg [dreg:$0x1];
	p0 =	sne.s32 s2, $0x0  }
0x34: {  	s3 =	rddreg [dreg:$0x2];
	[bflag:$0x3] =	sbarrier.arrive $0xFFFF;
	s2 =	simm.s32 @!p0 $0x1C01  }
0x35: {  	[timem:s3], [sflag:s2] =	dma.local @!p0 [hbm:s0], s1  }
0x36: {  	s0 =	simm.s32 @!p0 $0x1  }
0x37: {  	_ =	swait.ge @!p0 [sflag:s0], s1  }
0x38: {  	s1 =	ssub.s32 @!p0 $0x0, s1;
	[sflag:s0] =	ssyncset.done @!p0 $0x0  }
0x39: {  	[sflag:s0] =	ssyncadd.s32 @!p0 s1  }
0x3a: {  	[bflag:$0x3] =	sbarrier.arrive $0xFFFF  }
0x3b: {  	_ =	shalt  }

// kernel: kernel.19.cloned.1.call-start
scs
__scs_entry_jumppad:
0x0: {  	(pc) =	sbr.rel $0x88, $3  }
0x1: {  	(tag) =	ssettag $0x0;
	lr =	simm.s32 $0x1  }
0x2: {  	[smem:$0x3F88] =	sst lr;
	_ =	strace $0xD0000000  }
0x3: {  	_ = 	snop  }
0x4: {  	_ = 	snop  }
0x5: {  	_ = 	snop  }
0x6: {  	_ = 	snop  }
0x7: {  	_ = 	snop  }
__scs_overlays_trampoline_lowered:
0x8: {  	[smem:$0x3F97] =	sst s0  }
0x9: {  	[smem:$0x3F98] =	sst s1  }
0xa: {  	[smem:$0x3F99] =	sst s2  }
0xb: {  	[smem:$0x3F9A] =	sst s3  }
0xc: {  	[smem:$0x3F9B] =	sst s4  }
0xd: {  	[smem:$0x3F9C] =	sst s5  }
0xe: {  	[smem:$0x3F9D] =	sst s6  }
0xf: {  	[smem:$0x3F9E] =	sst s7  }
0x10: {  	[smem:$0x3F9F] =	sst s8  }
0x11: {  	[smem:$0x3FA0] =	sst s9;
	s0 =	simm.s32 @!p0 $0x0  }
0x12: {  	s1 =	sld [smem:$0x3F86];
	s0 =	simm.s32 @p0 $0x1  }
0x13: {  	[smem:$0x3FA1] =	sst s0;
	s0 =	simm.s32 @!p1 $0x0  }
0x14: {  	s2 =	sld [smem:$0x3F85];
	s0 =	simm.s32 @p1 $0x1  }
0x15: {  	[smem:$0x3FA2] =	sst s0;
	s0 =	simm.s32 @!p2 $0x0  }
0x16: {  	s3 =	sld [smem:$0x3FDB];
	s0 =	simm.s32 @p2 $0x1  }
0x17: {  	s4 =	simm.s32 $0x1BF5;
	[smem:$0x3FA4] =	sst s0  }
0x18: {  	s0 =	sld [smem:$0x3F87];
	_ =	swait.ge [sflag:s4], $0x0  }
0x19: {  	s7 =	sld [smem:$0x3F88]  }
0x1a: {  	s8 =	sadd.s32 $0xFFFFE003, lr  }
0x1b: {  	s9 =	sadd.s32 $0xFFFFFEF7, lr;
	s5 =	simm.s32 $0xFFFFFFFF;
	p2 =	slt.u32 s8, $0xFFFFF086  }
0x1c: {  	p1 =	slt.u32 s9, $0xF7A;
	s5 =	simm.s32 @!p2 $0x0  }
0x1d: {  	s5 =	simm.s32 @p1 $0x1;
	p0 =	seq.s32 s7, s2  }
0x1e: {  	s7 =	smul.u32 @!p0 $0xF7A, s2;
	p2 =	seq.s32 @!p0 s5, $0x0  }
0x1f: {  	s9 =	smul.u32 $0xF7A, s1;
	s8 =	simm.s32 @!p0 $0x1BF5;
	p2 =	por !p2, p0  }
0x20: {  	[sflag:s8] =	ssyncset.s32 @!p0 $0xFFFFF086;
	s6 =	sadd.s32 @!p0 s3, s7;
	s7 =	simm.s32 @!p0 $0x108  }
0x21: {  	s3 =	sadd.s32 s3, s9;
	s6 =	sadd.s32 @!p0 $0x88, s6;
	s7 =	simm.s32 @p2 $0x1082  }
0x22: {  	[simem:s7], [sflag:s8] =	dma.local @!p0 [hbm:s6], $0xF7A  }
0x23: {  	s9 =	sor.u32 $0xD0000000, s2;
	s6 =	simm.s32 $0x108;
	_ =	swait.ge @!p0 [sflag:s8], $0x0  }
0x24: {  	s3 =	sadd.s32 $0x88, s3;
	s6 =	simm.s32 @!p1 $0x1082;
	[sflag:s4] =	ssyncset.s32 $0xFFFFF086  }
0x25: {  	[simem:s6], [sflag:s4] =	dma.local [hbm:s3], $0xF7A  }
0x26: {  	[smem:$0x3F88] =	sst s1;
	(tag) =	ssettag s2;
	_ =	strace s9  }
0x27: {  	s1 =	sld [smem:$0x3F98]  }
0x28: {  	s2 =	sld [smem:$0x3F99]  }
0x29: {  	s4 =	sld [smem:$0x3F9B]  }
0x2a: {  	p0 =	seq.s32 s5, $0x0;
	s5 =	sld [smem:$0x3F9C]  }
0x2b: {  	s6 =	sld [smem:$0x3F9D]  }
0x2c: {  	s7 =	sld [smem:$0x3F9E]  }
0x2d: {  	s3 =	simm.s32 $0x108;
	s8 =	sld [smem:$0x3F9F]  }
0x2e: {  	s3 =	simm.s32 @!p0 $0x1082;
	s9 =	sld [smem:$0x3FA0]  }
0x2f: {  	lr =	sadd.s32 s0, s3;
	s0 =	sld [smem:$0x3F97]  }
0x30: {  	s3 =	sld [smem:$0x3F9A]  }
0x31: {  	[smem:$0x3FA3] =	sst s10  }
0x32: {  	s10 =	sld [smem:$0x3FA1];
	_ =	sdelay $0x3  }
0x33: {  	p0 =	seq.s32 s10, $0x1;
	s10 =	sld [smem:$0x3FA3];
	_ =	sdelay $0x3  }
0x34: {  	[smem:$0x3FA3] =	sst s10  }
0x35: {  	s10 =	sld [smem:$0x3FA2];
	_ =	sdelay $0x3  }
0x36: {  	p1 =	seq.s32 s10, $0x1;
	s10 =	sld [smem:$0x3FA3];
	_ =	sdelay $0x3  }
0x37: {  	[smem:$0x3FA3] =	sst s10  }
0x38: {  	s10 =	sld [smem:$0x3FA4]  }
0x39: {  	_ = 	snop;
	(pc) =	sbr.ind lr, $3  }
0x3a: {  	_ = 	snop  }
0x3b: {  	_ = 	snop  }
0x3c: {  	p2 =	seq.s32 s10, $0x1;
	s10 =	sld [smem:$0x3FA3]  }
0x3d: {  	_ =	shalt  }
0x3e: {  	_ =	shalt  }
0x3f: {  	_ =	shalt  }
0x40: {  	_ =	shalt  }
0x41: {  	_ =	shalt  }
0x42: {  	_ =	shalt  }
0x43: {  	_ =	shalt  }
0x44: {  	_ =	shalt  }
0x45: {  	_ =	shalt  }
0x46: {  	_ =	shalt  }
0x47: {  	_ =	shalt  }
0x48: {  	_ =	shalt  }
0x49: {  	_ =	shalt  }
0x4a: {  	_ =	shalt  }
0x4b: {  	_ =	shalt  }
0x4c: {  	_ =	shalt  }
0x4d: {  	_ =	shalt  }
0x4e: {  	_ =	shalt  }
0x4f: {  	_ =	shalt  }
0x50: {  	_ =	shalt  }
0x51: {  	_ =	shalt  }
0x52: {  	_ =	shalt  }
0x53: {  	_ =	shalt  }
0x54: {  	_ =	shalt  }
0x55: {  	_ =	shalt  }
0x56: {  	_ =	shalt  }
0x57: {  	_ =	shalt  }
0x58: {  	_ =	shalt  }
0x59: {  	_ =	shalt  }
0x5a: {  	_ =	shalt  }
0x5b: {  	_ =	shalt  }
0x5c: {  	_ =	shalt  }
0x5d: {  	_ =	shalt  }
0x5e: {  	_ =	shalt  }
0x5f: {  	_ =	shalt  }
0x60: {  	_ =	shalt  }
0x61: {  	_ =	shalt  }
0x62: {  	_ =	shalt  }
0x63: {  	_ =	shalt  }
0x64: {  	_ =	shalt  }
0x65: {  	_ =	shalt  }
0x66: {  	_ =	shalt  }
0x67: {  	_ =	shalt  }
0x68: {  	_ =	shalt  }
0x69: {  	_ =	shalt  }
0x6a: {  	_ =	shalt  }
0x6b: {  	_ =	shalt  }
0x6c: {  	_ =	shalt  }
0x6d: {  	_ =	shalt  }
0x6e: {  	_ =	shalt  }
0x6f: {  	_ =	shalt  }
0x70: {  	_ =	shalt  }
0x71: {  	_ =	shalt  }
0x72: {  	_ =	shalt  }
0x73: {  	_ =	shalt  }
0x74: {  	_ =	shalt  }
0x75: {  	_ =	shalt  }
0x76: {  	_ =	shalt  }
0x77: {  	_ =	shalt  }
0x78: {  	_ =	shalt  }
0x79: {  	_ =	shalt  }
0x7a: {  	_ =	shalt  }
0x7b: {  	_ =	shalt  }
0x7c: {  	_ =	shalt  }
0x7d: {  	_ =	shalt  }
0x7e: {  	_ =	shalt  }
0x7f: {  	_ =	shalt  }
0x80: {  	_ =	shalt  }
0x81: {  	_ =	shalt  }
0x82: {  	_ =	shalt  }
0x83: {  	_ =	shalt  }
0x84: {  	_ =	shalt  }
0x85: {  	_ =	shalt  }
0x86: {  	_ =	shalt  }
0x87: {  	_ =	shalt  }
.Lfunc_end0:
.L_simem_size_0:
called_computation.1_lowered:
.L_overlay_start_0:
0x88: {  	s2 =	sld [smem:$0x3FD9]  }
0x89: {  	s3 =	sld [smem:$0x3FFE];
	_ =	sdelay $0x1  }
0x8a: {  	s1 =	srdreg.scid  }
0x8b: {  	s0 =	sand.u32 $0x1, s1  }
0x8c: {  	s16 =	sshll.u32 s0, $0xA;
	s2 =	sadd.s32 s3, s2  }
0x8d: {  	s2 =	sadd.s32 s2, s16  }
0x8e: {  	[smem:$0x3FAF] =	sst s2  }
0x8f: {  	_ = 	snop  }
0x90: {  	(tm) =	ssettm $0x1  }
0x91: {  	s17 =	sld [smem:$0x3FFB];
	_ =	sdelay $0x3  }
0x92: {  	_ =	strace s17  }
0x93: {  	s2 =	sld [smem:$0x3FFC];
	_ =	sdelay $0x3  }
0x94: {  	_ =	strace s2  }
0x95: {  	s2 =	sld [smem:$0x3FFD];
	_ =	sdelay $0x3  }
0x96: {  	_ =	strace s2  }
0x97: {  	_ =	strace $0x8FFFFFFF  }
0x98: {  	s18 =	sld [smem:$0x3FDB];
	_ =	sdelay $0x1  }
0x99: {  	s19 =	simm.s32 $_scs_section_size  }
0x9a: {  	s4 =	simm.s32 $_size__tile_overlayer_lowered;
	s5 =	simm.s32 $_tile_overlayer_lowered  }
0x9b: {  	s22 =	simm.s32 $0x1BFF;
	s21 =	sshll.u32 s5, $0x1;
	s2 =	sadd.s32 s19, s18  }
0x9c: {  	s6 =	simm.s32 $0x0;
	s20 =	sshll.u32 s4, $0x1;
	s4 =	sadd.s32 s21, s2  }
0x9d: {  	[timem:s6], [sflag:s22] =	dma.local [hbm:s4], s20  }
0x9e: {  	_ =	swait.ge [sflag:s22], s20  }
0x9f: {  	s3 =	ssub.s32 $0x0, s20;
	[sflag:s22] =	ssyncset.done $0x0  }
0xa0: {  	[sflag:s22] =	ssyncadd.s32 s3;
	_ =	sdelay $0x1  }
0xa1: {  	s23 =	simm.s32 $0x1B8B  }
0xa2: {  	_ =	swait.ge [sflag:s23], $0x1  }
0xa3: {  	[sflag:s23] =	ssyncset.done $0x0  }
0xa4: {  	s25 =	simm.s32 $0x1B8E;
	s24 =	sld [smem:$0x3FFE];
	[sflag:s23] =	ssyncadd.s32 $0xFFFFFFFF  }
0xa5: {  	s26 =	simm.s32 $execute0_lowered;
	[smem:$0x3FD2] =	sst s25  }
0xa6: {  	s4 =	sshll.u32 s26, $0x1;
	_ =	strace $0x80000049;
	[dreg:$0x1] =	wrdreg $0xFFFFFFFF  }
0xa7: {  	s28 =	simm.s32 $_size_execute0_lowered;
	s2 =	sadd.s32 s2, s4;
	[dreg:$0x0] =	wrdreg $0x0  }
0xa8: {  	s4 =	sshll.u32 s28, $0x1;
	[dreg:$0x2] =	wrdreg s2  }
0xa9: {  	[dreg:$0x3] =	wrdreg s4  }
0xaa: {  	[dreg:$0x4] =	wrdreg $0xC0  }
0xab: {  	_ =	task [dreg:s6], $0x5FFFF  }
0xac: {  	[dreg:$0x1] =	wrdreg $0xFFFFFFFF  }
0xad: {  	[dreg:$0x0] =	wrdreg $0x60  }
0xae: {  	[dreg:$0x2] =	wrdreg s24  }
0xaf: {  	[dreg:$0x3] =	wrdreg $0x90000  }
0xb0: {  	[dreg:$0x4] =	wrdreg $0x9  }
0xb1: {  	_ =	task.clear_ibuf [dreg:s6], $0x5FFFF;
	_ =	strace $0x90000049  }
0xb2: {  	s29 =	simm.s32 $0x9;
	_ =	strace $0x8000004B  }
0xb3: {  	_ =	swait.ge [sflag:s29], $0x1  }
0xb4: {  	[sflag:s29] =	ssyncadd.s32 $0xFFFFFFFF  }
0xb5: {  	_ =	strace $0x9000004B  }
0xb6: {  	_ =	sfence  }
0xb7: {  	s30 =	sld [smem:$0x0];
	_ =	sdelay $0x2  }
0xb8: {  	s31 =	sshll.u32 s1, $0xD;
	s1 =	sshrl.u32 s1, $0x2  }
0xb9: {  	s3 =	sand.u32 $0x4000, s31;
	s1 =	sadd.s32 s1, s30  }
0xba: {  	s0 =	sor.u32 s3, s0;
	s1 =	sshll.u32 s1, $0x11  }
0xbb: {  	s0 =	sor.u32 s1, s0  }
0xbc: {  	s0 =	sadd.s32 $0x8F2B, s0  }
0xbd: {  	[sflag:s0] =	ssyncadd.remote.s32 $0x1  }
0xbe: {  	_ =	sfence.sel $0xFFFF  }
0xbf: {  	[dreg:$0x0] =	wrdreg $0xFFFFFFFF;
	(pc) =	sbr.abs _section_cstart, $3  }
0xc0: {  	[dreg:$0x1] =	wrdreg $0xFFFFFFFF  }
0xc1: {  	_ =	task.clear_ibuf [dreg:s6], $0x2FFFF;
	_ =	strace $0x9FFFFFFF  }
0xc2: {  	(tm) =	ssettm $0x7FFFFFFF  }
0xc3: {  	_ =	shalt  }
tec
execute0_lowered:
.L_overlay_start_1:
0x0: {  	(tag) =	ssettag $0x1  }
0x1: {  	s1 =	srdreg.scid  }
0x2: {  	s0 =	stileid.u32;
	s5 =	rddreg [dreg:$0x0]  }
0x3: {  	s2 =	rddreg [dreg:$0x1];
	s3 =	simm.s32 $0x0;
	s15 =	simm.s32 $0x5000  }
0x4: {  	s16 =	simm.s32 $0x1;
	s17 =	simm.s32 $0x0;
	s6 =	sand.u32 $0x1, s1  }
0x5: {  	s26 =	sshll.u32 s0, $0x1;
	s1 =	rddreg [dreg:$0x2];
	s8 =	smul.u32 $0x2780, s0  }
0x6: {  	[smem:$0x7FF] =	sst s3;
	s28 =	smul.u32 $0x4F000, s0;
	s31 =	sshll.u32 s0, $0x6  }
0x7: {  	s4 =	sor.u32 s6, s26;
	_ =	strace $0x8000004A;
	s9 =	smul.u32 $0x27800, s6  }
0x8: {  	s6 =	ssub.s32 $0x2, s6;
	s7 =	smul.u32 $0x500, s4;
	s4 =	sadd.s32 $0x37C00, s5  }
0x9: {  	s11 =	sadd.s32 s8, s5;
	s29 =	sshrl.u32 s6, $0x1;
	s30 =	sshrl.u32 s28, $0x2  }
0xa: {  	s8 =	sadd.s32 s8, s9;
	s13 =	ssub.s32 s6, s29;
	s14 =	sadd.s32 s30, s2  }
0xb: {  	s6 =	sor.u32 $0x1C02, s31;
	s10 =	sadd.s32 s7, s5;
	s12 =	sadd.s32 s8, s5  }
0xc: {  	s5 =	sadd.s32 $0x10400, s11;
	s11 =	sshrl.u32 s14, $0x3;
	s14 =	simm.s32 $0x80  }
0xd: {  	s7 =	sadd.s32 $0x87400, s10;
	s8 =	sadd.s32 $0x6400, s10;
	s9 =	sadd.s32 $0x91400, s12  }
0xe: {  	s10 =	smax.u32 s13, $0x1;
	s12 =	simm.s32 $0x2;
	s13 =	simm.s32 $0x2800  }
.LBB2_1:
0xf: {  	[spmem:s11], [sflag:s6] =	dma.local [hbm:s5], $0x2780  }
0x10: {  	_ =	swait.ge [sflag:s12], $0x2780  }
0x11: {  	[sflag:s12] =	ssyncset.done $0x0  }
0x12: {  	[sflag:s12] =	ssyncadd.s32 $0xFFFFD880  }
0x13: {  	[tilespmem:s3], [sflag:$0x2] =	stream.linear.gather [hbm4b:s7+s3], $0x2780, $0x38;
	[tilespmem:$0x1CC00] =	vst v63  }
0x14: {  	_ =	swait.ge [sflag:s12], $0x2780  }
0x15: {  	[sflag:s12] =	ssyncset.done $0x0  }
0x16: {  	[sflag:s12] =	ssyncadd.s32 $0xFFFFD880  }
0x17: {  	[tilespmem:s13], [sflag:$0x2] =	stream.linear.gather [hbm4b:s8+s3], $0x2780, $0x38;
	[tilespmem:$0x1CC00] =	vst v63  }
0x18: {  	_ =	swait.ge [sflag:s12], $0x2780  }
0x19: {  	[sflag:s12] =	ssyncset.done $0x0  }
0x1a: {  	[sflag:s12] =	ssyncadd.s32 $0xFFFFD880  }
0x1b: {  	s18 =	simm.s32 $0x0;
	[bflag:$0x0] =	sbarrier.arrive $0xFFFF  }
0x1c: {  	[tilespmem:s15], [sflag:$0x1] =	stream.indirect.gather [hbm4b:s4+s14], $0x80, s18, s14, $0xb8;
	[tilespmem:$0x1CC00] =	vst v63  }
0x1d: {  	_ =	swait.ge [sflag:s16], $0x4000  }
0x1e: {  	[sflag:s16] =	ssyncset.done $0x0  }
0x1f: {  	s31 =	simm.s32 $0x2800;
	[sflag:s16] =	ssyncadd.s32 $0xFFFFC000  }
0x20: {  	[spmem:s2] =	stream.indirect.scatter.add.f32 [tilespmem:s15], [sflag:$0x2], $0x80, s31, s14, $0xb8;
	[tilespmem:$0x1CC00] =	vst v63  }
0x21: {  	_ =	swait.ge [sflag:s12], $0x4000  }
0x22: {  	s19 =	simm.s32 $0x400;
	s18 =	simm.s32 $0x200;
	[sflag:s12] =	ssyncset.done $0x0  }
.LBB2_2:
0x23: {  	s20 =	sshra.s32 s18, $0x2  }
0x24: {  	[sflag:s12] =	ssyncadd.s32 $0xFFFFC000;
	s18 =	smov.u32 s19;
	s21 =	sadd.s32 $0x200, s19  }
0x25: {  	[tilespmem:s15], [sflag:$0x1] =	stream.indirect.gather [hbm4b:s4+s14], $0x80, s20, s14, $0xb8;
	[tilespmem:$0x1CC00] =	vst v63  }
0x26: {  	p0 =	sne.s32 s19, $0x9C00;
	_ =	swait.ge [sflag:s16], $0x4000  }
.Ltmp0:
0x27: {  	[sflag:s16] =	ssyncset.done $0x0;
	(pc) =	sbr.rel @p0 .LBB2_2-.Ltmp0, $4  }
0x28: {  	s19 =	sadd.s32 $0x2800, s20;
	[sflag:s16] =	ssyncadd.s32 $0xFFFFC000  }
0x29: {  	[spmem:s2] =	stream.indirect.scatter.add.f32 [tilespmem:s15], [sflag:$0x2], $0x80, s19, s14, $0xb8;
	[tilespmem:$0x1CC00] =	vst v63  }
0x2a: {  	_ =	swait.ge [sflag:s12], $0x4000  }
0x2b: {  	s19 =	smov.u32 s21;
	[sflag:s12] =	ssyncset.done $0x0  }
0x2c: {  	s18 =	sshra.s32 s18, $0x2;
	[sflag:s12] =	ssyncadd.s32 $0xFFFFC000  }
0x2d: {  	[tilespmem:s15], [sflag:$0x1] =	stream.indirect.gather [hbm4b:s4+s14], $0x80, s18, s14, $0xb8;
	[tilespmem:$0x1CC00] =	vst v63  }
0x2e: {  	_ =	swait.ge [sflag:s16], $0x4000  }
0x2f: {  	[sflag:s16] =	ssyncset.done $0x0  }
0x30: {  	s18 =	sadd.s32 $0x2800, s18;
	[sflag:s16] =	ssyncadd.s32 $0xFFFFC000  }
0x31: {  	[spmem:s2] =	stream.indirect.scatter.add.f32 [tilespmem:s15], [sflag:$0x2], $0x80, s18, s14, $0xb8;
	[tilespmem:$0x1CC00] =	vst v63  }
0x32: {  	_ =	swait.ge [sflag:s12], $0x4000  }
0x33: {  	s17 =	sadd.s32 $0x1, s17;
	[sflag:s12] =	ssyncset.done $0x0  }
0x34: {  	p0 =	sne.s32 s17, s10;
	[sflag:s12] =	ssyncadd.s32 $0xFFFFC000  }
.Ltmp1:
0x35: {  	[bflag:$0x0] =	sbarrier.arrive $0xFFFF;
	(pc) =	sbr.rel @p0 .LBB2_1-.Ltmp1, $4  }
0x36: {  	[hbm:s9], [sflag:s6] =	dma.local [spmem:s11], $0x2780  }
0x37: {  	_ =	swait.ge [sflag:s12], $0x2780  }
0x38: {  	[sflag:s12] =	ssyncset.done $0x0  }
0x39: {  	[sflag:s12] =	ssyncadd.s32 $0xFFFFD880  }
0x3a: {  	_ =	sfence.sel $0x180000  }
0x3b: {  	[bflag:$0x0] =	sbarrier.arrive $0xFFFF  }
0x3c: {  	p0 =	sne.s32 s0, $0x0;
	_ =	strace $0x9000004A  }
0x3d: {  	s0 =	sadd.s32 @!p0 $0x100000, s1;
	[bflag:$0x2] =	sbarrier.arrive $0xFFFF  }
0x3e: {  	[sflag:s0] =	ssyncadd.tile.s32 @!p0 $0x1;
	_ =	shalt  }
.Lfunc_end2:
_tile_overlayer_lowered:
.L_overlay_start_2:
0x3f: {  	(tag) =	ssettag $0x2  }
0x40: {  	s0 =	rddreg [dreg:$0x0];
	s2 =	stileid.u32  }
0x41: {  	s1 =	rddreg [dreg:$0x1];
	p0 =	sne.s32 s2, $0x0  }
0x42: {  	s3 =	rddreg [dreg:$0x2];
	[bflag:$0x3] =	sbarrier.arrive $0xFFFF;
	s2 =	simm.s32 @!p0 $0x1C02  }
0x43: {  	[timem:s3], [sflag:s2] =	dma.local @!p0 [hbm:s0], s1  }
0x44: {  	s0 =	simm.s32 @!p0 $0x2  }
0x45: {  	_ =	swait.ge @!p0 [sflag:s0], s1  }
0x46: {  	s1 =	ssub.s32 @!p0 $0x0, s1;
	[sflag:s0] =	ssyncset.done @!p0 $0x0  }
0x47: {  	[sflag:s0] =	ssyncadd.s32 @!p0 s1  }
0x48: {  	[bflag:$0x3] =	sbarrier.arrive $0xFFFF  }
0x49: {  	_ =	shalt  }

// kernel: kernel.22.cloned.1.call-start
scs
__scs_entry_jumppad:
0x0: {  	(pc) =	sbr.rel $0x88, $3  }
0x1: {  	(tag) =	ssettag $0x0;
	lr =	simm.s32 $0x1  }
0x2: {  	[smem:$0x3F88] =	sst lr;
	_ =	strace $0xD0000000  }
0x3: {  	_ = 	snop  }
0x4: {  	_ = 	snop  }
0x5: {  	_ = 	snop  }
0x6: {  	_ = 	snop  }
0x7: {  	_ = 	snop  }
__scs_overlays_trampoline_lowered:
0x8: {  	[smem:$0x3F97] =	sst s0  }
0x9: {  	[smem:$0x3F98] =	sst s1  }
0xa: {  	[smem:$0x3F99] =	sst s2  }
0xb: {  	[smem:$0x3F9A] =	sst s3  }
0xc: {  	[smem:$0x3F9B] =	sst s4  }
0xd: {  	[smem:$0x3F9C] =	sst s5  }
0xe: {  	[smem:$0x3F9D] =	sst s6  }
0xf: {  	[smem:$0x3F9E] =	sst s7  }
0x10: {  	[smem:$0x3F9F] =	sst s8  }
0x11: {  	[smem:$0x3FA0] =	sst s9;
	s0 =	simm.s32 @!p0 $0x0  }
0x12: {  	s1 =	sld [smem:$0x3F86];
	s0 =	simm.s32 @p0 $0x1  }
0x13: {  	[smem:$0x3FA1] =	sst s0;
	s0 =	simm.s32 @!p1 $0x0  }
0x14: {  	s2 =	sld [smem:$0x3F85];
	s0 =	simm.s32 @p1 $0x1  }
0x15: {  	[smem:$0x3FA2] =	sst s0;
	s0 =	simm.s32 @!p2 $0x0  }
0x16: {  	s3 =	sld [smem:$0x3FDB];
	s0 =	simm.s32 @p2 $0x1  }
0x17: {  	s4 =	simm.s32 $0x1BF5;
	[smem:$0x3FA4] =	sst s0  }
0x18: {  	s0 =	sld [smem:$0x3F87];
	_ =	swait.ge [sflag:s4], $0x0  }
0x19: {  	s7 =	sld [smem:$0x3F88]  }
0x1a: {  	s8 =	sadd.s32 $0xFFFFE003, lr  }
0x1b: {  	s9 =	sadd.s32 $0xFFFFFEF7, lr;
	s5 =	simm.s32 $0xFFFFFFFF;
	p2 =	slt.u32 s8, $0xFFFFF086  }
0x1c: {  	p1 =	slt.u32 s9, $0xF7A;
	s5 =	simm.s32 @!p2 $0x0  }
0x1d: {  	s5 =	simm.s32 @p1 $0x1;
	p0 =	seq.s32 s7, s2  }
0x1e: {  	s7 =	smul.u32 @!p0 $0xF7A, s2;
	p2 =	seq.s32 @!p0 s5, $0x0  }
0x1f: {  	s9 =	smul.u32 $0xF7A, s1;
	s8 =	simm.s32 @!p0 $0x1BF5;
	p2 =	por !p2, p0  }
0x20: {  	[sflag:s8] =	ssyncset.s32 @!p0 $0xFFFFF086;
	s6 =	sadd.s32 @!p0 s3, s7;
	s7 =	simm.s32 @!p0 $0x108  }
0x21: {  	s3 =	sadd.s32 s3, s9;
	s6 =	sadd.s32 @!p0 $0x88, s6;
	s7 =	simm.s32 @p2 $0x1082  }
0x22: {  	[simem:s7], [sflag:s8] =	dma.local @!p0 [hbm:s6], $0xF7A  }
0x23: {  	s9 =	sor.u32 $0xD0000000, s2;
	s6 =	simm.s32 $0x108;
	_ =	swait.ge @!p0 [sflag:s8], $0x0  }
0x24: {  	s3 =	sadd.s32 $0x88, s3;
	s6 =	simm.s32 @!p1 $0x1082;
	[sflag:s4] =	ssyncset.s32 $0xFFFFF086  }
0x25: {  	[simem:s6], [sflag:s4] =	dma.local [hbm:s3], $0xF7A  }
0x26: {  	[smem:$0x3F88] =	sst s1;
	(tag) =	ssettag s2;
	_ =	strace s9  }
0x27: {  	s1 =	sld [smem:$0x3F98]  }
0x28: {  	s2 =	sld [smem:$0x3F99]  }
0x29: {  	s4 =	sld [smem:$0x3F9B]  }
0x2a: {  	p0 =	seq.s32 s5, $0x0;
	s5 =	sld [smem:$0x3F9C]  }
0x2b: {  	s6 =	sld [smem:$0x3F9D]  }
0x2c: {  	s7 =	sld [smem:$0x3F9E]  }
0x2d: {  	s3 =	simm.s32 $0x108;
	s8 =	sld [smem:$0x3F9F]  }
0x2e: {  	s3 =	simm.s32 @!p0 $0x1082;
	s9 =	sld [smem:$0x3FA0]  }
0x2f: {  	lr =	sadd.s32 s0, s3;
	s0 =	sld [smem:$0x3F97]  }
0x30: {  	s3 =	sld [smem:$0x3F9A]  }
0x31: {  	[smem:$0x3FA3] =	sst s10  }
0x32: {  	s10 =	sld [smem:$0x3FA1];
	_ =	sdelay $0x3  }
0x33: {  	p0 =	seq.s32 s10, $0x1;
	s10 =	sld [smem:$0x3FA3];
	_ =	sdelay $0x3  }
0x34: {  	[smem:$0x3FA3] =	sst s10  }
0x35: {  	s10 =	sld [smem:$0x3FA2];
	_ =	sdelay $0x3  }
0x36: {  	p1 =	seq.s32 s10, $0x1;
	s10 =	sld [smem:$0x3FA3];
	_ =	sdelay $0x3  }
0x37: {  	[smem:$0x3FA3] =	sst s10  }
0x38: {  	s10 =	sld [smem:$0x3FA4]  }
0x39: {  	_ = 	snop;
	(pc) =	sbr.ind lr, $3  }
0x3a: {  	_ = 	snop  }
0x3b: {  	_ = 	snop  }
0x3c: {  	p2 =	seq.s32 s10, $0x1;
	s10 =	sld [smem:$0x3FA3]  }
0x3d: {  	_ =	shalt  }
0x3e: {  	_ =	shalt  }
0x3f: {  	_ =	shalt  }
0x40: {  	_ =	shalt  }
0x41: {  	_ =	shalt  }
0x42: {  	_ =	shalt  }
0x43: {  	_ =	shalt  }
0x44: {  	_ =	shalt  }
0x45: {  	_ =	shalt  }
0x46: {  	_ =	shalt  }
0x47: {  	_ =	shalt  }
0x48: {  	_ =	shalt  }
0x49: {  	_ =	shalt  }
0x4a: {  	_ =	shalt  }
0x4b: {  	_ =	shalt  }
0x4c: {  	_ =	shalt  }
0x4d: {  	_ =	shalt  }
0x4e: {  	_ =	shalt  }
0x4f: {  	_ =	shalt  }
0x50: {  	_ =	shalt  }
0x51: {  	_ =	shalt  }
0x52: {  	_ =	shalt  }
0x53: {  	_ =	shalt  }
0x54: {  	_ =	shalt  }
0x55: {  	_ =	shalt  }
0x56: {  	_ =	shalt  }
0x57: {  	_ =	shalt  }
0x58: {  	_ =	shalt  }
0x59: {  	_ =	shalt  }
0x5a: {  	_ =	shalt  }
0x5b: {  	_ =	shalt  }
0x5c: {  	_ =	shalt  }
0x5d: {  	_ =	shalt  }
0x5e: {  	_ =	shalt  }
0x5f: {  	_ =	shalt  }
0x60: {  	_ =	shalt  }
0x61: {  	_ =	shalt  }
0x62: {  	_ =	shalt  }
0x63: {  	_ =	shalt  }
0x64: {  	_ =	shalt  }
0x65: {  	_ =	shalt  }
0x66: {  	_ =	shalt  }
0x67: {  	_ =	shalt  }
0x68: {  	_ =	shalt  }
0x69: {  	_ =	shalt  }
0x6a: {  	_ =	shalt  }
0x6b: {  	_ =	shalt  }
0x6c: {  	_ =	shalt  }
0x6d: {  	_ =	shalt  }
0x6e: {  	_ =	shalt  }
0x6f: {  	_ =	shalt  }
0x70: {  	_ =	shalt  }
0x71: {  	_ =	shalt  }
0x72: {  	_ =	shalt  }
0x73: {  	_ =	shalt  }
0x74: {  	_ =	shalt  }
0x75: {  	_ =	shalt  }
0x76: {  	_ =	shalt  }
0x77: {  	_ =	shalt  }
0x78: {  	_ =	shalt  }
0x79: {  	_ =	shalt  }
0x7a: {  	_ =	shalt  }
0x7b: {  	_ =	shalt  }
0x7c: {  	_ =	shalt  }
0x7d: {  	_ =	shalt  }
0x7e: {  	_ =	shalt  }
0x7f: {  	_ =	shalt  }
0x80: {  	_ =	shalt  }
0x81: {  	_ =	shalt  }
0x82: {  	_ =	shalt  }
0x83: {  	_ =	shalt  }
0x84: {  	_ =	shalt  }
0x85: {  	_ =	shalt  }
0x86: {  	_ =	shalt  }
0x87: {  	_ =	shalt  }
.Lfunc_end0:
.L_simem_size_0:
called_computation.2_lowered:
.L_overlay_start_0:
0x88: {  	s2 =	sld [smem:$0x3FD9]  }
0x89: {  	s3 =	sld [smem:$0x3FFE];
	_ =	sdelay $0x1  }
0x8a: {  	s1 =	srdreg.scid  }
0x8b: {  	s0 =	sand.u32 $0x1, s1  }
0x8c: {  	s16 =	sshll.u32 s0, $0xA;
	s2 =	sadd.s32 s3, s2  }
0x8d: {  	s2 =	sadd.s32 s2, s16  }
0x8e: {  	[smem:$0x3FAF] =	sst s2  }
0x8f: {  	_ = 	snop  }
0x90: {  	(tm) =	ssettm $0x1  }
0x91: {  	s17 =	sld [smem:$0x3FFB];
	_ =	sdelay $0x3  }
0x92: {  	_ =	strace s17  }
0x93: {  	s2 =	sld [smem:$0x3FFC];
	_ =	sdelay $0x3  }
0x94: {  	_ =	strace s2  }
0x95: {  	s2 =	sld [smem:$0x3FFD];
	_ =	sdelay $0x3  }
0x96: {  	_ =	strace s2  }
0x97: {  	_ =	strace $0x8FFFFFFF  }
0x98: {  	s18 =	sld [smem:$0x3FDB];
	_ =	sdelay $0x1  }
0x99: {  	s19 =	simm.s32 $_scs_section_size  }
0x9a: {  	s4 =	simm.s32 $_size__tile_overlayer_lowered;
	s5 =	simm.s32 $_tile_overlayer_lowered  }
0x9b: {  	s22 =	simm.s32 $0x1BFF;
	s21 =	sshll.u32 s5, $0x1;
	s2 =	sadd.s32 s19, s18  }
0x9c: {  	s6 =	simm.s32 $0x0;
	s20 =	sshll.u32 s4, $0x1;
	s4 =	sadd.s32 s21, s2  }
0x9d: {  	[timem:s6], [sflag:s22] =	dma.local [hbm:s4], s20  }
0x9e: {  	_ =	swait.ge [sflag:s22], s20  }
0x9f: {  	s3 =	ssub.s32 $0x0, s20;
	[sflag:s22] =	ssyncset.done $0x0  }
0xa0: {  	[sflag:s22] =	ssyncadd.s32 s3;
	_ =	sdelay $0x1  }
0xa1: {  	s23 =	simm.s32 $0x1B8B  }
0xa2: {  	_ =	swait.ge [sflag:s23], $0x1  }
0xa3: {  	[sflag:s23] =	ssyncset.done $0x0  }
0xa4: {  	s25 =	simm.s32 $0x1B8E;
	s24 =	sld [smem:$0x3FFE];
	[sflag:s23] =	ssyncadd.s32 $0xFFFFFFFF  }
0xa5: {  	s26 =	simm.s32 $execute0_lowered;
	[smem:$0x3FD2] =	sst s25  }
0xa6: {  	s4 =	sshll.u32 s26, $0x1;
	_ =	strace $0x8000004C;
	[dreg:$0x1] =	wrdreg $0xFFFFFFFF  }
0xa7: {  	s28 =	simm.s32 $_size_execute0_lowered;
	s2 =	sadd.s32 s2, s4;
	[dreg:$0x0] =	wrdreg $0x0  }
0xa8: {  	s4 =	sshll.u32 s28, $0x1;
	[dreg:$0x2] =	wrdreg s2  }
0xa9: {  	[dreg:$0x3] =	wrdreg s4  }
0xaa: {  	[dreg:$0x4] =	wrdreg $0xC0  }
0xab: {  	_ =	task [dreg:s6], $0x5FFFF  }
0xac: {  	[dreg:$0x1] =	wrdreg $0xFFFFFFFF  }
0xad: {  	[dreg:$0x0] =	wrdreg $0x60  }
0xae: {  	[dreg:$0x2] =	wrdreg s24  }
0xaf: {  	[dreg:$0x3] =	wrdreg $0x90000  }
0xb0: {  	[dreg:$0x4] =	wrdreg $0x9  }
0xb1: {  	_ =	task.clear_ibuf [dreg:s6], $0x5FFFF;
	_ =	strace $0x9000004C  }
0xb2: {  	s29 =	simm.s32 $0x9;
	_ =	strace $0x8000004E  }
0xb3: {  	_ =	swait.ge [sflag:s29], $0x1  }
0xb4: {  	[sflag:s29] =	ssyncadd.s32 $0xFFFFFFFF  }
0xb5: {  	_ =	strace $0x9000004E  }
0xb6: {  	_ =	sfence  }
0xb7: {  	s30 =	sld [smem:$0x0];
	_ =	sdelay $0x2  }
0xb8: {  	s31 =	sshll.u32 s1, $0xD;
	s1 =	sshrl.u32 s1, $0x2  }
0xb9: {  	s3 =	sand.u32 $0x4000, s31;
	s1 =	sadd.s32 s1, s30  }
0xba: {  	s0 =	sor.u32 s3, s0;
	s1 =	sshll.u32 s1, $0x11  }
0xbb: {  	s0 =	sor.u32 s1, s0  }
0xbc: {  	s0 =	sadd.s32 $0x8F2B, s0  }
0xbd: {  	[sflag:s0] =	ssyncadd.remote.s32 $0x1  }
0xbe: {  	_ =	sfence.sel $0xFFFF  }
0xbf: {  	[dreg:$0x0] =	wrdreg $0xFFFFFFFF;
	(pc) =	sbr.abs _section_cstart, $3  }
0xc0: {  	[dreg:$0x1] =	wrdreg $0xFFFFFFFF  }
0xc1: {  	_ =	task.clear_ibuf [dreg:s6], $0x2FFFF;
	_ =	strace $0x9FFFFFFF  }
0xc2: {  	(tm) =	ssettm $0x7FFFFFFF  }
0xc3: {  	_ =	shalt  }
tec
execute0_lowered:
.L_overlay_start_1:
0x0: {  	(tag) =	ssettag $0x1  }
0x1: {  	s1 =	srdreg.scid  }
0x2: {  	s0 =	stileid.u32;
	s5 =	rddreg [dreg:$0x0]  }
0x3: {  	s2 =	rddreg [dreg:$0x1];
	s3 =	simm.s32 $0x0;
	s15 =	simm.s32 $0x5000  }
0x4: {  	s16 =	simm.s32 $0x1;
	s17 =	simm.s32 $0x0;
	s6 =	sand.u32 $0x1, s1  }
0x5: {  	s26 =	sshll.u32 s0, $0x1;
	s1 =	rddreg [dreg:$0x2];
	s8 =	smul.u32 $0x2780, s0  }
0x6: {  	[smem:$0x7FF] =	sst s3;
	s28 =	smul.u32 $0x4F000, s0;
	s31 =	sshll.u32 s0, $0x6  }
0x7: {  	s4 =	sor.u32 s6, s26;
	_ =	strace $0x8000004D;
	s9 =	smul.u32 $0x27800, s6  }
0x8: {  	s6 =	ssub.s32 $0x2, s6;
	s7 =	smul.u32 $0x500, s4;
	s4 =	sadd.s32 $0x37C00, s5  }
0x9: {  	s11 =	sadd.s32 s8, s5;
	s29 =	sshrl.u32 s6, $0x1;
	s30 =	sshrl.u32 s28, $0x2  }
0xa: {  	s8 =	sadd.s32 s8, s9;
	s13 =	ssub.s32 s6, s29;
	s14 =	sadd.s32 s30, s2  }
0xb: {  	s6 =	sor.u32 $0x1C02, s31;
	s10 =	sadd.s32 s7, s5;
	s12 =	sadd.s32 s8, s5  }
0xc: {  	s5 =	sadd.s32 $0x10400, s11;
	s11 =	sshrl.u32 s14, $0x3;
	s14 =	simm.s32 $0x80  }
0xd: {  	s7 =	sadd.s32 $0x87400, s10;
	s8 =	sadd.s32 $0x6400, s10;
	s9 =	sadd.s32 $0x91400, s12  }
0xe: {  	s10 =	smax.u32 s13, $0x1;
	s12 =	simm.s32 $0x2;
	s13 =	simm.s32 $0x2800  }
.LBB2_1:
0xf: {  	[spmem:s11], [sflag:s6] =	dma.local [hbm:s5], $0x2780  }
0x10: {  	_ =	swait.ge [sflag:s12], $0x2780  }
0x11: {  	[sflag:s12] =	ssyncset.done $0x0  }
0x12: {  	[sflag:s12] =	ssyncadd.s32 $0xFFFFD880  }
0x13: {  	[tilespmem:s3], [sflag:$0x2] =	stream.linear.gather [hbm4b:s7+s3], $0x2780, $0x38;
	[tilespmem:$0x1CC00] =	vst v63  }
0x14: {  	_ =	swait.ge [sflag:s12], $0x2780  }
0x15: {  	[sflag:s12] =	ssyncset.done $0x0  }
0x16: {  	[sflag:s12] =	ssyncadd.s32 $0xFFFFD880  }
0x17: {  	[tilespmem:s13], [sflag:$0x2] =	stream.linear.gather [hbm4b:s8+s3], $0x2780, $0x38;
	[tilespmem:$0x1CC00] =	vst v63  }
0x18: {  	_ =	swait.ge [sflag:s12], $0x2780  }
0x19: {  	[sflag:s12] =	ssyncset.done $0x0  }
0x1a: {  	[sflag:s12] =	ssyncadd.s32 $0xFFFFD880  }
0x1b: {  	s18 =	simm.s32 $0x0;
	[bflag:$0x0] =	sbarrier.arrive $0xFFFF  }
0x1c: {  	[tilespmem:s15], [sflag:$0x1] =	stream.indirect.gather [hbm4b:s4+s14], $0x80, s18, s14, $0xb8;
	[tilespmem:$0x1CC00] =	vst v63  }
0x1d: {  	_ =	swait.ge [sflag:s16], $0x4000  }
0x1e: {  	[sflag:s16] =	ssyncset.done $0x0  }
0x1f: {  	s31 =	simm.s32 $0x2800;
	[sflag:s16] =	ssyncadd.s32 $0xFFFFC000  }
0x20: {  	[spmem:s2] =	stream.indirect.scatter.add.f32 [tilespmem:s15], [sflag:$0x2], $0x80, s31, s14, $0xb8;
	[tilespmem:$0x1CC00] =	vst v63  }
0x21: {  	_ =	swait.ge [sflag:s12], $0x4000  }
0x22: {  	s19 =	simm.s32 $0x400;
	s18 =	simm.s32 $0x200;
	[sflag:s12] =	ssyncset.done $0x0  }
.LBB2_2:
0x23: {  	s20 =	sshra.s32 s18, $0x2  }
0x24: {  	[sflag:s12] =	ssyncadd.s32 $0xFFFFC000;
	s18 =	smov.u32 s19;
	s21 =	sadd.s32 $0x200, s19  }
0x25: {  	[tilespmem:s15], [sflag:$0x1] =	stream.indirect.gather [hbm4b:s4+s14], $0x80, s20, s14, $0xb8;
	[tilespmem:$0x1CC00] =	vst v63  }
0x26: {  	p0 =	sne.s32 s19, $0x9C00;
	_ =	swait.ge [sflag:s16], $0x4000  }
.Ltmp0:
0x27: {  	[sflag:s16] =	ssyncset.done $0x0;
	(pc) =	sbr.rel @p0 .LBB2_2-.Ltmp0, $4  }
0x28: {  	s19 =	sadd.s32 $0x2800, s20;
	[sflag:s16] =	ssyncadd.s32 $0xFFFFC000  }
0x29: {  	[spmem:s2] =	stream.indirect.scatter.add.f32 [tilespmem:s15], [sflag:$0x2], $0x80, s19, s14, $0xb8;
	[tilespmem:$0x1CC00] =	vst v63  }
0x2a: {  	_ =	swait.ge [sflag:s12], $0x4000  }
0x2b: {  	s19 =	smov.u32 s21;
	[sflag:s12] =	ssyncset.done $0x0  }
0x2c: {  	s18 =	sshra.s32 s18, $0x2;
	[sflag:s12] =	ssyncadd.s32 $0xFFFFC000  }
0x2d: {  	[tilespmem:s15], [sflag:$0x1] =	stream.indirect.gather [hbm4b:s4+s14], $0x80, s18, s14, $0xb8;
	[tilespmem:$0x1CC00] =	vst v63  }
0x2e: {  	_ =	swait.ge [sflag:s16], $0x4000  }
0x2f: {  	[sflag:s16] =	ssyncset.done $0x0  }
0x30: {  	s18 =	sadd.s32 $0x2800, s18;
	[sflag:s16] =	ssyncadd.s32 $0xFFFFC000  }
0x31: {  	[spmem:s2] =	stream.indirect.scatter.add.f32 [tilespmem:s15], [sflag:$0x2], $0x80, s18, s14, $0xb8;
	[tilespmem:$0x1CC00] =	vst v63  }
0x32: {  	_ =	swait.ge [sflag:s12], $0x4000  }
0x33: {  	s17 =	sadd.s32 $0x1, s17;
	[sflag:s12] =	ssyncset.done $0x0  }
0x34: {  	p0 =	sne.s32 s17, s10;
	[sflag:s12] =	ssyncadd.s32 $0xFFFFC000  }
.Ltmp1:
0x35: {  	[bflag:$0x0] =	sbarrier.arrive $0xFFFF;
	(pc) =	sbr.rel @p0 .LBB2_1-.Ltmp1, $4  }
0x36: {  	[hbm:s9], [sflag:s6] =	dma.local [spmem:s11], $0x2780  }
0x37: {  	_ =	swait.ge [sflag:s12], $0x2780  }
0x38: {  	[sflag:s12] =	ssyncset.done $0x0  }
0x39: {  	[sflag:s12] =	ssyncadd.s32 $0xFFFFD880  }
0x3a: {  	_ =	sfence.sel $0x180000  }
0x3b: {  	[bflag:$0x0] =	sbarrier.arrive $0xFFFF  }
0x3c: {  	p0 =	sne.s32 s0, $0x0;
	_ =	strace $0x9000004D  }
0x3d: {  	s0 =	sadd.s32 @!p0 $0x100000, s1;
	[bflag:$0x2] =	sbarrier.arrive $0xFFFF  }
0x3e: {  	[sflag:s0] =	ssyncadd.tile.s32 @!p0 $0x1;
	_ =	shalt  }
.Lfunc_end2:
_tile_overlayer_lowered:
.L_overlay_start_2:
0x3f: {  	(tag) =	ssettag $0x2  }
0x40: {  	s0 =	rddreg [dreg:$0x0];
	s2 =	stileid.u32  }
0x41: {  	s1 =	rddreg [dreg:$0x1];
	p0 =	sne.s32 s2, $0x0  }
0x42: {  	s3 =	rddreg [dreg:$0x2];
	[bflag:$0x3] =	sbarrier.arrive $0xFFFF;
	s2 =	simm.s32 @!p0 $0x1C02  }
0x43: {  	[timem:s3], [sflag:s2] =	dma.local @!p0 [hbm:s0], s1  }
0x44: {  	s0 =	simm.s32 @!p0 $0x2  }
0x45: {  	_ =	swait.ge @!p0 [sflag:s0], s1  }
0x46: {  	s1 =	ssub.s32 @!p0 $0x0, s1;
	[sflag:s0] =	ssyncset.done @!p0 $0x0  }
0x47: {  	[sflag:s0] =	ssyncadd.s32 @!p0 s1  }
0x48: {  	[bflag:$0x3] =	sbarrier.arrive $0xFFFF  }
0x49: {  	_ =	shalt  }

// kernel: kernel.25.cloned.1.call-start
scs
__scs_entry_jumppad:
0x0: {  	(pc) =	sbr.rel $0x88, $3  }
0x1: {  	(tag) =	ssettag $0x0;
	lr =	simm.s32 $0x1  }
0x2: {  	[smem:$0x3F88] =	sst lr;
	_ =	strace $0xD0000000  }
0x3: {  	_ = 	snop  }
0x4: {  	_ = 	snop  }
0x5: {  	_ = 	snop  }
0x6: {  	_ = 	snop  }
0x7: {  	_ = 	snop  }
__scs_overlays_trampoline_lowered:
0x8: {  	[smem:$0x3F97] =	sst s0  }
0x9: {  	[smem:$0x3F98] =	sst s1  }
0xa: {  	[smem:$0x3F99] =	sst s2  }
0xb: {  	[smem:$0x3F9A] =	sst s3  }
0xc: {  	[smem:$0x3F9B] =	sst s4  }
0xd: {  	[smem:$0x3F9C] =	sst s5  }
0xe: {  	[smem:$0x3F9D] =	sst s6  }
0xf: {  	[smem:$0x3F9E] =	sst s7  }
0x10: {  	[smem:$0x3F9F] =	sst s8  }
0x11: {  	[smem:$0x3FA0] =	sst s9;
	s0 =	simm.s32 @!p0 $0x0  }
0x12: {  	s1 =	sld [smem:$0x3F86];
	s0 =	simm.s32 @p0 $0x1  }
0x13: {  	[smem:$0x3FA1] =	sst s0;
	s0 =	simm.s32 @!p1 $0x0  }
0x14: {  	s2 =	sld [smem:$0x3F85];
	s0 =	simm.s32 @p1 $0x1  }
0x15: {  	[smem:$0x3FA2] =	sst s0;
	s0 =	simm.s32 @!p2 $0x0  }
0x16: {  	s3 =	sld [smem:$0x3FDB];
	s0 =	simm.s32 @p2 $0x1  }
0x17: {  	s4 =	simm.s32 $0x1BF5;
	[smem:$0x3FA4] =	sst s0  }
0x18: {  	s0 =	sld [smem:$0x3F87];
	_ =	swait.ge [sflag:s4], $0x0  }
0x19: {  	s7 =	sld [smem:$0x3F88]  }
0x1a: {  	s8 =	sadd.s32 $0xFFFFE003, lr  }
0x1b: {  	s9 =	sadd.s32 $0xFFFFFEF7, lr;
	s5 =	simm.s32 $0xFFFFFFFF;
	p2 =	slt.u32 s8, $0xFFFFF086  }
0x1c: {  	p1 =	slt.u32 s9, $0xF7A;
	s5 =	simm.s32 @!p2 $0x0  }
0x1d: {  	s5 =	simm.s32 @p1 $0x1;
	p0 =	seq.s32 s7, s2  }
0x1e: {  	s7 =	smul.u32 @!p0 $0xF7A, s2;
	p2 =	seq.s32 @!p0 s5, $0x0  }
0x1f: {  	s9 =	smul.u32 $0xF7A, s1;
	s8 =	simm.s32 @!p0 $0x1BF5;
	p2 =	por !p2, p0  }
0x20: {  	[sflag:s8] =	ssyncset.s32 @!p0 $0xFFFFF086;
	s6 =	sadd.s32 @!p0 s3, s7;
	s7 =	simm.s32 @!p0 $0x108  }
0x21: {  	s3 =	sadd.s32 s3, s9;
	s6 =	sadd.s32 @!p0 $0x88, s6;
	s7 =	simm.s32 @p2 $0x1082  }
0x22: {  	[simem:s7], [sflag:s8] =	dma.local @!p0 [hbm:s6], $0xF7A  }
0x23: {  	s9 =	sor.u32 $0xD0000000, s2;
	s6 =	simm.s32 $0x108;
	_ =	swait.ge @!p0 [sflag:s8], $0x0  }
0x24: {  	s3 =	sadd.s32 $0x88, s3;
	s6 =	simm.s32 @!p1 $0x1082;
	[sflag:s4] =	ssyncset.s32 $0xFFFFF086  }
0x25: {  	[simem:s6], [sflag:s4] =	dma.local [hbm:s3], $0xF7A  }
0x26: {  	[smem:$0x3F88] =	sst s1;
	(tag) =	ssettag s2;
	_ =	strace s9  }
0x27: {  	s1 =	sld [smem:$0x3F98]  }
0x28: {  	s2 =	sld [smem:$0x3F99]  }
0x29: {  	s4 =	sld [smem:$0x3F9B]  }
0x2a: {  	p0 =	seq.s32 s5, $0x0;
	s5 =	sld [smem:$0x3F9C]  }
0x2b: {  	s6 =	sld [smem:$0x3F9D]  }
0x2c: {  	s7 =	sld [smem:$0x3F9E]  }
0x2d: {  	s3 =	simm.s32 $0x108;
	s8 =	sld [smem:$0x3F9F]  }
0x2e: {  	s3 =	simm.s32 @!p0 $0x1082;
	s9 =	sld [smem:$0x3FA0]  }
0x2f: {  	lr =	sadd.s32 s0, s3;
	s0 =	sld [smem:$0x3F97]  }
0x30: {  	s3 =	sld [smem:$0x3F9A]  }
0x31: {  	[smem:$0x3FA3] =	sst s10  }
0x32: {  	s10 =	sld [smem:$0x3FA1];
	_ =	sdelay $0x3  }
0x33: {  	p0 =	seq.s32 s10, $0x1;
	s10 =	sld [smem:$0x3FA3];
	_ =	sdelay $0x3  }
0x34: {  	[smem:$0x3FA3] =	sst s10  }
0x35: {  	s10 =	sld [smem:$0x3FA2];
	_ =	sdelay $0x3  }
0x36: {  	p1 =	seq.s32 s10, $0x1;
	s10 =	sld [smem:$0x3FA3];
	_ =	sdelay $0x3  }
0x37: {  	[smem:$0x3FA3] =	sst s10  }
0x38: {  	s10 =	sld [smem:$0x3FA4]  }
0x39: {  	_ = 	snop;
	(pc) =	sbr.ind lr, $3  }
0x3a: {  	_ = 	snop  }
0x3b: {  	_ = 	snop  }
0x3c: {  	p2 =	seq.s32 s10, $0x1;
	s10 =	sld [smem:$0x3FA3]  }
0x3d: {  	_ =	shalt  }
0x3e: {  	_ =	shalt  }
0x3f: {  	_ =	shalt  }
0x40: {  	_ =	shalt  }
0x41: {  	_ =	shalt  }
0x42: {  	_ =	shalt  }
0x43: {  	_ =	shalt  }
0x44: {  	_ =	shalt  }
0x45: {  	_ =	shalt  }
0x46: {  	_ =	shalt  }
0x47: {  	_ =	shalt  }
0x48: {  	_ =	shalt  }
0x49: {  	_ =	shalt  }
0x4a: {  	_ =	shalt  }
0x4b: {  	_ =	shalt  }
0x4c: {  	_ =	shalt  }
0x4d: {  	_ =	shalt  }
0x4e: {  	_ =	shalt  }
0x4f: {  	_ =	shalt  }
0x50: {  	_ =	shalt  }
0x51: {  	_ =	shalt  }
0x52: {  	_ =	shalt  }
0x53: {  	_ =	shalt  }
0x54: {  	_ =	shalt  }
0x55: {  	_ =	shalt  }
0x56: {  	_ =	shalt  }
0x57: {  	_ =	shalt  }
0x58: {  	_ =	shalt  }
0x59: {  	_ =	shalt  }
0x5a: {  	_ =	shalt  }
0x5b: {  	_ =	shalt  }
0x5c: {  	_ =	shalt  }
0x5d: {  	_ =	shalt  }
0x5e: {  	_ =	shalt  }
0x5f: {  	_ =	shalt  }
0x60: {  	_ =	shalt  }
0x61: {  	_ =	shalt  }
0x62: {  	_ =	shalt  }
0x63: {  	_ =	shalt  }
0x64: {  	_ =	shalt  }
0x65: {  	_ =	shalt  }
0x66: {  	_ =	shalt  }
0x67: {  	_ =	shalt  }
0x68: {  	_ =	shalt  }
0x69: {  	_ =	shalt  }
0x6a: {  	_ =	shalt  }
0x6b: {  	_ =	shalt  }
0x6c: {  	_ =	shalt  }
0x6d: {  	_ =	shalt  }
0x6e: {  	_ =	shalt  }
0x6f: {  	_ =	shalt  }
0x70: {  	_ =	shalt  }
0x71: {  	_ =	shalt  }
0x72: {  	_ =	shalt  }
0x73: {  	_ =	shalt  }
0x74: {  	_ =	shalt  }
0x75: {  	_ =	shalt  }
0x76: {  	_ =	shalt  }
0x77: {  	_ =	shalt  }
0x78: {  	_ =	shalt  }
0x79: {  	_ =	shalt  }
0x7a: {  	_ =	shalt  }
0x7b: {  	_ =	shalt  }
0x7c: {  	_ =	shalt  }
0x7d: {  	_ =	shalt  }
0x7e: {  	_ =	shalt  }
0x7f: {  	_ =	shalt  }
0x80: {  	_ =	shalt  }
0x81: {  	_ =	shalt  }
0x82: {  	_ =	shalt  }
0x83: {  	_ =	shalt  }
0x84: {  	_ =	shalt  }
0x85: {  	_ =	shalt  }
0x86: {  	_ =	shalt  }
0x87: {  	_ =	shalt  }
.Lfunc_end0:
.L_simem_size_0:
called_computation.3_lowered:
.L_overlay_start_0:
0x88: {  	s2 =	sld [smem:$0x3FD9]  }
0x89: {  	s3 =	sld [smem:$0x3FFE];
	_ =	sdelay $0x1  }
0x8a: {  	s1 =	srdreg.scid  }
0x8b: {  	s0 =	sand.u32 $0x1, s1  }
0x8c: {  	s16 =	sshll.u32 s0, $0xA;
	s2 =	sadd.s32 s3, s2  }
0x8d: {  	s2 =	sadd.s32 s2, s16  }
0x8e: {  	[smem:$0x3FAF] =	sst s2  }
0x8f: {  	_ = 	snop  }
0x90: {  	(tm) =	ssettm $0x1  }
0x91: {  	s17 =	sld [smem:$0x3FFB];
	_ =	sdelay $0x3  }
0x92: {  	_ =	strace s17  }
0x93: {  	s2 =	sld [smem:$0x3FFC];
	_ =	sdelay $0x3  }
0x94: {  	_ =	strace s2  }
0x95: {  	s2 =	sld [smem:$0x3FFD];
	_ =	sdelay $0x3  }
0x96: {  	_ =	strace s2  }
0x97: {  	_ =	strace $0x8FFFFFFF  }
0x98: {  	s18 =	sld [smem:$0x3FDB];
	_ =	sdelay $0x1  }
0x99: {  	s19 =	simm.s32 $_scs_section_size  }
0x9a: {  	s4 =	simm.s32 $_size__tile_overlayer_lowered;
	s5 =	simm.s32 $_tile_overlayer_lowered  }
0x9b: {  	s22 =	simm.s32 $0x1BFF;
	s21 =	sshll.u32 s5, $0x1;
	s2 =	sadd.s32 s19, s18  }
0x9c: {  	s6 =	simm.s32 $0x0;
	s20 =	sshll.u32 s4, $0x1;
	s4 =	sadd.s32 s21, s2  }
0x9d: {  	[timem:s6], [sflag:s22] =	dma.local [hbm:s4], s20  }
0x9e: {  	_ =	swait.ge [sflag:s22], s20  }
0x9f: {  	s3 =	ssub.s32 $0x0, s20;
	[sflag:s22] =	ssyncset.done $0x0  }
0xa0: {  	[sflag:s22] =	ssyncadd.s32 s3;
	_ =	sdelay $0x1  }
0xa1: {  	s23 =	simm.s32 $0x1B8B  }
0xa2: {  	_ =	swait.ge [sflag:s23], $0x1  }
0xa3: {  	[sflag:s23] =	ssyncset.done $0x0  }
0xa4: {  	s25 =	simm.s32 $0x1B8E;
	s24 =	sld [smem:$0x3FFE];
	[sflag:s23] =	ssyncadd.s32 $0xFFFFFFFF  }
0xa5: {  	s26 =	simm.s32 $execute0_lowered;
	[smem:$0x3FD2] =	sst s25  }
0xa6: {  	s4 =	sshll.u32 s26, $0x1;
	_ =	strace $0x8000004F;
	[dreg:$0x1] =	wrdreg $0xFFFFFFFF  }
0xa7: {  	s28 =	simm.s32 $_size_execute0_lowered;
	s2 =	sadd.s32 s2, s4;
	[dreg:$0x0] =	wrdreg $0x0  }
0xa8: {  	s4 =	sshll.u32 s28, $0x1;
	[dreg:$0x2] =	wrdreg s2  }
0xa9: {  	[dreg:$0x3] =	wrdreg s4  }
0xaa: {  	[dreg:$0x4] =	wrdreg $0xC0  }
0xab: {  	_ =	task [dreg:s6], $0x5FFFF  }
0xac: {  	[dreg:$0x1] =	wrdreg $0xFFFFFFFF  }
0xad: {  	[dreg:$0x0] =	wrdreg $0x60  }
0xae: {  	[dreg:$0x2] =	wrdreg s24  }
0xaf: {  	[dreg:$0x3] =	wrdreg $0x90000  }
0xb0: {  	[dreg:$0x4] =	wrdreg $0x9  }
0xb1: {  	_ =	task.clear_ibuf [dreg:s6], $0x5FFFF;
	_ =	strace $0x9000004F  }
0xb2: {  	s29 =	simm.s32 $0x9;
	_ =	strace $0x80000051  }
0xb3: {  	_ =	swait.ge [sflag:s29], $0x1  }
0xb4: {  	[sflag:s29] =	ssyncadd.s32 $0xFFFFFFFF  }
0xb5: {  	_ =	strace $0x90000051  }
0xb6: {  	_ =	sfence  }
0xb7: {  	s30 =	sld [smem:$0x0];
	_ =	sdelay $0x2  }
0xb8: {  	s31 =	sshll.u32 s1, $0xD;
	s1 =	sshrl.u32 s1, $0x2  }
0xb9: {  	s3 =	sand.u32 $0x4000, s31;
	s1 =	sadd.s32 s1, s30  }
0xba: {  	s0 =	sor.u32 s3, s0;
	s1 =	sshll.u32 s1, $0x11  }
0xbb: {  	s0 =	sor.u32 s1, s0  }
0xbc: {  	s0 =	sadd.s32 $0x8F2B, s0  }
0xbd: {  	[sflag:s0] =	ssyncadd.remote.s32 $0x1  }
0xbe: {  	_ =	sfence.sel $0xFFFF  }
0xbf: {  	[dreg:$0x0] =	wrdreg $0xFFFFFFFF;
	(pc) =	sbr.abs _section_cstart, $3  }
0xc0: {  	[dreg:$0x1] =	wrdreg $0xFFFFFFFF  }
0xc1: {  	_ =	task.clear_ibuf [dreg:s6], $0x2FFFF;
	_ =	strace $0x9FFFFFFF  }
0xc2: {  	(tm) =	ssettm $0x7FFFFFFF  }
0xc3: {  	_ =	shalt  }
tec
execute0_lowered:
.L_overlay_start_1:
0x0: {  	(tag) =	ssettag $0x1  }
0x1: {  	s1 =	srdreg.scid  }
0x2: {  	s0 =	stileid.u32;
	s5 =	rddreg [dreg:$0x0]  }
0x3: {  	s2 =	rddreg [dreg:$0x1];
	s3 =	simm.s32 $0x0;
	s15 =	simm.s32 $0x5000  }
0x4: {  	s16 =	simm.s32 $0x1;
	s17 =	simm.s32 $0x0;
	s6 =	sand.u32 $0x1, s1  }
0x5: {  	s26 =	sshll.u32 s0, $0x1;
	s1 =	rddreg [dreg:$0x2];
	s8 =	smul.u32 $0x2780, s0  }
0x6: {  	[smem:$0x7FF] =	sst s3;
	s28 =	smul.u32 $0x4F000, s0;
	s31 =	sshll.u32 s0, $0x6  }
0x7: {  	s4 =	sor.u32 s6, s26;
	_ =	strace $0x80000050;
	s9 =	smul.u32 $0x27800, s6  }
0x8: {  	s6 =	ssub.s32 $0x2, s6;
	s7 =	smul.u32 $0x500, s4;
	s4 =	sadd.s32 $0x37C00, s5  }
0x9: {  	s11 =	sadd.s32 s8, s5;
	s29 =	sshrl.u32 s6, $0x1;
	s30 =	sshrl.u32 s28, $0x2  }
0xa: {  	s8 =	sadd.s32 s8, s9;
	s13 =	ssub.s32 s6, s29;
	s14 =	sadd.s32 s30, s2  }
0xb: {  	s6 =	sor.u32 $0x1C02, s31;
	s10 =	sadd.s32 s7, s5;
	s12 =	sadd.s32 s8, s5  }
0xc: {  	s5 =	sadd.s32 $0x10400, s11;
	s11 =	sshrl.u32 s14, $0x3;
	s14 =	simm.s32 $0x80  }
0xd: {  	s7 =	sadd.s32 $0x87400, s10;
	s8 =	sadd.s32 $0x6400, s10;
	s9 =	sadd.s32 $0x91400, s12  }
0xe: {  	s10 =	smax.u32 s13, $0x1;
	s12 =	simm.s32 $0x2;
	s13 =	simm.s32 $0x2800  }
.LBB2_1:
0xf: {  	[spmem:s11], [sflag:s6] =	dma.local [hbm:s5], $0x2780  }
0x10: {  	_ =	swait.ge [sflag:s12], $0x2780  }
0x11: {  	[sflag:s12] =	ssyncset.done $0x0  }
0x12: {  	[sflag:s12] =	ssyncadd.s32 $0xFFFFD880  }
0x13: {  	[tilespmem:s3], [sflag:$0x2] =	stream.linear.gather [hbm4b:s7+s3], $0x2780, $0x38;
	[tilespmem:$0x1CC00] =	vst v63  }
0x14: {  	_ =	swait.ge [sflag:s12], $0x2780  }
0x15: {  	[sflag:s12] =	ssyncset.done $0x0  }
0x16: {  	[sflag:s12] =	ssyncadd.s32 $0xFFFFD880  }
0x17: {  	[tilespmem:s13], [sflag:$0x2] =	stream.linear.gather [hbm4b:s8+s3], $0x2780, $0x38;
	[tilespmem:$0x1CC00] =	vst v63  }
0x18: {  	_ =	swait.ge [sflag:s12], $0x2780  }
0x19: {  	[sflag:s12] =	ssyncset.done $0x0  }
0x1a: {  	[sflag:s12] =	ssyncadd.s32 $0xFFFFD880  }
0x1b: {  	s18 =	simm.s32 $0x0;
	[bflag:$0x0] =	sbarrier.arrive $0xFFFF  }
0x1c: {  	[tilespmem:s15], [sflag:$0x1] =	stream.indirect.gather [hbm4b:s4+s14], $0x80, s18, s14, $0xb8;
	[tilespmem:$0x1CC00] =	vst v63  }
0x1d: {  	_ =	swait.ge [sflag:s16], $0x4000  }
0x1e: {  	[sflag:s16] =	ssyncset.done $0x0  }
0x1f: {  	s31 =	simm.s32 $0x2800;
	[sflag:s16] =	ssyncadd.s32 $0xFFFFC000  }
0x20: {  	[spmem:s2] =	stream.indirect.scatter.add.f32 [tilespmem:s15], [sflag:$0x2], $0x80, s31, s14, $0xb8;
	[tilespmem:$0x1CC00] =	vst v63  }
0x21: {  	_ =	swait.ge [sflag:s12], $0x4000  }
0x22: {  	s19 =	simm.s32 $0x400;
	s18 =	simm.s32 $0x200;
	[sflag:s12] =	ssyncset.done $0x0  }
.LBB2_2:
0x23: {  	s20 =	sshra.s32 s18, $0x2  }
0x24: {  	[sflag:s12] =	ssyncadd.s32 $0xFFFFC000;
	s18 =	smov.u32 s19;
	s21 =	sadd.s32 $0x200, s19  }
0x25: {  	[tilespmem:s15], [sflag:$0x1] =	stream.indirect.gather [hbm4b:s4+s14], $0x80, s20, s14, $0xb8;
	[tilespmem:$0x1CC00] =	vst v63  }
0x26: {  	p0 =	sne.s32 s19, $0x9C00;
	_ =	swait.ge [sflag:s16], $0x4000  }
.Ltmp0:
0x27: {  	[sflag:s16] =	ssyncset.done $0x0;
	(pc) =	sbr.rel @p0 .LBB2_2-.Ltmp0, $4  }
0x28: {  	s19 =	sadd.s32 $0x2800, s20;
	[sflag:s16] =	ssyncadd.s32 $0xFFFFC000  }
0x29: {  	[spmem:s2] =	stream.indirect.scatter.add.f32 [tilespmem:s15], [sflag:$0x2], $0x80, s19, s14, $0xb8;
	[tilespmem:$0x1CC00] =	vst v63  }
0x2a: {  	_ =	swait.ge [sflag:s12], $0x4000  }
0x2b: {  	s19 =	smov.u32 s21;
	[sflag:s12] =	ssyncset.done $0x0  }
0x2c: {  	s18 =	sshra.s32 s18, $0x2;
	[sflag:s12] =	ssyncadd.s32 $0xFFFFC000  }
0x2d: {  	[tilespmem:s15], [sflag:$0x1] =	stream.indirect.gather [hbm4b:s4+s14], $0x80, s18, s14, $0xb8;
	[tilespmem:$0x1CC00] =	vst v63  }
0x2e: {  	_ =	swait.ge [sflag:s16], $0x4000  }
0x2f: {  	[sflag:s16] =	ssyncset.done $0x0  }
0x30: {  	s18 =	sadd.s32 $0x2800, s18;
	[sflag:s16] =	ssyncadd.s32 $0xFFFFC000  }
0x31: {  	[spmem:s2] =	stream.indirect.scatter.add.f32 [tilespmem:s15], [sflag:$0x2], $0x80, s18, s14, $0xb8;
	[tilespmem:$0x1CC00] =	vst v63  }
0x32: {  	_ =	swait.ge [sflag:s12], $0x4000  }
0x33: {  	s17 =	sadd.s32 $0x1, s17;
	[sflag:s12] =	ssyncset.done $0x0  }
0x34: {  	p0 =	sne.s32 s17, s10;
	[sflag:s12] =	ssyncadd.s32 $0xFFFFC000  }
.Ltmp1:
0x35: {  	[bflag:$0x0] =	sbarrier.arrive $0xFFFF;
	(pc) =	sbr.rel @p0 .LBB2_1-.Ltmp1, $4  }
0x36: {  	[hbm:s9], [sflag:s6] =	dma.local [spmem:s11], $0x2780  }
0x37: {  	_ =	swait.ge [sflag:s12], $0x2780  }
0x38: {  	[sflag:s12] =	ssyncset.done $0x0  }
0x39: {  	[sflag:s12] =	ssyncadd.s32 $0xFFFFD880  }
0x3a: {  	_ =	sfence.sel $0x180000  }
0x3b: {  	[bflag:$0x0] =	sbarrier.arrive $0xFFFF  }
0x3c: {  	p0 =	sne.s32 s0, $0x0;
	_ =	strace $0x90000050  }
0x3d: {  	s0 =	sadd.s32 @!p0 $0x100000, s1;
	[bflag:$0x2] =	sbarrier.arrive $0xFFFF  }
0x3e: {  	[sflag:s0] =	ssyncadd.tile.s32 @!p0 $0x1;
	_ =	shalt  }
.Lfunc_end2:
_tile_overlayer_lowered:
.L_overlay_start_2:
0x3f: {  	(tag) =	ssettag $0x2  }
0x40: {  	s0 =	rddreg [dreg:$0x0];
	s2 =	stileid.u32  }
0x41: {  	s1 =	rddreg [dreg:$0x1];
	p0 =	sne.s32 s2, $0x0  }
0x42: {  	s3 =	rddreg [dreg:$0x2];
	[bflag:$0x3] =	sbarrier.arrive $0xFFFF;
	s2 =	simm.s32 @!p0 $0x1C02  }
0x43: {  	[timem:s3], [sflag:s2] =	dma.local @!p0 [hbm:s0], s1  }
0x44: {  	s0 =	simm.s32 @!p0 $0x2  }
0x45: {  	_ =	swait.ge @!p0 [sflag:s0], s1  }
0x46: {  	s1 =	ssub.s32 @!p0 $0x0, s1;
	[sflag:s0] =	ssyncset.done @!p0 $0x0  }
0x47: {  	[sflag:s0] =	ssyncadd.s32 @!p0 s1  }
0x48: {  	[bflag:$0x3] =	sbarrier.arrive $0xFFFF  }
0x49: {  	_ =	shalt  }

// kernel: kernel.28.cloned.1.call-start
scs
__scs_entry_jumppad:
0x0: {  	(pc) =	sbr.rel $0x88, $3  }
0x1: {  	(tag) =	ssettag $0x0;
	lr =	simm.s32 $0x1  }
0x2: {  	[smem:$0x3F88] =	sst lr;
	_ =	strace $0xD0000000  }
0x3: {  	_ = 	snop  }
0x4: {  	_ = 	snop  }
0x5: {  	_ = 	snop  }
0x6: {  	_ = 	snop  }
0x7: {  	_ = 	snop  }
__scs_overlays_trampoline_lowered:
0x8: {  	[smem:$0x3F97] =	sst s0  }
0x9: {  	[smem:$0x3F98] =	sst s1  }
0xa: {  	[smem:$0x3F99] =	sst s2  }
0xb: {  	[smem:$0x3F9A] =	sst s3  }
0xc: {  	[smem:$0x3F9B] =	sst s4  }
0xd: {  	[smem:$0x3F9C] =	sst s5  }
0xe: {  	[smem:$0x3F9D] =	sst s6  }
0xf: {  	[smem:$0x3F9E] =	sst s7  }
0x10: {  	[smem:$0x3F9F] =	sst s8  }
0x11: {  	[smem:$0x3FA0] =	sst s9;
	s0 =	simm.s32 @!p0 $0x0  }
0x12: {  	s1 =	sld [smem:$0x3F86];
	s0 =	simm.s32 @p0 $0x1  }
0x13: {  	[smem:$0x3FA1] =	sst s0;
	s0 =	simm.s32 @!p1 $0x0  }
0x14: {  	s2 =	sld [smem:$0x3F85];
	s0 =	simm.s32 @p1 $0x1  }
0x15: {  	[smem:$0x3FA2] =	sst s0;
	s0 =	simm.s32 @!p2 $0x0  }
0x16: {  	s3 =	sld [smem:$0x3FDB];
	s0 =	simm.s32 @p2 $0x1  }
0x17: {  	s4 =	simm.s32 $0x1BF5;
	[smem:$0x3FA4] =	sst s0  }
0x18: {  	s0 =	sld [smem:$0x3F87];
	_ =	swait.ge [sflag:s4], $0x0  }
0x19: {  	s7 =	sld [smem:$0x3F88]  }
0x1a: {  	s8 =	sadd.s32 $0xFFFFE003, lr  }
0x1b: {  	s9 =	sadd.s32 $0xFFFFFEF7, lr;
	s5 =	simm.s32 $0xFFFFFFFF;
	p2 =	slt.u32 s8, $0xFFFFF086  }
0x1c: {  	p1 =	slt.u32 s9, $0xF7A;
	s5 =	simm.s32 @!p2 $0x0  }
0x1d: {  	s5 =	simm.s32 @p1 $0x1;
	p0 =	seq.s32 s7, s2  }
0x1e: {  	s7 =	smul.u32 @!p0 $0xF7A, s2;
	p2 =	seq.s32 @!p0 s5, $0x0  }
0x1f: {  	s9 =	smul.u32 $0xF7A, s1;
	s8 =	simm.s32 @!p0 $0x1BF5;
	p2 =	por !p2, p0  }
0x20: {  	[sflag:s8] =	ssyncset.s32 @!p0 $0xFFFFF086;
	s6 =	sadd.s32 @!p0 s3, s7;
	s7 =	simm.s32 @!p0 $0x108  }
0x21: {  	s3 =	sadd.s32 s3, s9;
	s6 =	sadd.s32 @!p0 $0x88, s6;
	s7 =	simm.s32 @p2 $0x1082  }
0x22: {  	[simem:s7], [sflag:s8] =	dma.local @!p0 [hbm:s6], $0xF7A  }
0x23: {  	s9 =	sor.u32 $0xD0000000, s2;
	s6 =	simm.s32 $0x108;
	_ =	swait.ge @!p0 [sflag:s8], $0x0  }
0x24: {  	s3 =	sadd.s32 $0x88, s3;
	s6 =	simm.s32 @!p1 $0x1082;
	[sflag:s4] =	ssyncset.s32 $0xFFFFF086  }
0x25: {  	[simem:s6], [sflag:s4] =	dma.local [hbm:s3], $0xF7A  }
0x26: {  	[smem:$0x3F88] =	sst s1;
	(tag) =	ssettag s2;
	_ =	strace s9  }
0x27: {  	s1 =	sld [smem:$0x3F98]  }
0x28: {  	s2 =	sld [smem:$0x3F99]  }
0x29: {  	s4 =	sld [smem:$0x3F9B]  }
0x2a: {  	p0 =	seq.s32 s5, $0x0;
	s5 =	sld [smem:$0x3F9C]  }
0x2b: {  	s6 =	sld [smem:$0x3F9D]  }
0x2c: {  	s7 =	sld [smem:$0x3F9E]  }
0x2d: {  	s3 =	simm.s32 $0x108;
	s8 =	sld [smem:$0x3F9F]  }
0x2e: {  	s3 =	simm.s32 @!p0 $0x1082;
	s9 =	sld [smem:$0x3FA0]  }
0x2f: {  	lr =	sadd.s32 s0, s3;
	s0 =	sld [smem:$0x3F97]  }
0x30: {  	s3 =	sld [smem:$0x3F9A]  }
0x31: {  	[smem:$0x3FA3] =	sst s10  }
0x32: {  	s10 =	sld [smem:$0x3FA1];
	_ =	sdelay $0x3  }
0x33: {  	p0 =	seq.s32 s10, $0x1;
	s10 =	sld [smem:$0x3FA3];
	_ =	sdelay $0x3  }
0x34: {  	[smem:$0x3FA3] =	sst s10  }
0x35: {  	s10 =	sld [smem:$0x3FA2];
	_ =	sdelay $0x3  }
0x36: {  	p1 =	seq.s32 s10, $0x1;
	s10 =	sld [smem:$0x3FA3];
	_ =	sdelay $0x3  }
0x37: {  	[smem:$0x3FA3] =	sst s10  }
0x38: {  	s10 =	sld [smem:$0x3FA4]  }
0x39: {  	_ = 	snop;
	(pc) =	sbr.ind lr, $3  }
0x3a: {  	_ = 	snop  }
0x3b: {  	_ = 	snop  }
0x3c: {  	p2 =	seq.s32 s10, $0x1;
	s10 =	sld [smem:$0x3FA3]  }
0x3d: {  	_ =	shalt  }
0x3e: {  	_ =	shalt  }
0x3f: {  	_ =	shalt  }
0x40: {  	_ =	shalt  }
0x41: {  	_ =	shalt  }
0x42: {  	_ =	shalt  }
0x43: {  	_ =	shalt  }
0x44: {  	_ =	shalt  }
0x45: {  	_ =	shalt  }
0x46: {  	_ =	shalt  }
0x47: {  	_ =	shalt  }
0x48: {  	_ =	shalt  }
0x49: {  	_ =	shalt  }
0x4a: {  	_ =	shalt  }
0x4b: {  	_ =	shalt  }
0x4c: {  	_ =	shalt  }
0x4d: {  	_ =	shalt  }
0x4e: {  	_ =	shalt  }
0x4f: {  	_ =	shalt  }
0x50: {  	_ =	shalt  }
0x51: {  	_ =	shalt  }
0x52: {  	_ =	shalt  }
0x53: {  	_ =	shalt  }
0x54: {  	_ =	shalt  }
0x55: {  	_ =	shalt  }
0x56: {  	_ =	shalt  }
0x57: {  	_ =	shalt  }
0x58: {  	_ =	shalt  }
0x59: {  	_ =	shalt  }
0x5a: {  	_ =	shalt  }
0x5b: {  	_ =	shalt  }
0x5c: {  	_ =	shalt  }
0x5d: {  	_ =	shalt  }
0x5e: {  	_ =	shalt  }
0x5f: {  	_ =	shalt  }
0x60: {  	_ =	shalt  }
0x61: {  	_ =	shalt  }
0x62: {  	_ =	shalt  }
0x63: {  	_ =	shalt  }
0x64: {  	_ =	shalt  }
0x65: {  	_ =	shalt  }
0x66: {  	_ =	shalt  }
0x67: {  	_ =	shalt  }
0x68: {  	_ =	shalt  }
0x69: {  	_ =	shalt  }
0x6a: {  	_ =	shalt  }
0x6b: {  	_ =	shalt  }
0x6c: {  	_ =	shalt  }
0x6d: {  	_ =	shalt  }
0x6e: {  	_ =	shalt  }
0x6f: {  	_ =	shalt  }
0x70: {  	_ =	shalt  }
0x71: {  	_ =	shalt  }
0x72: {  	_ =	shalt  }
0x73: {  	_ =	shalt  }
0x74: {  	_ =	shalt  }
0x75: {  	_ =	shalt  }
0x76: {  	_ =	shalt  }
0x77: {  	_ =	shalt  }
0x78: {  	_ =	shalt  }
0x79: {  	_ =	shalt  }
0x7a: {  	_ =	shalt  }
0x7b: {  	_ =	shalt  }
0x7c: {  	_ =	shalt  }
0x7d: {  	_ =	shalt  }
0x7e: {  	_ =	shalt  }
0x7f: {  	_ =	shalt  }
0x80: {  	_ =	shalt  }
0x81: {  	_ =	shalt  }
0x82: {  	_ =	shalt  }
0x83: {  	_ =	shalt  }
0x84: {  	_ =	shalt  }
0x85: {  	_ =	shalt  }
0x86: {  	_ =	shalt  }
0x87: {  	_ =	shalt  }
.Lfunc_end0:
.L_simem_size_0:
called_computation.4_lowered:
.L_overlay_start_0:
0x88: {  	s2 =	sld [smem:$0x3FD9]  }
0x89: {  	s3 =	sld [smem:$0x3FFE];
	_ =	sdelay $0x1  }
0x8a: {  	s1 =	srdreg.scid  }
0x8b: {  	s0 =	sand.u32 $0x1, s1  }
0x8c: {  	s16 =	sshll.u32 s0, $0xA;
	s2 =	sadd.s32 s3, s2  }
0x8d: {  	s2 =	sadd.s32 s2, s16  }
0x8e: {  	[smem:$0x3FAF] =	sst s2  }
0x8f: {  	_ = 	snop  }
0x90: {  	(tm) =	ssettm $0x1  }
0x91: {  	s17 =	sld [smem:$0x3FFB];
	_ =	sdelay $0x3  }
0x92: {  	_ =	strace s17  }
0x93: {  	s2 =	sld [smem:$0x3FFC];
	_ =	sdelay $0x3  }
0x94: {  	_ =	strace s2  }
0x95: {  	s2 =	sld [smem:$0x3FFD];
	_ =	sdelay $0x3  }
0x96: {  	_ =	strace s2  }
0x97: {  	_ =	strace $0x8FFFFFFF  }
0x98: {  	s18 =	sld [smem:$0x3FDB];
	_ =	sdelay $0x1  }
0x99: {  	s19 =	simm.s32 $_scs_section_size  }
0x9a: {  	s4 =	simm.s32 $_size__tile_overlayer_lowered;
	s5 =	simm.s32 $_tile_overlayer_lowered  }
0x9b: {  	s22 =	simm.s32 $0x1BFF;
	s21 =	sshll.u32 s5, $0x1;
	s2 =	sadd.s32 s19, s18  }
0x9c: {  	s6 =	simm.s32 $0x0;
	s20 =	sshll.u32 s4, $0x1;
	s4 =	sadd.s32 s21, s2  }
0x9d: {  	[timem:s6], [sflag:s22] =	dma.local [hbm:s4], s20  }
0x9e: {  	_ =	swait.ge [sflag:s22], s20  }
0x9f: {  	s3 =	ssub.s32 $0x0, s20;
	[sflag:s22] =	ssyncset.done $0x0  }
0xa0: {  	[sflag:s22] =	ssyncadd.s32 s3;
	_ =	sdelay $0x1  }
0xa1: {  	s23 =	simm.s32 $0x1B8B  }
0xa2: {  	_ =	swait.ge [sflag:s23], $0x1  }
0xa3: {  	[sflag:s23] =	ssyncset.done $0x0  }
0xa4: {  	s25 =	simm.s32 $0x1B8E;
	s24 =	sld [smem:$0x3FFE];
	[sflag:s23] =	ssyncadd.s32 $0xFFFFFFFF  }
0xa5: {  	s26 =	simm.s32 $execute0_lowered;
	[smem:$0x3FD2] =	sst s25  }
0xa6: {  	s4 =	sshll.u32 s26, $0x1;
	_ =	strace $0x80000052;
	[dreg:$0x1] =	wrdreg $0xFFFFFFFF  }
0xa7: {  	s28 =	simm.s32 $_size_execute0_lowered;
	s2 =	sadd.s32 s2, s4;
	[dreg:$0x0] =	wrdreg $0x0  }
0xa8: {  	s4 =	sshll.u32 s28, $0x1;
	[dreg:$0x2] =	wrdreg s2  }
0xa9: {  	[dreg:$0x3] =	wrdreg s4  }
0xaa: {  	[dreg:$0x4] =	wrdreg $0xC0  }
0xab: {  	_ =	task [dreg:s6], $0x5FFFF  }
0xac: {  	[dreg:$0x1] =	wrdreg $0xFFFFFFFF  }
0xad: {  	[dreg:$0x0] =	wrdreg $0x60  }
0xae: {  	[dreg:$0x2] =	wrdreg s24  }
0xaf: {  	[dreg:$0x3] =	wrdreg $0x90000  }
0xb0: {  	[dreg:$0x4] =	wrdreg $0x9  }
0xb1: {  	_ =	task.clear_ibuf [dreg:s6], $0x5FFFF;
	_ =	strace $0x90000052  }
0xb2: {  	s29 =	simm.s32 $0x9;
	_ =	strace $0x80000054  }
0xb3: {  	_ =	swait.ge [sflag:s29], $0x1  }
0xb4: {  	[sflag:s29] =	ssyncadd.s32 $0xFFFFFFFF  }
0xb5: {  	_ =	strace $0x90000054  }
0xb6: {  	_ =	sfence  }
0xb7: {  	s30 =	sld [smem:$0x0];
	_ =	sdelay $0x2  }
0xb8: {  	s31 =	sshll.u32 s1, $0xD;
	s1 =	sshrl.u32 s1, $0x2  }
0xb9: {  	s3 =	sand.u32 $0x4000, s31;
	s1 =	sadd.s32 s1, s30  }
0xba: {  	s0 =	sor.u32 s3, s0;
	s1 =	sshll.u32 s1, $0x11  }
0xbb: {  	s0 =	sor.u32 s1, s0  }
0xbc: {  	s0 =	sadd.s32 $0x8F2B, s0  }
0xbd: {  	[sflag:s0] =	ssyncadd.remote.s32 $0x1  }
0xbe: {  	_ =	sfence.sel $0xFFFF  }
0xbf: {  	[dreg:$0x0] =	wrdreg $0xFFFFFFFF;
	(pc) =	sbr.abs _section_cstart, $3  }
0xc0: {  	[dreg:$0x1] =	wrdreg $0xFFFFFFFF  }
0xc1: {  	_ =	task.clear_ibuf [dreg:s6], $0x2FFFF;
	_ =	strace $0x9FFFFFFF  }
0xc2: {  	(tm) =	ssettm $0x7FFFFFFF  }
0xc3: {  	_ =	shalt  }
tec
execute0_lowered:
.L_overlay_start_1:
0x0: {  	(tag) =	ssettag $0x1  }
0x1: {  	s1 =	srdreg.scid  }
0x2: {  	s0 =	stileid.u32;
	s5 =	rddreg [dreg:$0x0]  }
0x3: {  	s2 =	rddreg [dreg:$0x1];
	s3 =	simm.s32 $0x0;
	s15 =	simm.s32 $0x5000  }
0x4: {  	s16 =	simm.s32 $0x1;
	s17 =	simm.s32 $0x0;
	s6 =	sand.u32 $0x1, s1  }
0x5: {  	s26 =	sshll.u32 s0, $0x1;
	s1 =	rddreg [dreg:$0x2];
	s8 =	smul.u32 $0x2780, s0  }
0x6: {  	[smem:$0x7FF] =	sst s3;
	s28 =	smul.u32 $0x4F000, s0;
	s31 =	sshll.u32 s0, $0x6  }
0x7: {  	s4 =	sor.u32 s6, s26;
	_ =	strace $0x80000053;
	s9 =	smul.u32 $0x27800, s6  }
0x8: {  	s6 =	ssub.s32 $0x2, s6;
	s7 =	smul.u32 $0x500, s4;
	s4 =	sadd.s32 $0x37C00, s5  }
0x9: {  	s11 =	sadd.s32 s8, s5;
	s29 =	sshrl.u32 s6, $0x1;
	s30 =	sshrl.u32 s28, $0x2  }
0xa: {  	s8 =	sadd.s32 s8, s9;
	s13 =	ssub.s32 s6, s29;
	s14 =	sadd.s32 s30, s2  }
0xb: {  	s6 =	sor.u32 $0x1C02, s31;
	s10 =	sadd.s32 s7, s5;
	s12 =	sadd.s32 s8, s5  }
0xc: {  	s5 =	sadd.s32 $0x10400, s11;
	s11 =	sshrl.u32 s14, $0x3;
	s14 =	simm.s32 $0x80  }
0xd: {  	s7 =	sadd.s32 $0x87400, s10;
	s8 =	sadd.s32 $0x6400, s10;
	s9 =	sadd.s32 $0x91400, s12  }
0xe: {  	s10 =	smax.u32 s13, $0x1;
	s12 =	simm.s32 $0x2;
	s13 =	simm.s32 $0x2800  }
.LBB2_1:
0xf: {  	[spmem:s11], [sflag:s6] =	dma.local [hbm:s5], $0x2780  }
0x10: {  	_ =	swait.ge [sflag:s12], $0x2780  }
0x11: {  	[sflag:s12] =	ssyncset.done $0x0  }
0x12: {  	[sflag:s12] =	ssyncadd.s32 $0xFFFFD880  }
0x13: {  	[tilespmem:s3], [sflag:$0x2] =	stream.linear.gather [hbm4b:s7+s3], $0x2780, $0x38;
	[tilespmem:$0x1CC00] =	vst v63  }
0x14: {  	_ =	swait.ge [sflag:s12], $0x2780  }
0x15: {  	[sflag:s12] =	ssyncset.done $0x0  }
0x16: {  	[sflag:s12] =	ssyncadd.s32 $0xFFFFD880  }
0x17: {  	[tilespmem:s13], [sflag:$0x2] =	stream.linear.gather [hbm4b:s8+s3], $0x2780, $0x38;
	[tilespmem:$0x1CC00] =	vst v63  }
0x18: {  	_ =	swait.ge [sflag:s12], $0x2780  }
0x19: {  	[sflag:s12] =	ssyncset.done $0x0  }
0x1a: {  	[sflag:s12] =	ssyncadd.s32 $0xFFFFD880  }
0x1b: {  	s18 =	simm.s32 $0x0;
	[bflag:$0x0] =	sbarrier.arrive $0xFFFF  }
0x1c: {  	[tilespmem:s15], [sflag:$0x1] =	stream.indirect.gather [hbm4b:s4+s14], $0x80, s18, s14, $0xb8;
	[tilespmem:$0x1CC00] =	vst v63  }
0x1d: {  	_ =	swait.ge [sflag:s16], $0x4000  }
0x1e: {  	[sflag:s16] =	ssyncset.done $0x0  }
0x1f: {  	s31 =	simm.s32 $0x2800;
	[sflag:s16] =	ssyncadd.s32 $0xFFFFC000  }
0x20: {  	[spmem:s2] =	stream.indirect.scatter.add.f32 [tilespmem:s15], [sflag:$0x2], $0x80, s31, s14, $0xb8;
	[tilespmem:$0x1CC00] =	vst v63  }
0x21: {  	_ =	swait.ge [sflag:s12], $0x4000  }
0x22: {  	s19 =	simm.s32 $0x400;
	s18 =	simm.s32 $0x200;
	[sflag:s12] =	ssyncset.done $0x0  }
.LBB2_2:
0x23: {  	s20 =	sshra.s32 s18, $0x2  }
0x24: {  	[sflag:s12] =	ssyncadd.s32 $0xFFFFC000;
	s18 =	smov.u32 s19;
	s21 =	sadd.s32 $0x200, s19  }
0x25: {  	[tilespmem:s15], [sflag:$0x1] =	stream.indirect.gather [hbm4b:s4+s14], $0x80, s20, s14, $0xb8;
	[tilespmem:$0x1CC00] =	vst v63  }
0x26: {  	p0 =	sne.s32 s19, $0x9C00;
	_ =	swait.ge [sflag:s16], $0x4000  }
.Ltmp0:
0x27: {  	[sflag:s16] =	ssyncset.done $0x0;
	(pc) =	sbr.rel @p0 .LBB2_2-.Ltmp0, $4  }
0x28: {  	s19 =	sadd.s32 $0x2800, s20;
	[sflag:s16] =	ssyncadd.s32 $0xFFFFC000  }
0x29: {  	[spmem:s2] =	stream.indirect.scatter.add.f32 [tilespmem:s15], [sflag:$0x2], $0x80, s19, s14, $0xb8;
	[tilespmem:$0x1CC00] =	vst v63  }
0x2a: {  	_ =	swait.ge [sflag:s12], $0x4000  }
0x2b: {  	s19 =	smov.u32 s21;
	[sflag:s12] =	ssyncset.done $0x0  }
0x2c: {  	s18 =	sshra.s32 s18, $0x2;
	[sflag:s12] =	ssyncadd.s32 $0xFFFFC000  }
0x2d: {  	[tilespmem:s15], [sflag:$0x1] =	stream.indirect.gather [hbm4b:s4+s14], $0x80, s18, s14, $0xb8;
	[tilespmem:$0x1CC00] =	vst v63  }
0x2e: {  	_ =	swait.ge [sflag:s16], $0x4000  }
0x2f: {  	[sflag:s16] =	ssyncset.done $0x0  }
0x30: {  	s18 =	sadd.s32 $0x2800, s18;
	[sflag:s16] =	ssyncadd.s32 $0xFFFFC000  }
0x31: {  	[spmem:s2] =	stream.indirect.scatter.add.f32 [tilespmem:s15], [sflag:$0x2], $0x80, s18, s14, $0xb8;
	[tilespmem:$0x1CC00] =	vst v63  }
0x32: {  	_ =	swait.ge [sflag:s12], $0x4000  }
0x33: {  	s17 =	sadd.s32 $0x1, s17;
	[sflag:s12] =	ssyncset.done $0x0  }
0x34: {  	p0 =	sne.s32 s17, s10;
	[sflag:s12] =	ssyncadd.s32 $0xFFFFC000  }
.Ltmp1:
0x35: {  	[bflag:$0x0] =	sbarrier.arrive $0xFFFF;
	(pc) =	sbr.rel @p0 .LBB2_1-.Ltmp1, $4  }
0x36: {  	[hbm:s9], [sflag:s6] =	dma.local [spmem:s11], $0x2780  }
0x37: {  	_ =	swait.ge [sflag:s12], $0x2780  }
0x38: {  	[sflag:s12] =	ssyncset.done $0x0  }
0x39: {  	[sflag:s12] =	ssyncadd.s32 $0xFFFFD880  }
0x3a: {  	_ =	sfence.sel $0x180000  }
0x3b: {  	[bflag:$0x0] =	sbarrier.arrive $0xFFFF  }
0x3c: {  	p0 =	sne.s32 s0, $0x0;
	_ =	strace $0x90000053  }
0x3d: {  	s0 =	sadd.s32 @!p0 $0x100000, s1;
	[bflag:$0x2] =	sbarrier.arrive $0xFFFF  }
0x3e: {  	[sflag:s0] =	ssyncadd.tile.s32 @!p0 $0x1;
	_ =	shalt  }
.Lfunc_end2:
_tile_overlayer_lowered:
.L_overlay_start_2:
0x3f: {  	(tag) =	ssettag $0x2  }
0x40: {  	s0 =	rddreg [dreg:$0x0];
	s2 =	stileid.u32  }
0x41: {  	s1 =	rddreg [dreg:$0x1];
	p0 =	sne.s32 s2, $0x0  }
0x42: {  	s3 =	rddreg [dreg:$0x2];
	[bflag:$0x3] =	sbarrier.arrive $0xFFFF;
	s2 =	simm.s32 @!p0 $0x1C02  }
0x43: {  	[timem:s3], [sflag:s2] =	dma.local @!p0 [hbm:s0], s1  }
0x44: {  	s0 =	simm.s32 @!p0 $0x2  }
0x45: {  	_ =	swait.ge @!p0 [sflag:s0], s1  }
0x46: {  	s1 =	ssub.s32 @!p0 $0x0, s1;
	[sflag:s0] =	ssyncset.done @!p0 $0x0  }
0x47: {  	[sflag:s0] =	ssyncadd.s32 @!p0 s1  }
0x48: {  	[bflag:$0x3] =	sbarrier.arrive $0xFFFF  }
0x49: {  	_ =	shalt  }

// kernel: kernel.31.cloned.1.call-start
scs
__scs_entry_jumppad:
0x0: {  	(pc) =	sbr.rel $0x88, $3  }
0x1: {  	(tag) =	ssettag $0x0;
	lr =	simm.s32 $0x1  }
0x2: {  	[smem:$0x3F88] =	sst lr;
	_ =	strace $0xD0000000  }
0x3: {  	_ = 	snop  }
0x4: {  	_ = 	snop  }
0x5: {  	_ = 	snop  }
0x6: {  	_ = 	snop  }
0x7: {  	_ = 	snop  }
__scs_overlays_trampoline_lowered:
0x8: {  	[smem:$0x3F97] =	sst s0  }
0x9: {  	[smem:$0x3F98] =	sst s1  }
0xa: {  	[smem:$0x3F99] =	sst s2  }
0xb: {  	[smem:$0x3F9A] =	sst s3  }
0xc: {  	[smem:$0x3F9B] =	sst s4  }
0xd: {  	[smem:$0x3F9C] =	sst s5  }
0xe: {  	[smem:$0x3F9D] =	sst s6  }
0xf: {  	[smem:$0x3F9E] =	sst s7  }
0x10: {  	[smem:$0x3F9F] =	sst s8  }
0x11: {  	[smem:$0x3FA0] =	sst s9;
	s0 =	simm.s32 @!p0 $0x0  }
0x12: {  	s1 =	sld [smem:$0x3F86];
	s0 =	simm.s32 @p0 $0x1  }
0x13: {  	[smem:$0x3FA1] =	sst s0;
	s0 =	simm.s32 @!p1 $0x0  }
0x14: {  	s2 =	sld [smem:$0x3F85];
	s0 =	simm.s32 @p1 $0x1  }
0x15: {  	[smem:$0x3FA2] =	sst s0;
	s0 =	simm.s32 @!p2 $0x0  }
0x16: {  	s3 =	sld [smem:$0x3FDB];
	s0 =	simm.s32 @p2 $0x1  }
0x17: {  	s4 =	simm.s32 $0x1BF5;
	[smem:$0x3FA4] =	sst s0  }
0x18: {  	s0 =	sld [smem:$0x3F87];
	_ =	swait.ge [sflag:s4], $0x0  }
0x19: {  	s7 =	sld [smem:$0x3F88]  }
0x1a: {  	s8 =	sadd.s32 $0xFFFFE003, lr  }
0x1b: {  	s9 =	sadd.s32 $0xFFFFFEF7, lr;
	s5 =	simm.s32 $0xFFFFFFFF;
	p2 =	slt.u32 s8, $0xFFFFF086  }
0x1c: {  	p1 =	slt.u32 s9, $0xF7A;
	s5 =	simm.s32 @!p2 $0x0  }
0x1d: {  	s5 =	simm.s32 @p1 $0x1;
	p0 =	seq.s32 s7, s2  }
0x1e: {  	s7 =	smul.u32 @!p0 $0xF7A, s2;
	p2 =	seq.s32 @!p0 s5, $0x0  }
0x1f: {  	s9 =	smul.u32 $0xF7A, s1;
	s8 =	simm.s32 @!p0 $0x1BF5;
	p2 =	por !p2, p0  }
0x20: {  	[sflag:s8] =	ssyncset.s32 @!p0 $0xFFFFF086;
	s6 =	sadd.s32 @!p0 s3, s7;
	s7 =	simm.s32 @!p0 $0x108  }
0x21: {  	s3 =	sadd.s32 s3, s9;
	s6 =	sadd.s32 @!p0 $0x88, s6;
	s7 =	simm.s32 @p2 $0x1082  }
0x22: {  	[simem:s7], [sflag:s8] =	dma.local @!p0 [hbm:s6], $0xF7A  }
0x23: {  	s9 =	sor.u32 $0xD0000000, s2;
	s6 =	simm.s32 $0x108;
	_ =	swait.ge @!p0 [sflag:s8], $0x0  }
0x24: {  	s3 =	sadd.s32 $0x88, s3;
	s6 =	simm.s32 @!p1 $0x1082;
	[sflag:s4] =	ssyncset.s32 $0xFFFFF086  }
0x25: {  	[simem:s6], [sflag:s4] =	dma.local [hbm:s3], $0xF7A  }
0x26: {  	[smem:$0x3F88] =	sst s1;
	(tag) =	ssettag s2;
	_ =	strace s9  }
0x27: {  	s1 =	sld [smem:$0x3F98]  }
0x28: {  	s2 =	sld [smem:$0x3F99]  }
0x29: {  	s4 =	sld [smem:$0x3F9B]  }
0x2a: {  	p0 =	seq.s32 s5, $0x0;
	s5 =	sld [smem:$0x3F9C]  }
0x2b: {  	s6 =	sld [smem:$0x3F9D]  }
0x2c: {  	s7 =	sld [smem:$0x3F9E]  }
0x2d: {  	s3 =	simm.s32 $0x108;
	s8 =	sld [smem:$0x3F9F]  }
0x2e: {  	s3 =	simm.s32 @!p0 $0x1082;
	s9 =	sld [smem:$0x3FA0]  }
0x2f: {  	lr =	sadd.s32 s0, s3;
	s0 =	sld [smem:$0x3F97]  }
0x30: {  	s3 =	sld [smem:$0x3F9A]  }
0x31: {  	[smem:$0x3FA3] =	sst s10  }
0x32: {  	s10 =	sld [smem:$0x3FA1];
	_ =	sdelay $0x3  }
0x33: {  	p0 =	seq.s32 s10, $0x1;
	s10 =	sld [smem:$0x3FA3];
	_ =	sdelay $0x3  }
0x34: {  	[smem:$0x3FA3] =	sst s10  }
0x35: {  	s10 =	sld [smem:$0x3FA2];
	_ =	sdelay $0x3  }
0x36: {  	p1 =	seq.s32 s10, $0x1;
	s10 =	sld [smem:$0x3FA3];
	_ =	sdelay $0x3  }
0x37: {  	[smem:$0x3FA3] =	sst s10  }
0x38: {  	s10 =	sld [smem:$0x3FA4]  }
0x39: {  	_ = 	snop;
	(pc) =	sbr.ind lr, $3  }
0x3a: {  	_ = 	snop  }
0x3b: {  	_ = 	snop  }
0x3c: {  	p2 =	seq.s32 s10, $0x1;
	s10 =	sld [smem:$0x3FA3]  }
0x3d: {  	_ =	shalt  }
0x3e: {  	_ =	shalt  }
0x3f: {  	_ =	shalt  }
0x40: {  	_ =	shalt  }
0x41: {  	_ =	shalt  }
0x42: {  	_ =	shalt  }
0x43: {  	_ =	shalt  }
0x44: {  	_ =	shalt  }
0x45: {  	_ =	shalt  }
0x46: {  	_ =	shalt  }
0x47: {  	_ =	shalt  }
0x48: {  	_ =	shalt  }
0x49: {  	_ =	shalt  }
0x4a: {  	_ =	shalt  }
0x4b: {  	_ =	shalt  }
0x4c: {  	_ =	shalt  }
0x4d: {  	_ =	shalt  }
0x4e: {  	_ =	shalt  }
0x4f: {  	_ =	shalt  }
0x50: {  	_ =	shalt  }
0x51: {  	_ =	shalt  }
0x52: {  	_ =	shalt  }
0x53: {  	_ =	shalt  }
0x54: {  	_ =	shalt  }
0x55: {  	_ =	shalt  }
0x56: {  	_ =	shalt  }
0x57: {  	_ =	shalt  }
0x58: {  	_ =	shalt  }
0x59: {  	_ =	shalt  }
0x5a: {  	_ =	shalt  }
0x5b: {  	_ =	shalt  }
0x5c: {  	_ =	shalt  }
0x5d: {  	_ =	shalt  }
0x5e: {  	_ =	shalt  }
0x5f: {  	_ =	shalt  }
0x60: {  	_ =	shalt  }
0x61: {  	_ =	shalt  }
0x62: {  	_ =	shalt  }
0x63: {  	_ =	shalt  }
0x64: {  	_ =	shalt  }
0x65: {  	_ =	shalt  }
0x66: {  	_ =	shalt  }
0x67: {  	_ =	shalt  }
0x68: {  	_ =	shalt  }
0x69: {  	_ =	shalt  }
0x6a: {  	_ =	shalt  }
0x6b: {  	_ =	shalt  }
0x6c: {  	_ =	shalt  }
0x6d: {  	_ =	shalt  }
0x6e: {  	_ =	shalt  }
0x6f: {  	_ =	shalt  }
0x70: {  	_ =	shalt  }
0x71: {  	_ =	shalt  }
0x72: {  	_ =	shalt  }
0x73: {  	_ =	shalt  }
0x74: {  	_ =	shalt  }
0x75: {  	_ =	shalt  }
0x76: {  	_ =	shalt  }
0x77: {  	_ =	shalt  }
0x78: {  	_ =	shalt  }
0x79: {  	_ =	shalt  }
0x7a: {  	_ =	shalt  }
0x7b: {  	_ =	shalt  }
0x7c: {  	_ =	shalt  }
0x7d: {  	_ =	shalt  }
0x7e: {  	_ =	shalt  }
0x7f: {  	_ =	shalt  }
0x80: {  	_ =	shalt  }
0x81: {  	_ =	shalt  }
0x82: {  	_ =	shalt  }
0x83: {  	_ =	shalt  }
0x84: {  	_ =	shalt  }
0x85: {  	_ =	shalt  }
0x86: {  	_ =	shalt  }
0x87: {  	_ =	shalt  }
.Lfunc_end0:
.L_simem_size_0:
called_computation.5_lowered:
.L_overlay_start_0:
0x88: {  	s2 =	sld [smem:$0x3FD9]  }
0x89: {  	s3 =	sld [smem:$0x3FFE];
	_ =	sdelay $0x1  }
0x8a: {  	s1 =	srdreg.scid  }
0x8b: {  	s0 =	sand.u32 $0x1, s1  }
0x8c: {  	s16 =	sshll.u32 s0, $0xA;
	s2 =	sadd.s32 s3, s2  }
0x8d: {  	s2 =	sadd.s32 s2, s16  }
0x8e: {  	[smem:$0x3FAF] =	sst s2  }
0x8f: {  	_ = 	snop  }
0x90: {  	(tm) =	ssettm $0x1  }
0x91: {  	s17 =	sld [smem:$0x3FFB];
	_ =	sdelay $0x3  }
0x92: {  	_ =	strace s17  }
0x93: {  	s2 =	sld [smem:$0x3FFC];
	_ =	sdelay $0x3  }
0x94: {  	_ =	strace s2  }
0x95: {  	s2 =	sld [smem:$0x3FFD];
	_ =	sdelay $0x3  }
0x96: {  	_ =	strace s2  }
0x97: {  	_ =	strace $0x8FFFFFFF  }
0x98: {  	s18 =	sld [smem:$0x3FDB];
	_ =	sdelay $0x1  }
0x99: {  	s19 =	simm.s32 $_scs_section_size  }
0x9a: {  	s4 =	simm.s32 $_size__tile_overlayer_lowered;
	s5 =	simm.s32 $_tile_overlayer_lowered  }
0x9b: {  	s22 =	simm.s32 $0x1BFF;
	s21 =	sshll.u32 s5, $0x1;
	s2 =	sadd.s32 s19, s18  }
0x9c: {  	s6 =	simm.s32 $0x0;
	s20 =	sshll.u32 s4, $0x1;
	s4 =	sadd.s32 s21, s2  }
0x9d: {  	[timem:s6], [sflag:s22] =	dma.local [hbm:s4], s20  }
0x9e: {  	_ =	swait.ge [sflag:s22], s20  }
0x9f: {  	s3 =	ssub.s32 $0x0, s20;
	[sflag:s22] =	ssyncset.done $0x0  }
0xa0: {  	[sflag:s22] =	ssyncadd.s32 s3;
	_ =	sdelay $0x1  }
0xa1: {  	s23 =	simm.s32 $0x1B8B  }
0xa2: {  	_ =	swait.ge [sflag:s23], $0x1  }
0xa3: {  	[sflag:s23] =	ssyncset.done $0x0  }
0xa4: {  	s25 =	simm.s32 $0x1B8E;
	s24 =	sld [smem:$0x3FFE];
	[sflag:s23] =	ssyncadd.s32 $0xFFFFFFFF  }
0xa5: {  	s26 =	simm.s32 $execute0_lowered;
	[smem:$0x3FD2] =	sst s25  }
0xa6: {  	s4 =	sshll.u32 s26, $0x1;
	_ =	strace $0x80000055;
	[dreg:$0x1] =	wrdreg $0xFFFFFFFF  }
0xa7: {  	s28 =	simm.s32 $_size_execute0_lowered;
	s2 =	sadd.s32 s2, s4;
	[dreg:$0x0] =	wrdreg $0x0  }
0xa8: {  	s4 =	sshll.u32 s28, $0x1;
	[dreg:$0x2] =	wrdreg s2  }
0xa9: {  	[dreg:$0x3] =	wrdreg s4  }
0xaa: {  	[dreg:$0x4] =	wrdreg $0xC0  }
0xab: {  	_ =	task [dreg:s6], $0x5FFFF  }
0xac: {  	[dreg:$0x1] =	wrdreg $0xFFFFFFFF  }
0xad: {  	[dreg:$0x0] =	wrdreg $0x60  }
0xae: {  	[dreg:$0x2] =	wrdreg s24  }
0xaf: {  	[dreg:$0x3] =	wrdreg $0x90000  }
0xb0: {  	[dreg:$0x4] =	wrdreg $0x9  }
0xb1: {  	_ =	task.clear_ibuf [dreg:s6], $0x5FFFF;
	_ =	strace $0x90000055  }
0xb2: {  	s29 =	simm.s32 $0x9;
	_ =	strace $0x80000057  }
0xb3: {  	_ =	swait.ge [sflag:s29], $0x1  }
0xb4: {  	[sflag:s29] =	ssyncadd.s32 $0xFFFFFFFF  }
0xb5: {  	_ =	strace $0x90000057  }
0xb6: {  	_ =	sfence  }
0xb7: {  	s30 =	sld [smem:$0x0];
	_ =	sdelay $0x2  }
0xb8: {  	s31 =	sshll.u32 s1, $0xD;
	s1 =	sshrl.u32 s1, $0x2  }
0xb9: {  	s3 =	sand.u32 $0x4000, s31;
	s1 =	sadd.s32 s1, s30  }
0xba: {  	s0 =	sor.u32 s3, s0;
	s1 =	sshll.u32 s1, $0x11  }
0xbb: {  	s0 =	sor.u32 s1, s0  }
0xbc: {  	s0 =	sadd.s32 $0x8F2B, s0  }
0xbd: {  	[sflag:s0] =	ssyncadd.remote.s32 $0x1  }
0xbe: {  	_ =	sfence.sel $0xFFFF  }
0xbf: {  	[dreg:$0x0] =	wrdreg $0xFFFFFFFF;
	(pc) =	sbr.abs _section_cstart, $3  }
0xc0: {  	[dreg:$0x1] =	wrdreg $0xFFFFFFFF  }
0xc1: {  	_ =	task.clear_ibuf [dreg:s6], $0x2FFFF;
	_ =	strace $0x9FFFFFFF  }
0xc2: {  	(tm) =	ssettm $0x7FFFFFFF  }
0xc3: {  	_ =	shalt  }
tec
execute0_lowered:
.L_overlay_start_1:
0x0: {  	(tag) =	ssettag $0x1  }
0x1: {  	s1 =	srdreg.scid  }
0x2: {  	s0 =	stileid.u32;
	s5 =	rddreg [dreg:$0x0]  }
0x3: {  	s2 =	rddreg [dreg:$0x1];
	s3 =	simm.s32 $0x0;
	s15 =	simm.s32 $0x5000  }
0x4: {  	s16 =	simm.s32 $0x1;
	s17 =	simm.s32 $0x0;
	s6 =	sand.u32 $0x1, s1  }
0x5: {  	s26 =	sshll.u32 s0, $0x1;
	s1 =	rddreg [dreg:$0x2];
	s8 =	smul.u32 $0x2780, s0  }
0x6: {  	[smem:$0x7FF] =	sst s3;
	s28 =	smul.u32 $0x4F000, s0;
	s31 =	sshll.u32 s0, $0x6  }
0x7: {  	s4 =	sor.u32 s6, s26;
	_ =	strace $0x80000056;
	s9 =	smul.u32 $0x27800, s6  }
0x8: {  	s6 =	ssub.s32 $0x2, s6;
	s7 =	smul.u32 $0x500, s4;
	s4 =	sadd.s32 $0x37C00, s5  }
0x9: {  	s11 =	sadd.s32 s8, s5;
	s29 =	sshrl.u32 s6, $0x1;
	s30 =	sshrl.u32 s28, $0x2  }
0xa: {  	s8 =	sadd.s32 s8, s9;
	s13 =	ssub.s32 s6, s29;
	s14 =	sadd.s32 s30, s2  }
0xb: {  	s6 =	sor.u32 $0x1C02, s31;
	s10 =	sadd.s32 s7, s5;
	s12 =	sadd.s32 s8, s5  }
0xc: {  	s5 =	sadd.s32 $0x10400, s11;
	s11 =	sshrl.u32 s14, $0x3;
	s14 =	simm.s32 $0x80  }
0xd: {  	s7 =	sadd.s32 $0x87400, s10;
	s8 =	sadd.s32 $0x6400, s10;
	s9 =	sadd.s32 $0x91400, s12  }
0xe: {  	s10 =	smax.u32 s13, $0x1;
	s12 =	simm.s32 $0x2;
	s13 =	simm.s32 $0x2800  }
.LBB2_1:
0xf: {  	[spmem:s11], [sflag:s6] =	dma.local [hbm:s5], $0x2780  }
0x10: {  	_ =	swait.ge [sflag:s12], $0x2780  }
0x11: {  	[sflag:s12] =	ssyncset.done $0x0  }
0x12: {  	[sflag:s12] =	ssyncadd.s32 $0xFFFFD880  }
0x13: {  	[tilespmem:s3], [sflag:$0x2] =	stream.linear.gather [hbm4b:s7+s3], $0x2780, $0x38;
	[tilespmem:$0x1CC00] =	vst v63  }
0x14: {  	_ =	swait.ge [sflag:s12], $0x2780  }
0x15: {  	[sflag:s12] =	ssyncset.done $0x0  }
0x16: {  	[sflag:s12] =	ssyncadd.s32 $0xFFFFD880  }
0x17: {  	[tilespmem:s13], [sflag:$0x2] =	stream.linear.gather [hbm4b:s8+s3], $0x2780, $0x38;
	[tilespmem:$0x1CC00] =	vst v63  }
0x18: {  	_ =	swait.ge [sflag:s12], $0x2780  }
0x19: {  	[sflag:s12] =	ssyncset.done $0x0  }
0x1a: {  	[sflag:s12] =	ssyncadd.s32 $0xFFFFD880  }
0x1b: {  	s18 =	simm.s32 $0x0;
	[bflag:$0x0] =	sbarrier.arrive $0xFFFF  }
0x1c: {  	[tilespmem:s15], [sflag:$0x1] =	stream.indirect.gather [hbm4b:s4+s14], $0x80, s18, s14, $0xb8;
	[tilespmem:$0x1CC00] =	vst v63  }
0x1d: {  	_ =	swait.ge [sflag:s16], $0x4000  }
0x1e: {  	[sflag:s16] =	ssyncset.done $0x0  }
0x1f: {  	s31 =	simm.s32 $0x2800;
	[sflag:s16] =	ssyncadd.s32 $0xFFFFC000  }
0x20: {  	[spmem:s2] =	stream.indirect.scatter.add.f32 [tilespmem:s15], [sflag:$0x2], $0x80, s31, s14, $0xb8;
	[tilespmem:$0x1CC00] =	vst v63  }
0x21: {  	_ =	swait.ge [sflag:s12], $0x4000  }
0x22: {  	s19 =	simm.s32 $0x400;
	s18 =	simm.s32 $0x200;
	[sflag:s12] =	ssyncset.done $0x0  }
.LBB2_2:
0x23: {  	s20 =	sshra.s32 s18, $0x2  }
0x24: {  	[sflag:s12] =	ssyncadd.s32 $0xFFFFC000;
	s18 =	smov.u32 s19;
	s21 =	sadd.s32 $0x200, s19  }
0x25: {  	[tilespmem:s15], [sflag:$0x1] =	stream.indirect.gather [hbm4b:s4+s14], $0x80, s20, s14, $0xb8;
	[tilespmem:$0x1CC00] =	vst v63  }
0x26: {  	p0 =	sne.s32 s19, $0x9C00;
	_ =	swait.ge [sflag:s16], $0x4000  }
.Ltmp0:
0x27: {  	[sflag:s16] =	ssyncset.done $0x0;
	(pc) =	sbr.rel @p0 .LBB2_2-.Ltmp0, $4  }
0x28: {  	s19 =	sadd.s32 $0x2800, s20;
	[sflag:s16] =	ssyncadd.s32 $0xFFFFC000  }
0x29: {  	[spmem:s2] =	stream.indirect.scatter.add.f32 [tilespmem:s15], [sflag:$0x2], $0x80, s19, s14, $0xb8;
	[tilespmem:$0x1CC00] =	vst v63  }
0x2a: {  	_ =	swait.ge [sflag:s12], $0x4000  }
0x2b: {  	s19 =	smov.u32 s21;
	[sflag:s12] =	ssyncset.done $0x0  }
0x2c: {  	s18 =	sshra.s32 s18, $0x2;
	[sflag:s12] =	ssyncadd.s32 $0xFFFFC000  }
0x2d: {  	[tilespmem:s15], [sflag:$0x1] =	stream.indirect.gather [hbm4b:s4+s14], $0x80, s18, s14, $0xb8;
	[tilespmem:$0x1CC00] =	vst v63  }
0x2e: {  	_ =	swait.ge [sflag:s16], $0x4000  }
0x2f: {  	[sflag:s16] =	ssyncset.done $0x0  }
0x30: {  	s18 =	sadd.s32 $0x2800, s18;
	[sflag:s16] =	ssyncadd.s32 $0xFFFFC000  }
0x31: {  	[spmem:s2] =	stream.indirect.scatter.add.f32 [tilespmem:s15], [sflag:$0x2], $0x80, s18, s14, $0xb8;
	[tilespmem:$0x1CC00] =	vst v63  }
0x32: {  	_ =	swait.ge [sflag:s12], $0x4000  }
0x33: {  	s17 =	sadd.s32 $0x1, s17;
	[sflag:s12] =	ssyncset.done $0x0  }
0x34: {  	p0 =	sne.s32 s17, s10;
	[sflag:s12] =	ssyncadd.s32 $0xFFFFC000  }
.Ltmp1:
0x35: {  	[bflag:$0x0] =	sbarrier.arrive $0xFFFF;
	(pc) =	sbr.rel @p0 .LBB2_1-.Ltmp1, $4  }
0x36: {  	[hbm:s9], [sflag:s6] =	dma.local [spmem:s11], $0x2780  }
0x37: {  	_ =	swait.ge [sflag:s12], $0x2780  }
0x38: {  	[sflag:s12] =	ssyncset.done $0x0  }
0x39: {  	[sflag:s12] =	ssyncadd.s32 $0xFFFFD880  }
0x3a: {  	_ =	sfence.sel $0x180000  }
0x3b: {  	[bflag:$0x0] =	sbarrier.arrive $0xFFFF  }
0x3c: {  	p0 =	sne.s32 s0, $0x0;
	_ =	strace $0x90000056  }
0x3d: {  	s0 =	sadd.s32 @!p0 $0x100000, s1;
	[bflag:$0x2] =	sbarrier.arrive $0xFFFF  }
0x3e: {  	[sflag:s0] =	ssyncadd.tile.s32 @!p0 $0x1;
	_ =	shalt  }
.Lfunc_end2:
_tile_overlayer_lowered:
.L_overlay_start_2:
0x3f: {  	(tag) =	ssettag $0x2  }
0x40: {  	s0 =	rddreg [dreg:$0x0];
	s2 =	stileid.u32  }
0x41: {  	s1 =	rddreg [dreg:$0x1];
	p0 =	sne.s32 s2, $0x0  }
0x42: {  	s3 =	rddreg [dreg:$0x2];
	[bflag:$0x3] =	sbarrier.arrive $0xFFFF;
	s2 =	simm.s32 @!p0 $0x1C02  }
0x43: {  	[timem:s3], [sflag:s2] =	dma.local @!p0 [hbm:s0], s1  }
0x44: {  	s0 =	simm.s32 @!p0 $0x2  }
0x45: {  	_ =	swait.ge @!p0 [sflag:s0], s1  }
0x46: {  	s1 =	ssub.s32 @!p0 $0x0, s1;
	[sflag:s0] =	ssyncset.done @!p0 $0x0  }
0x47: {  	[sflag:s0] =	ssyncadd.s32 @!p0 s1  }
0x48: {  	[bflag:$0x3] =	sbarrier.arrive $0xFFFF  }
0x49: {  	_ =	shalt  }

// kernel: kernel.34.cloned.1.call-start
scs
__scs_entry_jumppad:
0x0: {  	(pc) =	sbr.rel $0x88, $3  }
0x1: {  	(tag) =	ssettag $0x0;
	lr =	simm.s32 $0x1  }
0x2: {  	[smem:$0x3F88] =	sst lr;
	_ =	strace $0xD0000000  }
0x3: {  	_ = 	snop  }
0x4: {  	_ = 	snop  }
0x5: {  	_ = 	snop  }
0x6: {  	_ = 	snop  }
0x7: {  	_ = 	snop  }
__scs_overlays_trampoline_lowered:
0x8: {  	[smem:$0x3F97] =	sst s0  }
0x9: {  	[smem:$0x3F98] =	sst s1  }
0xa: {  	[smem:$0x3F99] =	sst s2  }
0xb: {  	[smem:$0x3F9A] =	sst s3  }
0xc: {  	[smem:$0x3F9B] =	sst s4  }
0xd: {  	[smem:$0x3F9C] =	sst s5  }
0xe: {  	[smem:$0x3F9D] =	sst s6  }
0xf: {  	[smem:$0x3F9E] =	sst s7  }
0x10: {  	[smem:$0x3F9F] =	sst s8  }
0x11: {  	[smem:$0x3FA0] =	sst s9;
	s0 =	simm.s32 @!p0 $0x0  }
0x12: {  	s1 =	sld [smem:$0x3F86];
	s0 =	simm.s32 @p0 $0x1  }
0x13: {  	[smem:$0x3FA1] =	sst s0;
	s0 =	simm.s32 @!p1 $0x0  }
0x14: {  	s2 =	sld [smem:$0x3F85];
	s0 =	simm.s32 @p1 $0x1  }
0x15: {  	[smem:$0x3FA2] =	sst s0;
	s0 =	simm.s32 @!p2 $0x0  }
0x16: {  	s3 =	sld [smem:$0x3FDB];
	s0 =	simm.s32 @p2 $0x1  }
0x17: {  	s4 =	simm.s32 $0x1BF5;
	[smem:$0x3FA4] =	sst s0  }
0x18: {  	s0 =	sld [smem:$0x3F87];
	_ =	swait.ge [sflag:s4], $0x0  }
0x19: {  	s7 =	sld [smem:$0x3F88]  }
0x1a: {  	s8 =	sadd.s32 $0xFFFFE003, lr  }
0x1b: {  	s9 =	sadd.s32 $0xFFFFFEF7, lr;
	s5 =	simm.s32 $0xFFFFFFFF;
	p2 =	slt.u32 s8, $0xFFFFF086  }
0x1c: {  	p1 =	slt.u32 s9, $0xF7A;
	s5 =	simm.s32 @!p2 $0x0  }
0x1d: {  	s5 =	simm.s32 @p1 $0x1;
	p0 =	seq.s32 s7, s2  }
0x1e: {  	s7 =	smul.u32 @!p0 $0xF7A, s2;
	p2 =	seq.s32 @!p0 s5, $0x0  }
0x1f: {  	s9 =	smul.u32 $0xF7A, s1;
	s8 =	simm.s32 @!p0 $0x1BF5;
	p2 =	por !p2, p0  }
0x20: {  	[sflag:s8] =	ssyncset.s32 @!p0 $0xFFFFF086;
	s6 =	sadd.s32 @!p0 s3, s7;
	s7 =	simm.s32 @!p0 $0x108  }
0x21: {  	s3 =	sadd.s32 s3, s9;
	s6 =	sadd.s32 @!p0 $0x88, s6;
	s7 =	simm.s32 @p2 $0x1082  }
0x22: {  	[simem:s7], [sflag:s8] =	dma.local @!p0 [hbm:s6], $0xF7A  }
0x23: {  	s9 =	sor.u32 $0xD0000000, s2;
	s6 =	simm.s32 $0x108;
	_ =	swait.ge @!p0 [sflag:s8], $0x0  }
0x24: {  	s3 =	sadd.s32 $0x88, s3;
	s6 =	simm.s32 @!p1 $0x1082;
	[sflag:s4] =	ssyncset.s32 $0xFFFFF086  }
0x25: {  	[simem:s6], [sflag:s4] =	dma.local [hbm:s3], $0xF7A  }
0x26: {  	[smem:$0x3F88] =	sst s1;
	(tag) =	ssettag s2;
	_ =	strace s9  }
0x27: {  	s1 =	sld [smem:$0x3F98]  }
0x28: {  	s2 =	sld [smem:$0x3F99]  }
0x29: {  	s4 =	sld [smem:$0x3F9B]  }
0x2a: {  	p0 =	seq.s32 s5, $0x0;
	s5 =	sld [smem:$0x3F9C]  }
0x2b: {  	s6 =	sld [smem:$0x3F9D]  }
0x2c: {  	s7 =	sld [smem:$0x3F9E]  }
0x2d: {  	s3 =	simm.s32 $0x108;
	s8 =	sld [smem:$0x3F9F]  }
0x2e: {  	s3 =	simm.s32 @!p0 $0x1082;
	s9 =	sld [smem:$0x3FA0]  }
0x2f: {  	lr =	sadd.s32 s0, s3;
	s0 =	sld [smem:$0x3F97]  }
0x30: {  	s3 =	sld [smem:$0x3F9A]  }
0x31: {  	[smem:$0x3FA3] =	sst s10  }
0x32: {  	s10 =	sld [smem:$0x3FA1];
	_ =	sdelay $0x3  }
0x33: {  	p0 =	seq.s32 s10, $0x1;
	s10 =	sld [smem:$0x3FA3];
	_ =	sdelay $0x3  }
0x34: {  	[smem:$0x3FA3] =	sst s10  }
0x35: {  	s10 =	sld [smem:$0x3FA2];
	_ =	sdelay $0x3  }
0x36: {  	p1 =	seq.s32 s10, $0x1;
	s10 =	sld [smem:$0x3FA3];
	_ =	sdelay $0x3  }
0x37: {  	[smem:$0x3FA3] =	sst s10  }
0x38: {  	s10 =	sld [smem:$0x3FA4]  }
0x39: {  	_ = 	snop;
	(pc) =	sbr.ind lr, $3  }
0x3a: {  	_ = 	snop  }
0x3b: {  	_ = 	snop  }
0x3c: {  	p2 =	seq.s32 s10, $0x1;
	s10 =	sld [smem:$0x3FA3]  }
0x3d: {  	_ =	shalt  }
0x3e: {  	_ =	shalt  }
0x3f: {  	_ =	shalt  }
0x40: {  	_ =	shalt  }
0x41: {  	_ =	shalt  }
0x42: {  	_ =	shalt  }
0x43: {  	_ =	shalt  }
0x44: {  	_ =	shalt  }
0x45: {  	_ =	shalt  }
0x46: {  	_ =	shalt  }
0x47: {  	_ =	shalt  }
0x48: {  	_ =	shalt  }
0x49: {  	_ =	shalt  }
0x4a: {  	_ =	shalt  }
0x4b: {  	_ =	shalt  }
0x4c: {  	_ =	shalt  }
0x4d: {  	_ =	shalt  }
0x4e: {  	_ =	shalt  }
0x4f: {  	_ =	shalt  }
0x50: {  	_ =	shalt  }
0x51: {  	_ =	shalt  }
0x52: {  	_ =	shalt  }
0x53: {  	_ =	shalt  }
0x54: {  	_ =	shalt  }
0x55: {  	_ =	shalt  }
0x56: {  	_ =	shalt  }
0x57: {  	_ =	shalt  }
0x58: {  	_ =	shalt  }
0x59: {  	_ =	shalt  }
0x5a: {  	_ =	shalt  }
0x5b: {  	_ =	shalt  }
0x5c: {  	_ =	shalt  }
0x5d: {  	_ =	shalt  }
0x5e: {  	_ =	shalt  }
0x5f: {  	_ =	shalt  }
0x60: {  	_ =	shalt  }
0x61: {  	_ =	shalt  }
0x62: {  	_ =	shalt  }
0x63: {  	_ =	shalt  }
0x64: {  	_ =	shalt  }
0x65: {  	_ =	shalt  }
0x66: {  	_ =	shalt  }
0x67: {  	_ =	shalt  }
0x68: {  	_ =	shalt  }
0x69: {  	_ =	shalt  }
0x6a: {  	_ =	shalt  }
0x6b: {  	_ =	shalt  }
0x6c: {  	_ =	shalt  }
0x6d: {  	_ =	shalt  }
0x6e: {  	_ =	shalt  }
0x6f: {  	_ =	shalt  }
0x70: {  	_ =	shalt  }
0x71: {  	_ =	shalt  }
0x72: {  	_ =	shalt  }
0x73: {  	_ =	shalt  }
0x74: {  	_ =	shalt  }
0x75: {  	_ =	shalt  }
0x76: {  	_ =	shalt  }
0x77: {  	_ =	shalt  }
0x78: {  	_ =	shalt  }
0x79: {  	_ =	shalt  }
0x7a: {  	_ =	shalt  }
0x7b: {  	_ =	shalt  }
0x7c: {  	_ =	shalt  }
0x7d: {  	_ =	shalt  }
0x7e: {  	_ =	shalt  }
0x7f: {  	_ =	shalt  }
0x80: {  	_ =	shalt  }
0x81: {  	_ =	shalt  }
0x82: {  	_ =	shalt  }
0x83: {  	_ =	shalt  }
0x84: {  	_ =	shalt  }
0x85: {  	_ =	shalt  }
0x86: {  	_ =	shalt  }
0x87: {  	_ =	shalt  }
.Lfunc_end0:
.L_simem_size_0:
called_computation.6_lowered:
.L_overlay_start_0:
0x88: {  	s2 =	sld [smem:$0x3FD9]  }
0x89: {  	s3 =	sld [smem:$0x3FFE];
	_ =	sdelay $0x1  }
0x8a: {  	s1 =	srdreg.scid  }
0x8b: {  	s0 =	sand.u32 $0x1, s1  }
0x8c: {  	s16 =	sshll.u32 s0, $0xA;
	s2 =	sadd.s32 s3, s2  }
0x8d: {  	s2 =	sadd.s32 s2, s16  }
0x8e: {  	[smem:$0x3FAF] =	sst s2  }
0x8f: {  	_ = 	snop  }
0x90: {  	(tm) =	ssettm $0x1  }
0x91: {  	s17 =	sld [smem:$0x3FFB];
	_ =	sdelay $0x3  }
0x92: {  	_ =	strace s17  }
0x93: {  	s2 =	sld [smem:$0x3FFC];
	_ =	sdelay $0x3  }
0x94: {  	_ =	strace s2  }
0x95: {  	s2 =	sld [smem:$0x3FFD];
	_ =	sdelay $0x3  }
0x96: {  	_ =	strace s2  }
0x97: {  	_ =	strace $0x8FFFFFFF  }
0x98: {  	s18 =	sld [smem:$0x3FDB];
	_ =	sdelay $0x1  }
0x99: {  	s19 =	simm.s32 $_scs_section_size  }
0x9a: {  	s4 =	simm.s32 $_size__tile_overlayer_lowered;
	s5 =	simm.s32 $_tile_overlayer_lowered  }
0x9b: {  	s22 =	simm.s32 $0x1BFF;
	s21 =	sshll.u32 s5, $0x1;
	s2 =	sadd.s32 s19, s18  }
0x9c: {  	s6 =	simm.s32 $0x0;
	s20 =	sshll.u32 s4, $0x1;
	s4 =	sadd.s32 s21, s2  }
0x9d: {  	[timem:s6], [sflag:s22] =	dma.local [hbm:s4], s20  }
0x9e: {  	_ =	swait.ge [sflag:s22], s20  }
0x9f: {  	s3 =	ssub.s32 $0x0, s20;
	[sflag:s22] =	ssyncset.done $0x0  }
0xa0: {  	[sflag:s22] =	ssyncadd.s32 s3;
	_ =	sdelay $0x1  }
0xa1: {  	s23 =	simm.s32 $0x1B8B  }
0xa2: {  	_ =	swait.ge [sflag:s23], $0x1  }
0xa3: {  	[sflag:s23] =	ssyncset.done $0x0  }
0xa4: {  	s25 =	simm.s32 $0x1B8E;
	s24 =	sld [smem:$0x3FFE];
	[sflag:s23] =	ssyncadd.s32 $0xFFFFFFFF  }
0xa5: {  	s26 =	simm.s32 $execute0_lowered;
	[smem:$0x3FD2] =	sst s25  }
0xa6: {  	s4 =	sshll.u32 s26, $0x1;
	_ =	strace $0x80000058;
	[dreg:$0x1] =	wrdreg $0xFFFFFFFF  }
0xa7: {  	s28 =	simm.s32 $_size_execute0_lowered;
	s2 =	sadd.s32 s2, s4;
	[dreg:$0x0] =	wrdreg $0x0  }
0xa8: {  	s4 =	sshll.u32 s28, $0x1;
	[dreg:$0x2] =	wrdreg s2  }
0xa9: {  	[dreg:$0x3] =	wrdreg s4  }
0xaa: {  	[dreg:$0x4] =	wrdreg $0xC0  }
0xab: {  	_ =	task [dreg:s6], $0x5FFFF  }
0xac: {  	[dreg:$0x1] =	wrdreg $0xFFFFFFFF  }
0xad: {  	[dreg:$0x0] =	wrdreg $0x60  }
0xae: {  	[dreg:$0x2] =	wrdreg s24  }
0xaf: {  	[dreg:$0x3] =	wrdreg $0x90000  }
0xb0: {  	[dreg:$0x4] =	wrdreg $0x9  }
0xb1: {  	_ =	task.clear_ibuf [dreg:s6], $0x5FFFF;
	_ =	strace $0x90000058  }
0xb2: {  	s29 =	simm.s32 $0x9;
	_ =	strace $0x8000005A  }
0xb3: {  	_ =	swait.ge [sflag:s29], $0x1  }
0xb4: {  	[sflag:s29] =	ssyncadd.s32 $0xFFFFFFFF  }
0xb5: {  	_ =	strace $0x9000005A  }
0xb6: {  	_ =	sfence  }
0xb7: {  	s30 =	sld [smem:$0x0];
	_ =	sdelay $0x2  }
0xb8: {  	s31 =	sshll.u32 s1, $0xD;
	s1 =	sshrl.u32 s1, $0x2  }
0xb9: {  	s3 =	sand.u32 $0x4000, s31;
	s1 =	sadd.s32 s1, s30  }
0xba: {  	s0 =	sor.u32 s3, s0;
	s1 =	sshll.u32 s1, $0x11  }
0xbb: {  	s0 =	sor.u32 s1, s0  }
0xbc: {  	s0 =	sadd.s32 $0x8F2B, s0  }
0xbd: {  	[sflag:s0] =	ssyncadd.remote.s32 $0x1  }
0xbe: {  	_ =	sfence.sel $0xFFFF  }
0xbf: {  	[dreg:$0x0] =	wrdreg $0xFFFFFFFF;
	(pc) =	sbr.abs _section_cstart, $3  }
0xc0: {  	[dreg:$0x1] =	wrdreg $0xFFFFFFFF  }
0xc1: {  	_ =	task.clear_ibuf [dreg:s6], $0x2FFFF;
	_ =	strace $0x9FFFFFFF  }
0xc2: {  	(tm) =	ssettm $0x7FFFFFFF  }
0xc3: {  	_ =	shalt  }
tec
execute0_lowered:
.L_overlay_start_1:
0x0: {  	(tag) =	ssettag $0x1  }
0x1: {  	s1 =	srdreg.scid  }
0x2: {  	s0 =	stileid.u32;
	s5 =	rddreg [dreg:$0x0]  }
0x3: {  	s2 =	rddreg [dreg:$0x1];
	s3 =	simm.s32 $0x0;
	s15 =	simm.s32 $0x5000  }
0x4: {  	s16 =	simm.s32 $0x1;
	s17 =	simm.s32 $0x0;
	s6 =	sand.u32 $0x1, s1  }
0x5: {  	s26 =	sshll.u32 s0, $0x1;
	s1 =	rddreg [dreg:$0x2];
	s8 =	smul.u32 $0x2780, s0  }
0x6: {  	[smem:$0x7FF] =	sst s3;
	s28 =	smul.u32 $0x4F000, s0;
	s31 =	sshll.u32 s0, $0x6  }
0x7: {  	s4 =	sor.u32 s6, s26;
	_ =	strace $0x80000059;
	s9 =	smul.u32 $0x27800, s6  }
0x8: {  	s6 =	ssub.s32 $0x2, s6;
	s7 =	smul.u32 $0x500, s4;
	s4 =	sadd.s32 $0x37C00, s5  }
0x9: {  	s11 =	sadd.s32 s8, s5;
	s29 =	sshrl.u32 s6, $0x1;
	s30 =	sshrl.u32 s28, $0x2  }
0xa: {  	s8 =	sadd.s32 s8, s9;
	s13 =	ssub.s32 s6, s29;
	s14 =	sadd.s32 s30, s2  }
0xb: {  	s6 =	sor.u32 $0x1C02, s31;
	s10 =	sadd.s32 s7, s5;
	s12 =	sadd.s32 s8, s5  }
0xc: {  	s5 =	sadd.s32 $0x10400, s11;
	s11 =	sshrl.u32 s14, $0x3;
	s14 =	simm.s32 $0x80  }
0xd: {  	s7 =	sadd.s32 $0x87400, s10;
	s8 =	sadd.s32 $0x6400, s10;
	s9 =	sadd.s32 $0x91400, s12  }
0xe: {  	s10 =	smax.u32 s13, $0x1;
	s12 =	simm.s32 $0x2;
	s13 =	simm.s32 $0x2800  }
.LBB2_1:
0xf: {  	[spmem:s11], [sflag:s6] =	dma.local [hbm:s5], $0x2780  }
0x10: {  	_ =	swait.ge [sflag:s12], $0x2780  }
0x11: {  	[sflag:s12] =	ssyncset.done $0x0  }
0x12: {  	[sflag:s12] =	ssyncadd.s32 $0xFFFFD880  }
0x13: {  	[tilespmem:s3], [sflag:$0x2] =	stream.linear.gather [hbm4b:s7+s3], $0x2780, $0x38;
	[tilespmem:$0x1CC00] =	vst v63  }
0x14: {  	_ =	swait.ge [sflag:s12], $0x2780  }
0x15: {  	[sflag:s12] =	ssyncset.done $0x0  }
0x16: {  	[sflag:s12] =	ssyncadd.s32 $0xFFFFD880  }
0x17: {  	[tilespmem:s13], [sflag:$0x2] =	stream.linear.gather [hbm4b:s8+s3], $0x2780, $0x38;
	[tilespmem:$0x1CC00] =	vst v63  }
0x18: {  	_ =	swait.ge [sflag:s12], $0x2780  }
0x19: {  	[sflag:s12] =	ssyncset.done $0x0  }
0x1a: {  	[sflag:s12] =	ssyncadd.s32 $0xFFFFD880  }
0x1b: {  	s18 =	simm.s32 $0x0;
	[bflag:$0x0] =	sbarrier.arrive $0xFFFF  }
0x1c: {  	[tilespmem:s15], [sflag:$0x1] =	stream.indirect.gather [hbm4b:s4+s14], $0x80, s18, s14, $0xb8;
	[tilespmem:$0x1CC00] =	vst v63  }
0x1d: {  	_ =	swait.ge [sflag:s16], $0x4000  }
0x1e: {  	[sflag:s16] =	ssyncset.done $0x0  }
0x1f: {  	s31 =	simm.s32 $0x2800;
	[sflag:s16] =	ssyncadd.s32 $0xFFFFC000  }
0x20: {  	[spmem:s2] =	stream.indirect.scatter.add.f32 [tilespmem:s15], [sflag:$0x2], $0x80, s31, s14, $0xb8;
	[tilespmem:$0x1CC00] =	vst v63  }
0x21: {  	_ =	swait.ge [sflag:s12], $0x4000  }
0x22: {  	s19 =	simm.s32 $0x400;
	s18 =	simm.s32 $0x200;
	[sflag:s12] =	ssyncset.done $0x0  }
.LBB2_2:
0x23: {  	s20 =	sshra.s32 s18, $0x2  }
0x24: {  	[sflag:s12] =	ssyncadd.s32 $0xFFFFC000;
	s18 =	smov.u32 s19;
	s21 =	sadd.s32 $0x200, s19  }
0x25: {  	[tilespmem:s15], [sflag:$0x1] =	stream.indirect.gather [hbm4b:s4+s14], $0x80, s20, s14, $0xb8;
	[tilespmem:$0x1CC00] =	vst v63  }
0x26: {  	p0 =	sne.s32 s19, $0x9C00;
	_ =	swait.ge [sflag:s16], $0x4000  }
.Ltmp0:
0x27: {  	[sflag:s16] =	ssyncset.done $0x0;
	(pc) =	sbr.rel @p0 .LBB2_2-.Ltmp0, $4  }
0x28: {  	s19 =	sadd.s32 $0x2800, s20;
	[sflag:s16] =	ssyncadd.s32 $0xFFFFC000  }
0x29: {  	[spmem:s2] =	stream.indirect.scatter.add.f32 [tilespmem:s15], [sflag:$0x2], $0x80, s19, s14, $0xb8;
	[tilespmem:$0x1CC00] =	vst v63  }
0x2a: {  	_ =	swait.ge [sflag:s12], $0x4000  }
0x2b: {  	s19 =	smov.u32 s21;
	[sflag:s12] =	ssyncset.done $0x0  }
0x2c: {  	s18 =	sshra.s32 s18, $0x2;
	[sflag:s12] =	ssyncadd.s32 $0xFFFFC000  }
0x2d: {  	[tilespmem:s15], [sflag:$0x1] =	stream.indirect.gather [hbm4b:s4+s14], $0x80, s18, s14, $0xb8;
	[tilespmem:$0x1CC00] =	vst v63  }
0x2e: {  	_ =	swait.ge [sflag:s16], $0x4000  }
0x2f: {  	[sflag:s16] =	ssyncset.done $0x0  }
0x30: {  	s18 =	sadd.s32 $0x2800, s18;
	[sflag:s16] =	ssyncadd.s32 $0xFFFFC000  }
0x31: {  	[spmem:s2] =	stream.indirect.scatter.add.f32 [tilespmem:s15], [sflag:$0x2], $0x80, s18, s14, $0xb8;
	[tilespmem:$0x1CC00] =	vst v63  }
0x32: {  	_ =	swait.ge [sflag:s12], $0x4000  }
0x33: {  	s17 =	sadd.s32 $0x1, s17;
	[sflag:s12] =	ssyncset.done $0x0  }
0x34: {  	p0 =	sne.s32 s17, s10;
	[sflag:s12] =	ssyncadd.s32 $0xFFFFC000  }
.Ltmp1:
0x35: {  	[bflag:$0x0] =	sbarrier.arrive $0xFFFF;
	(pc) =	sbr.rel @p0 .LBB2_1-.Ltmp1, $4  }
0x36: {  	[hbm:s9], [sflag:s6] =	dma.local [spmem:s11], $0x2780  }
0x37: {  	_ =	swait.ge [sflag:s12], $0x2780  }
0x38: {  	[sflag:s12] =	ssyncset.done $0x0  }
0x39: {  	[sflag:s12] =	ssyncadd.s32 $0xFFFFD880  }
0x3a: {  	_ =	sfence.sel $0x180000  }
0x3b: {  	[bflag:$0x0] =	sbarrier.arrive $0xFFFF  }
0x3c: {  	p0 =	sne.s32 s0, $0x0;
	_ =	strace $0x90000059  }
0x3d: {  	s0 =	sadd.s32 @!p0 $0x100000, s1;
	[bflag:$0x2] =	sbarrier.arrive $0xFFFF  }
0x3e: {  	[sflag:s0] =	ssyncadd.tile.s32 @!p0 $0x1;
	_ =	shalt  }
.Lfunc_end2:
_tile_overlayer_lowered:
.L_overlay_start_2:
0x3f: {  	(tag) =	ssettag $0x2  }
0x40: {  	s0 =	rddreg [dreg:$0x0];
	s2 =	stileid.u32  }
0x41: {  	s1 =	rddreg [dreg:$0x1];
	p0 =	sne.s32 s2, $0x0  }
0x42: {  	s3 =	rddreg [dreg:$0x2];
	[bflag:$0x3] =	sbarrier.arrive $0xFFFF;
	s2 =	simm.s32 @!p0 $0x1C02  }
0x43: {  	[timem:s3], [sflag:s2] =	dma.local @!p0 [hbm:s0], s1  }
0x44: {  	s0 =	simm.s32 @!p0 $0x2  }
0x45: {  	_ =	swait.ge @!p0 [sflag:s0], s1  }
0x46: {  	s1 =	ssub.s32 @!p0 $0x0, s1;
	[sflag:s0] =	ssyncset.done @!p0 $0x0  }
0x47: {  	[sflag:s0] =	ssyncadd.s32 @!p0 s1  }
0x48: {  	[bflag:$0x3] =	sbarrier.arrive $0xFFFF  }
0x49: {  	_ =	shalt  }

</sc_bundles>
